<compile_context>
chip_gen: v7x
topology: tpu7x:2x2x1
jax: 0.10.2.dev20260603
libtpu: 0.0.44.dev20260713+nightly
codegen_flags: <defaults>
</compile_context>

<pallas_src>
import functools

import jax
import jax.numpy as jnp
from jax import lax
from jax.experimental import pallas as pl
from jax.experimental.pallas import tpu as pltpu
from jax.experimental.pallas import tpu_sc as plsc

N_CLS = 1000
N_CTX = 16
CTX_DIM = 512
PREFIX_LEN = 15
SUFFIX_LEN = 46
SEQ_LEN = PREFIX_LEN + N_CTX + SUFFIX_LEN
LANES = 16
CHUNKS = CTX_DIM // LANES

NUM_WORKERS = 32
ITERS = (N_CLS + NUM_WORKERS - 1) // NUM_WORKERS


def _copy_rows(src_ref, n_rows, dst_ref, dst_base, group=1):

    def _rows(base, rows):
        for k in rows:
            vals = [src_ref[base + k, pl.ds(j * LANES, LANES)] for j in range(CHUNKS)]
            for j in range(CHUNKS):
                dst_ref[dst_base + base + k, pl.ds(j * LANES, LANES)] = vals[j]

    n_grouped = (n_rows // group) * group

    def _grp(g, carry):
        _rows(g * group, range(group))
        return carry

    lax.fori_loop(0, n_rows // group, _grp, None)
    if n_rows % group:
        _rows(n_grouped, range(n_rows % group))


def _build_kernel():
    mesh = plsc.VectorSubcoreMesh(core_axis_name="c", subcore_axis_name="s")

    @functools.partial(
        pl.kernel,
        mesh=mesh,
        out_type=jax.ShapeDtypeStruct((N_CLS, SEQ_LEN, CTX_DIM), jnp.float32),
        scratch_types=[
            pltpu.VMEM((PREFIX_LEN, CTX_DIM), jnp.float32),
            pltpu.VMEM((PREFIX_LEN, CTX_DIM), jnp.float32),
            pltpu.VMEM((SUFFIX_LEN, CTX_DIM), jnp.float32),
            pltpu.VMEM((SUFFIX_LEN, CTX_DIM), jnp.float32),
            pltpu.VMEM((SEQ_LEN, CTX_DIM), jnp.float32),
            pltpu.VMEM((N_CTX, CTX_DIM), jnp.float32),
            pltpu.SemaphoreType.DMA,
            pltpu.SemaphoreType.DMA,
            pltpu.SemaphoreType.DMA,
        ],
    )
    def prompt_concat(
        ctx_hbm,
        pre_hbm,
        suf_hbm,
        out_hbm,
        pbuf0,
        pbuf1,
        sbuf0,
        sbuf1,
        obuf,
        cbuf,
        sem_in0,
        sem_in1,
        sem_out,
    ):
        wid = lax.axis_index("s") * 2 + lax.axis_index("c")
        pbuf = (pbuf0, pbuf1)
        sbuf = (sbuf0, sbuf1)
        sem_in = (sem_in0, sem_in1)

        def cls_of(i):
            return i * NUM_WORKERS + wid

        def valid(i):
            return cls_of(i) < N_CLS

        pltpu.sync_copy(ctx_hbm, cbuf)
        _copy_rows(cbuf, N_CTX, obuf, PREFIX_LEN)

        def start_in(i, b):
            @pl.when((i < ITERS) & valid(i))
            def _():
                c = cls_of(i)
                pltpu.async_copy(pre_hbm.at[c], pbuf[b], sem_in[b])
                pltpu.async_copy(suf_hbm.at[c], sbuf[b], sem_in[b])

        def wait_in(i, b):
            @pl.when(valid(i))
            def _():
                c = cls_of(i)
                pltpu.make_async_copy(pre_hbm.at[c], pbuf[b], sem_in[b]).wait()
                pltpu.make_async_copy(suf_hbm.at[c], sbuf[b], sem_in[b]).wait()

        def wait_out(i):
            @pl.when((i >= 0) & valid(i))
            def _():
                c = cls_of(i)
                pltpu.make_async_copy(obuf, out_hbm.at[c], sem_out).wait()

        start_in(0, 0)

        def body(ii, carry):
            for b in (0, 1):
                i = ii * 2 + b
                start_in(i + 1, 1 - b)
                wait_in(i, b)
                wait_out(i - 1)

                @pl.when(valid(i))
                def _():
                    c = cls_of(i)
                    _copy_rows(pbuf[b], PREFIX_LEN, obuf, 0)
                    _copy_rows(sbuf[b], SUFFIX_LEN, obuf, PREFIX_LEN + N_CTX)
                    pltpu.async_copy(obuf, out_hbm.at[c], sem_out)

            return carry

        lax.fori_loop(0, ITERS // 2, body, None)

        wait_out(ITERS - 1)

    return prompt_concat


_prompt_concat = _build_kernel()


@jax.jit
def kernel(ctx, token_prefix, token_suffix):
    return _prompt_concat(ctx, token_prefix, token_suffix)

# --- scband reference (transcript-rebuilt; emitter-appended) ---
"""Pipeline reference for scband-prompt-learner-54803782697605 (READ-ONLY COPY).

The authoritative reference and input builder live on the scoring server;
editing this copy changes nothing except your own understanding.
"""

import jax, jax.numpy as jnp
import numpy as np

N_CLS = 1000
N_CTX = 16
CTX_DIM = 512
COT_LEN = 14
SEQ_LEN = 77  # CLIP context length
PREFIX_LEN = 1 + COT_LEN  # SOS + CoT prefix tokens
SUFFIX_LEN = SEQ_LEN - PREFIX_LEN - N_CTX


def setup_inputs(seed: int = 0) -> dict:
    key = jax.random.key(seed)
    k1, k2, k3 = jax.random.split(key, 3)
    ctx = jax.random.normal(k1, (N_CTX, CTX_DIM), dtype=jnp.float32) * 0.02
    token_prefix = jax.random.normal(k2, (N_CLS, PREFIX_LEN, CTX_DIM), dtype=jnp.float32)
    token_suffix = jax.random.normal(k3, (N_CLS, SUFFIX_LEN, CTX_DIM), dtype=jnp.float32)
    return {"ctx": ctx, "token_prefix": token_prefix, "token_suffix": token_suffix}


def reference(ctx, token_prefix, token_suffix):
    # Faithful translation of PromptLearner.forward():
    # ctx is 2-D -> unsqueeze(0).expand(n_cls, -1, -1)
    n_cls = token_prefix.shape[0]
    if ctx.ndim == 2:
        ctx_e = jnp.broadcast_to(ctx[None, :, :], (n_cls, ctx.shape[0], ctx.shape[1]))
    else:
        ctx_e = ctx
    prompts = jnp.concatenate([token_prefix, ctx_e, token_suffix], axis=1)
    return prompts

if __name__ == "__main__":
    import jax
    _d = setup_inputs()
    print(jax.jit(kernel)(*tuple(_d.values())))

</pallas_src>

<mosaic_0001>
#map = affine_map<(d0, d1) -> (0, 0)>
#map1 = affine_map<(d0, d1) -> (0, 0, 0)>
module attributes {stable_mosaic.version = 14 : i64} {
  func.func @prompt_concat(%arg0: i32, %arg1: i32, %arg2: memref<16x512xf32, #tpu.memory_space<hbm>>, %arg3: memref<1000x15x512xf32, #tpu.memory_space<hbm>>, %arg4: memref<1000x46x512xf32, #tpu.memory_space<hbm>>, %arg5: memref<1000x77x512xf32, #tpu.memory_space<hbm>>, %arg6: memref<15x512xf32, #tpu.memory_space<vmem>>, %arg7: memref<15x512xf32, #tpu.memory_space<vmem>>, %arg8: memref<46x512xf32, #tpu.memory_space<vmem>>, %arg9: memref<46x512xf32, #tpu.memory_space<vmem>>, %arg10: memref<77x512xf32, #tpu.memory_space<vmem>>, %arg11: memref<16x512xf32, #tpu.memory_space<vmem>>, %arg12: memref<!tpu.dma_semaphore, #tpu.memory_space<semaphore_mem>>, %arg13: memref<!tpu.dma_semaphore, #tpu.memory_space<semaphore_mem>>, %arg14: memref<!tpu.dma_semaphore, #tpu.memory_space<semaphore_mem>>) attributes {dimension_semantics = [#tpu.dimension_semantics<core_parallel>, #tpu.dimension_semantics<subcore_parallel>], iteration_bounds = array<i64: 2, 16>, scalar_prefetch = 0 : i64, scratch_operands = 9 : i64, tpu.core_type = #tpu.core_type<sc_vector_subcore>, window_params = [{transform_indices = #map}, {transform_indices = #map1}, {transform_indices = #map1}, {transform_indices = #map1}]} {
    %mul3A = arith.constant 2 : i32
    %mul3A_0 = arith.muli %arg1, %mul3A : i32
    %add3A = arith.addi %mul3A_0, %arg0 : i32
    "tpu.region"() ({
      %run_scoped3A = tpu.sem_alloc : memref<!tpu.dma_semaphore, #tpu.memory_space<semaphore_mem>>
      tpu.enqueue_dma source(%arg2 : memref<16x512xf32, #tpu.memory_space<hbm>>) target(%arg11 : memref<16x512xf32, #tpu.memory_space<vmem>>) target_semaphore(%run_scoped3A : memref<!tpu.dma_semaphore, #tpu.memory_space<semaphore_mem>>)
      tpu.wait_dma2 semaphore(%run_scoped3A : memref<!tpu.dma_semaphore, #tpu.memory_space<semaphore_mem>>) src(%arg2 : memref<16x512xf32, #tpu.memory_space<hbm>>) dst(%arg11 : memref<16x512xf32, #tpu.memory_space<vmem>>)
      tpu.yield
    }) : () -> ()
    %scan3A = arith.constant 0 : i32
    %scan3A_1 = arith.constant 16 : i32
    %scan3A_2 = arith.addi %scan3A, %scan3A_1 : i32
    %scan3A_3 = arith.constant 1 : i32
    scf.for %scan3A_24 = %scan3A to %scan3A_2 step %scan3A_3  : i32 {
      %mul3A_25 = arith.constant 1 : i32
      %mul3A_26 = arith.muli %scan3A_24, %mul3A_25 : i32
      %add3A_27 = arith.constant 0 : i32
      %add3A_28 = arith.addi %mul3A_26, %add3A_27 : i32
      %get3A = arith.index_cast %add3A_28 : i32 to index
      %get3A_29 = arith.constant 0 : index
      %get3A_30 = tpu.vector_load %arg11[%get3A, %get3A_29] {strides = array<i32>} : memref<16x512xf32, #tpu.memory_space<vmem>>, vector<1x16xf32>,
      %get3A_31 = vector.shape_cast %get3A_30 : vector<1x16xf32> to vector<16xf32>
      %add3A_32 = arith.constant 0 : i32
      %add3A_33 = arith.addi %mul3A_26, %add3A_32 : i32
      %get3A_34 = arith.index_cast %add3A_33 : i32 to index
      %get3A_35 = arith.constant 16 : index
      %get3A_36 = tpu.vector_load %arg11[%get3A_34, %get3A_35] {strides = array<i32>} : memref<16x512xf32, #tpu.memory_space<vmem>>, vector<1x16xf32>,
      %get3A_37 = vector.shape_cast %get3A_36 : vector<1x16xf32> to vector<16xf32>
      %add3A_38 = arith.constant 0 : i32
      %add3A_39 = arith.addi %mul3A_26, %add3A_38 : i32
      %get3A_40 = arith.index_cast %add3A_39 : i32 to index
      %get3A_41 = arith.constant 32 : index
      %get3A_42 = tpu.vector_load %arg11[%get3A_40, %get3A_41] {strides = array<i32>} : memref<16x512xf32, #tpu.memory_space<vmem>>, vector<1x16xf32>,
      %get3A_43 = vector.shape_cast %get3A_42 : vector<1x16xf32> to vector<16xf32>
      %add3A_44 = arith.constant 0 : i32
      %add3A_45 = arith.addi %mul3A_26, %add3A_44 : i32
      %get3A_46 = arith.index_cast %add3A_45 : i32 to index
      %get3A_47 = arith.constant 48 : index
      %get3A_48 = tpu.vector_load %arg11[%get3A_46, %get3A_47] {strides = array<i32>} : memref<16x512xf32, #tpu.memory_space<vmem>>, vector<1x16xf32>,
      %get3A_49 = vector.shape_cast %get3A_48 : vector<1x16xf32> to vector<16xf32>
      %add3A_50 = arith.constant 0 : i32
      %add3A_51 = arith.addi %mul3A_26, %add3A_50 : i32
      %get3A_52 = arith.index_cast %add3A_51 : i32 to index
      %get3A_53 = arith.constant 64 : index
      %get3A_54 = tpu.vector_load %arg11[%get3A_52, %get3A_53] {strides = array<i32>} : memref<16x512xf32, #tpu.memory_space<vmem>>, vector<1x16xf32>,
      %get3A_55 = vector.shape_cast %get3A_54 : vector<1x16xf32> to vector<16xf32>
      %add3A_56 = arith.constant 0 : i32
      %add3A_57 = arith.addi %mul3A_26, %add3A_56 : i32
      %get3A_58 = arith.index_cast %add3A_57 : i32 to index
      %get3A_59 = arith.constant 80 : index
      %get3A_60 = tpu.vector_load %arg11[%get3A_58, %get3A_59] {strides = array<i32>} : memref<16x512xf32, #tpu.memory_space<vmem>>, vector<1x16xf32>,
      %get3A_61 = vector.shape_cast %get3A_60 : vector<1x16xf32> to vector<16xf32>
      %add3A_62 = arith.constant 0 : i32
      %add3A_63 = arith.addi %mul3A_26, %add3A_62 : i32
      %get3A_64 = arith.index_cast %add3A_63 : i32 to index
      %get3A_65 = arith.constant 96 : index
      %get3A_66 = tpu.vector_load %arg11[%get3A_64, %get3A_65] {strides = array<i32>} : memref<16x512xf32, #tpu.memory_space<vmem>>, vector<1x16xf32>,
      %get3A_67 = vector.shape_cast %get3A_66 : vector<1x16xf32> to vector<16xf32>
      %add3A_68 = arith.constant 0 : i32
      %add3A_69 = arith.addi %mul3A_26, %add3A_68 : i32
      %get3A_70 = arith.index_cast %add3A_69 : i32 to index
      %get3A_71 = arith.constant 112 : index
      %get3A_72 = tpu.vector_load %arg11[%get3A_70, %get3A_71] {strides = array<i32>} : memref<16x512xf32, #tpu.memory_space<vmem>>, vector<1x16xf32>,
      %get3A_73 = vector.shape_cast %get3A_72 : vector<1x16xf32> to vector<16xf32>
      %add3A_74 = arith.constant 0 : i32
      %add3A_75 = arith.addi %mul3A_26, %add3A_74 : i32
      %get3A_76 = arith.index_cast %add3A_75 : i32 to index
      %get3A_77 = arith.constant 128 : index
      %get3A_78 = tpu.vector_load %arg11[%get3A_76, %get3A_77] {strides = array<i32>} : memref<16x512xf32, #tpu.memory_space<vmem>>, vector<1x16xf32>,
      %get3A_79 = vector.shape_cast %get3A_78 : vector<1x16xf32> to vector<16xf32>
      %add3A_80 = arith.constant 0 : i32
      %add3A_81 = arith.addi %mul3A_26, %add3A_80 : i32
      %get3A_82 = arith.index_cast %add3A_81 : i32 to index
      %get3A_83 = arith.constant 144 : index
      %get3A_84 = tpu.vector_load %arg11[%get3A_82, %get3A_83] {strides = array<i32>} : memref<16x512xf32, #tpu.memory_space<vmem>>, vector<1x16xf32>,
      %get3A_85 = vector.shape_cast %get3A_84 : vector<1x16xf32> to vector<16xf32>
      %add3A_86 = arith.constant 0 : i32
      %add3A_87 = arith.addi %mul3A_26, %add3A_86 : i32
      %get3A_88 = arith.index_cast %add3A_87 : i32 to index
      %get3A_89 = arith.constant 160 : index
      %get3A_90 = tpu.vector_load %arg11[%get3A_88, %get3A_89] {strides = array<i32>} : memref<16x512xf32, #tpu.memory_space<vmem>>, vector<1x16xf32>,
      %get3A_91 = vector.shape_cast %get3A_90 : vector<1x16xf32> to vector<16xf32>
      %add3A_92 = arith.constant 0 : i32
      %add3A_93 = arith.addi %mul3A_26, %add3A_92 : i32
      %get3A_94 = arith.index_cast %add3A_93 : i32 to index
      %get3A_95 = arith.constant 176 : index
      %get3A_96 = tpu.vector_load %arg11[%get3A_94, %get3A_95] {strides = array<i32>} : memref<16x512xf32, #tpu.memory_space<vmem>>, vector<1x16xf32>,
      %get3A_97 = vector.shape_cast %get3A_96 : vector<1x16xf32> to vector<16xf32>
      %add3A_98 = arith.constant 0 : i32
      %add3A_99 = arith.addi %mul3A_26, %add3A_98 : i32
      %get3A_100 = arith.index_cast %add3A_99 : i32 to index
      %get3A_101 = arith.constant 192 : index
      %get3A_102 = tpu.vector_load %arg11[%get3A_100, %get3A_101] {strides = array<i32>} : memref<16x512xf32, #tpu.memory_space<vmem>>, vector<1x16xf32>,
      %get3A_103 = vector.shape_cast %get3A_102 : vector<1x16xf32> to vector<16xf32>
      %add3A_104 = arith.constant 0 : i32
      %add3A_105 = arith.addi %mul3A_26, %add3A_104 : i32
      %get3A_106 = arith.index_cast %add3A_105 : i32 to index
      %get3A_107 = arith.constant 208 : index
      %get3A_108 = tpu.vector_load %arg11[%get3A_106, %get3A_107] {strides = array<i32>} : memref<16x512xf32, #tpu.memory_space<vmem>>, vector<1x16xf32>,
      %get3A_109 = vector.shape_cast %get3A_108 : vector<1x16xf32> to vector<16xf32>
      %add3A_110 = arith.constant 0 : i32
      %add3A_111 = arith.addi %mul3A_26, %add3A_110 : i32
      %get3A_112 = arith.index_cast %add3A_111 : i32 to index
      %get3A_113 = arith.constant 224 : index
      %get3A_114 = tpu.vector_load %arg11[%get3A_112, %get3A_113] {strides = array<i32>} : memref<16x512xf32, #tpu.memory_space<vmem>>, vector<1x16xf32>,
      %get3A_115 = vector.shape_cast %get3A_114 : vector<1x16xf32> to vector<16xf32>
      %add3A_116 = arith.constant 0 : i32
      %add3A_117 = arith.addi %mul3A_26, %add3A_116 : i32
      %get3A_118 = arith.index_cast %add3A_117 : i32 to index
      %get3A_119 = arith.constant 240 : index
      %get3A_120 = tpu.vector_load %arg11[%get3A_118, %get3A_119] {strides = array<i32>} : memref<16x512xf32, #tpu.memory_space<vmem>>, vector<1x16xf32>,
      %get3A_121 = vector.shape_cast %get3A_120 : vector<1x16xf32> to vector<16xf32>
      %add3A_122 = arith.constant 0 : i32
      %add3A_123 = arith.addi %mul3A_26, %add3A_122 : i32
      %get3A_124 = arith.index_cast %add3A_123 : i32 to index
      %get3A_125 = arith.constant 256 : index
      %get3A_126 = tpu.vector_load %arg11[%get3A_124, %get3A_125] {strides = array<i32>} : memref<16x512xf32, #tpu.memory_space<vmem>>, vector<1x16xf32>,
      %get3A_127 = vector.shape_cast %get3A_126 : vector<1x16xf32> to vector<16xf32>
      %add3A_128 = arith.constant 0 : i32
      %add3A_129 = arith.addi %mul3A_26, %add3A_128 : i32
      %get3A_130 = arith.index_cast %add3A_129 : i32 to index
      %get3A_131 = arith.constant 272 : index
      %get3A_132 = tpu.vector_load %arg11[%get3A_130, %get3A_131] {strides = array<i32>} : memref<16x512xf32, #tpu.memory_space<vmem>>, vector<1x16xf32>,
      %get3A_133 = vector.shape_cast %get3A_132 : vector<1x16xf32> to vector<16xf32>
      %add3A_134 = arith.constant 0 : i32
      %add3A_135 = arith.addi %mul3A_26, %add3A_134 : i32
      %get3A_136 = arith.index_cast %add3A_135 : i32 to index
      %get3A_137 = arith.constant 288 : index
      %get3A_138 = tpu.vector_load %arg11[%get3A_136, %get3A_137] {strides = array<i32>} : memref<16x512xf32, #tpu.memory_space<vmem>>, vector<1x16xf32>,
      %get3A_139 = vector.shape_cast %get3A_138 : vector<1x16xf32> to vector<16xf32>
      %add3A_140 = arith.constant 0 : i32
      %add3A_141 = arith.addi %mul3A_26, %add3A_140 : i32
      %get3A_142 = arith.index_cast %add3A_141 : i32 to index
      %get3A_143 = arith.constant 304 : index
      %get3A_144 = tpu.vector_load %arg11[%get3A_142, %get3A_143] {strides = array<i32>} : memref<16x512xf32, #tpu.memory_space<vmem>>, vector<1x16xf32>,
      %get3A_145 = vector.shape_cast %get3A_144 : vector<1x16xf32> to vector<16xf32>
      %add3A_146 = arith.constant 0 : i32
      %add3A_147 = arith.addi %mul3A_26, %add3A_146 : i32
      %get3A_148 = arith.index_cast %add3A_147 : i32 to index
      %get3A_149 = arith.constant 320 : index
      %get3A_150 = tpu.vector_load %arg11[%get3A_148, %get3A_149] {strides = array<i32>} : memref<16x512xf32, #tpu.memory_space<vmem>>, vector<1x16xf32>,
      %get3A_151 = vector.shape_cast %get3A_150 : vector<1x16xf32> to vector<16xf32>
      %add3A_152 = arith.constant 0 : i32
      %add3A_153 = arith.addi %mul3A_26, %add3A_152 : i32
      %get3A_154 = arith.index_cast %add3A_153 : i32 to index
      %get3A_155 = arith.constant 336 : index
      %get3A_156 = tpu.vector_load %arg11[%get3A_154, %get3A_155] {strides = array<i32>} : memref<16x512xf32, #tpu.memory_space<vmem>>, vector<1x16xf32>,
      %get3A_157 = vector.shape_cast %get3A_156 : vector<1x16xf32> to vector<16xf32>
      %add3A_158 = arith.constant 0 : i32
      %add3A_159 = arith.addi %mul3A_26, %add3A_158 : i32
      %get3A_160 = arith.index_cast %add3A_159 : i32 to index
      %get3A_161 = arith.constant 352 : index
      %get3A_162 = tpu.vector_load %arg11[%get3A_160, %get3A_161] {strides = array<i32>} : memref<16x512xf32, #tpu.memory_space<vmem>>, vector<1x16xf32>,
      %get3A_163 = vector.shape_cast %get3A_162 : vector<1x16xf32> to vector<16xf32>
      %add3A_164 = arith.constant 0 : i32
      %add3A_165 = arith.addi %mul3A_26, %add3A_164 : i32
      %get3A_166 = arith.index_cast %add3A_165 : i32 to index
      %get3A_167 = arith.constant 368 : index
      %get3A_168 = tpu.vector_load %arg11[%get3A_166, %get3A_167] {strides = array<i32>} : memref<16x512xf32, #tpu.memory_space<vmem>>, vector<1x16xf32>,
      %get3A_169 = vector.shape_cast %get3A_168 : vector<1x16xf32> to vector<16xf32>
      %add3A_170 = arith.constant 0 : i32
      %add3A_171 = arith.addi %mul3A_26, %add3A_170 : i32
      %get3A_172 = arith.index_cast %add3A_171 : i32 to index
      %get3A_173 = arith.constant 384 : index
      %get3A_174 = tpu.vector_load %arg11[%get3A_172, %get3A_173] {strides = array<i32>} : memref<16x512xf32, #tpu.memory_space<vmem>>, vector<1x16xf32>,
      %get3A_175 = vector.shape_cast %get3A_174 : vector<1x16xf32> to vector<16xf32>
      %add3A_176 = arith.constant 0 : i32
      %add3A_177 = arith.addi %mul3A_26, %add3A_176 : i32
      %get3A_178 = arith.index_cast %add3A_177 : i32 to index
      %get3A_179 = arith.constant 400 : index
      %get3A_180 = tpu.vector_load %arg11[%get3A_178, %get3A_179] {strides = array<i32>} : memref<16x512xf32, #tpu.memory_space<vmem>>, vector<1x16xf32>,
      %get3A_181 = vector.shape_cast %get3A_180 : vector<1x16xf32> to vector<16xf32>
      %add3A_182 = arith.constant 0 : i32
      %add3A_183 = arith.addi %mul3A_26, %add3A_182 : i32
      %get3A_184 = arith.index_cast %add3A_183 : i32 to index
      %get3A_185 = arith.constant 416 : index
      %get3A_186 = tpu.vector_load %arg11[%get3A_184, %get3A_185] {strides = array<i32>} : memref<16x512xf32, #tpu.memory_space<vmem>>, vector<1x16xf32>,
      %get3A_187 = vector.shape_cast %get3A_186 : vector<1x16xf32> to vector<16xf32>
      %add3A_188 = arith.constant 0 : i32
      %add3A_189 = arith.addi %mul3A_26, %add3A_188 : i32
      %get3A_190 = arith.index_cast %add3A_189 : i32 to index
      %get3A_191 = arith.constant 432 : index
      %get3A_192 = tpu.vector_load %arg11[%get3A_190, %get3A_191] {strides = array<i32>} : memref<16x512xf32, #tpu.memory_space<vmem>>, vector<1x16xf32>,
      %get3A_193 = vector.shape_cast %get3A_192 : vector<1x16xf32> to vector<16xf32>
      %add3A_194 = arith.constant 0 : i32
      %add3A_195 = arith.addi %mul3A_26, %add3A_194 : i32
      %get3A_196 = arith.index_cast %add3A_195 : i32 to index
      %get3A_197 = arith.constant 448 : index
      %get3A_198 = tpu.vector_load %arg11[%get3A_196, %get3A_197] {strides = array<i32>} : memref<16x512xf32, #tpu.memory_space<vmem>>, vector<1x16xf32>,
      %get3A_199 = vector.shape_cast %get3A_198 : vector<1x16xf32> to vector<16xf32>
      %add3A_200 = arith.constant 0 : i32
      %add3A_201 = arith.addi %mul3A_26, %add3A_200 : i32
      %get3A_202 = arith.index_cast %add3A_201 : i32 to index
      %get3A_203 = arith.constant 464 : index
      %get3A_204 = tpu.vector_load %arg11[%get3A_202, %get3A_203] {strides = array<i32>} : memref<16x512xf32, #tpu.memory_space<vmem>>, vector<1x16xf32>,
      %get3A_205 = vector.shape_cast %get3A_204 : vector<1x16xf32> to vector<16xf32>
      %add3A_206 = arith.constant 0 : i32
      %add3A_207 = arith.addi %mul3A_26, %add3A_206 : i32
      %get3A_208 = arith.index_cast %add3A_207 : i32 to index
      %get3A_209 = arith.constant 480 : index
      %get3A_210 = tpu.vector_load %arg11[%get3A_208, %get3A_209] {strides = array<i32>} : memref<16x512xf32, #tpu.memory_space<vmem>>, vector<1x16xf32>,
      %get3A_211 = vector.shape_cast %get3A_210 : vector<1x16xf32> to vector<16xf32>
      %add3A_212 = arith.constant 0 : i32
      %add3A_213 = arith.addi %mul3A_26, %add3A_212 : i32
      %get3A_214 = arith.index_cast %add3A_213 : i32 to index
      %get3A_215 = arith.constant 496 : index
      %get3A_216 = tpu.vector_load %arg11[%get3A_214, %get3A_215] {strides = array<i32>} : memref<16x512xf32, #tpu.memory_space<vmem>>, vector<1x16xf32>,
      %get3A_217 = vector.shape_cast %get3A_216 : vector<1x16xf32> to vector<16xf32>
      %add3A_218 = arith.constant 15 : i32
      %add3A_219 = arith.addi %add3A_218, %mul3A_26 : i32
      %add3A_220 = arith.constant 0 : i32
      %add3A_221 = arith.addi %add3A_219, %add3A_220 : i32
      %swap3A = arith.index_cast %add3A_221 : i32 to index
      %swap3A_222 = arith.constant 0 : index
      %swap3A_223 = tpu.vector_load %arg10[%swap3A, %swap3A_222] {strides = array<i32>} : memref<77x512xf32, #tpu.memory_space<vmem>>, vector<1x16xf32>,
      %swap3A_224 = vector.shape_cast %swap3A_223 : vector<1x16xf32> to vector<16xf32>
      %swap3A_225 = vector.shape_cast %get3A_31 : vector<16xf32> to vector<1x16xf32>
      tpu.vector_store %arg10[%swap3A, %swap3A_222], %swap3A_225 {strides = array<i32>} : memref<77x512xf32, #tpu.memory_space<vmem>>, vector<1x16xf32>,
      %add3A_226 = arith.constant 15 : i32
      %add3A_227 = arith.addi %add3A_226, %mul3A_26 : i32
      %add3A_228 = arith.constant 0 : i32
      %add3A_229 = arith.addi %add3A_227, %add3A_228 : i32
      %swap3A_230 = arith.index_cast %add3A_229 : i32 to index
      %swap3A_231 = arith.constant 16 : index
      %swap3A_232 = tpu.vector_load %arg10[%swap3A_230, %swap3A_231] {strides = array<i32>} : memref<77x512xf32, #tpu.memory_space<vmem>>, vector<1x16xf32>,
      %swap3A_233 = vector.shape_cast %swap3A_232 : vector<1x16xf32> to vector<16xf32>
      %swap3A_234 = vector.shape_cast %get3A_37 : vector<16xf32> to vector<1x16xf32>
      tpu.vector_store %arg10[%swap3A_230, %swap3A_231], %swap3A_234 {strides = array<i32>} : memref<77x512xf32, #tpu.memory_space<vmem>>, vector<1x16xf32>,
      %add3A_235 = arith.constant 15 : i32
      %add3A_236 = arith.addi %add3A_235, %mul3A_26 : i32
      %add3A_237 = arith.constant 0 : i32
      %add3A_238 = arith.addi %add3A_236, %add3A_237 : i32
      %swap3A_239 = arith.index_cast %add3A_238 : i32 to index
      %swap3A_240 = arith.constant 32 : index
      %swap3A_241 = tpu.vector_load %arg10[%swap3A_239, %swap3A_240] {strides = array<i32>} : memref<77x512xf32, #tpu.memory_space<vmem>>, vector<1x16xf32>,
      %swap3A_242 = vector.shape_cast %swap3A_241 : vector<1x16xf32> to vector<16xf32>
      %swap3A_243 = vector.shape_cast %get3A_43 : vector<16xf32> to vector<1x16xf32>
      tpu.vector_store %arg10[%swap3A_239, %swap3A_240], %swap3A_243 {strides = array<i32>} : memref<77x512xf32, #tpu.memory_space<vmem>>, vector<1x16xf32>,
      %add3A_244 = arith.constant 15 : i32
      %add3A_245 = arith.addi %add3A_244, %mul3A_26 : i32
      %add3A_246 = arith.constant 0 : i32
      %add3A_247 = arith.addi %add3A_245, %add3A_246 : i32
      %swap3A_248 = arith.index_cast %add3A_247 : i32 to index
      %swap3A_249 = arith.constant 48 : index
      %swap3A_250 = tpu.vector_load %arg10[%swap3A_248, %swap3A_249] {strides = array<i32>} : memref<77x512xf32, #tpu.memory_space<vmem>>, vector<1x16xf32>,
      %swap3A_251 = vector.shape_cast %swap3A_250 : vector<1x16xf32> to vector<16xf32>
      %swap3A_252 = vector.shape_cast %get3A_49 : vector<16xf32> to vector<1x16xf32>
      tpu.vector_store %arg10[%swap3A_248, %swap3A_249], %swap3A_252 {strides = array<i32>} : memref<77x512xf32, #tpu.memory_space<vmem>>, vector<1x16xf32>,
      %add3A_253 = arith.constant 15 : i32
      %add3A_254 = arith.addi %add3A_253, %mul3A_26 : i32
      %add3A_255 = arith.constant 0 : i32
      %add3A_256 = arith.addi %add3A_254, %add3A_255 : i32
      %swap3A_257 = arith.index_cast %add3A_256 : i32 to index
      %swap3A_258 = arith.constant 64 : index
      %swap3A_259 = tpu.vector_load %arg10[%swap3A_257, %swap3A_258] {strides = array<i32>} : memref<77x512xf32, #tpu.memory_space<vmem>>, vector<1x16xf32>,
      %swap3A_260 = vector.shape_cast %swap3A_259 : vector<1x16xf32> to vector<16xf32>
      %swap3A_261 = vector.shape_cast %get3A_55 : vector<16xf32> to vector<1x16xf32>
      tpu.vector_store %arg10[%swap3A_257, %swap3A_258], %swap3A_261 {strides = array<i32>} : memref<77x512xf32, #tpu.memory_space<vmem>>, vector<1x16xf32>,
      %add3A_262 = arith.constant 15 : i32
      %add3A_263 = arith.addi %add3A_262, %mul3A_26 : i32
      %add3A_264 = arith.constant 0 : i32
      %add3A_265 = arith.addi %add3A_263, %add3A_264 : i32
      %swap3A_266 = arith.index_cast %add3A_265 : i32 to index
      %swap3A_267 = arith.constant 80 : index
      %swap3A_268 = tpu.vector_load %arg10[%swap3A_266, %swap3A_267] {strides = array<i32>} : memref<77x512xf32, #tpu.memory_space<vmem>>, vector<1x16xf32>,
      %swap3A_269 = vector.shape_cast %swap3A_268 : vector<1x16xf32> to vector<16xf32>
      %swap3A_270 = vector.shape_cast %get3A_61 : vector<16xf32> to vector<1x16xf32>
      tpu.vector_store %arg10[%swap3A_266, %swap3A_267], %swap3A_270 {strides = array<i32>} : memref<77x512xf32, #tpu.memory_space<vmem>>, vector<1x16xf32>,
      %add3A_271 = arith.constant 15 : i32
      %add3A_272 = arith.addi %add3A_271, %mul3A_26 : i32
      %add3A_273 = arith.constant 0 : i32
      %add3A_274 = arith.addi %add3A_272, %add3A_273 : i32
      %swap3A_275 = arith.index_cast %add3A_274 : i32 to index
      %swap3A_276 = arith.constant 96 : index
      %swap3A_277 = tpu.vector_load %arg10[%swap3A_275, %swap3A_276] {strides = array<i32>} : memref<77x512xf32, #tpu.memory_space<vmem>>, vector<1x16xf32>,
      %swap3A_278 = vector.shape_cast %swap3A_277 : vector<1x16xf32> to vector<16xf32>
      %swap3A_279 = vector.shape_cast %get3A_67 : vector<16xf32> to vector<1x16xf32>
      tpu.vector_store %arg10[%swap3A_275, %swap3A_276], %swap3A_279 {strides = array<i32>} : memref<77x512xf32, #tpu.memory_space<vmem>>, vector<1x16xf32>,
      %add3A_280 = arith.constant 15 : i32
      %add3A_281 = arith.addi %add3A_280, %mul3A_26 : i32
      %add3A_282 = arith.constant 0 : i32
      %add3A_283 = arith.addi %add3A_281, %add3A_282 : i32
      %swap3A_284 = arith.index_cast %add3A_283 : i32 to index
      %swap3A_285 = arith.constant 112 : index
      %swap3A_286 = tpu.vector_load %arg10[%swap3A_284, %swap3A_285] {strides = array<i32>} : memref<77x512xf32, #tpu.memory_space<vmem>>, vector<1x16xf32>,
      %swap3A_287 = vector.shape_cast %swap3A_286 : vector<1x16xf32> to vector<16xf32>
      %swap3A_288 = vector.shape_cast %get3A_73 : vector<16xf32> to vector<1x16xf32>
      tpu.vector_store %arg10[%swap3A_284, %swap3A_285], %swap3A_288 {strides = array<i32>} : memref<77x512xf32, #tpu.memory_space<vmem>>, vector<1x16xf32>,
      %add3A_289 = arith.constant 15 : i32
      %add3A_290 = arith.addi %add3A_289, %mul3A_26 : i32
      %add3A_291 = arith.constant 0 : i32
      %add3A_292 = arith.addi %add3A_290, %add3A_291 : i32
      %swap3A_293 = arith.index_cast %add3A_292 : i32 to index
      %swap3A_294 = arith.constant 128 : index
      %swap3A_295 = tpu.vector_load %arg10[%swap3A_293, %swap3A_294] {strides = array<i32>} : memref<77x512xf32, #tpu.memory_space<vmem>>, vector<1x16xf32>,
      %swap3A_296 = vector.shape_cast %swap3A_295 : vector<1x16xf32> to vector<16xf32>
      %swap3A_297 = vector.shape_cast %get3A_79 : vector<16xf32> to vector<1x16xf32>
      tpu.vector_store %arg10[%swap3A_293, %swap3A_294], %swap3A_297 {strides = array<i32>} : memref<77x512xf32, #tpu.memory_space<vmem>>, vector<1x16xf32>,
      %add3A_298 = arith.constant 15 : i32
      %add3A_299 = arith.addi %add3A_298, %mul3A_26 : i32
      %add3A_300 = arith.constant 0 : i32
      %add3A_301 = arith.addi %add3A_299, %add3A_300 : i32
      %swap3A_302 = arith.index_cast %add3A_301 : i32 to index
      %swap3A_303 = arith.constant 144 : index
      %swap3A_304 = tpu.vector_load %arg10[%swap3A_302, %swap3A_303] {strides = array<i32>} : memref<77x512xf32, #tpu.memory_space<vmem>>, vector<1x16xf32>,
      %swap3A_305 = vector.shape_cast %swap3A_304 : vector<1x16xf32> to vector<16xf32>
      %swap3A_306 = vector.shape_cast %get3A_85 : vector<16xf32> to vector<1x16xf32>
      tpu.vector_store %arg10[%swap3A_302, %swap3A_303], %swap3A_306 {strides = array<i32>} : memref<77x512xf32, #tpu.memory_space<vmem>>, vector<1x16xf32>,
      %add3A_307 = arith.constant 15 : i32
      %add3A_308 = arith.addi %add3A_307, %mul3A_26 : i32
      %add3A_309 = arith.constant 0 : i32
      %add3A_310 = arith.addi %add3A_308, %add3A_309 : i32
      %swap3A_311 = arith.index_cast %add3A_310 : i32 to index
      %swap3A_312 = arith.constant 160 : index
      %swap3A_313 = tpu.vector_load %arg10[%swap3A_311, %swap3A_312] {strides = array<i32>} : memref<77x512xf32, #tpu.memory_space<vmem>>, vector<1x16xf32>,
      %swap3A_314 = vector.shape_cast %swap3A_313 : vector<1x16xf32> to vector<16xf32>
      %swap3A_315 = vector.shape_cast %get3A_91 : vector<16xf32> to vector<1x16xf32>
      tpu.vector_store %arg10[%swap3A_311, %swap3A_312], %swap3A_315 {strides = array<i32>} : memref<77x512xf32, #tpu.memory_space<vmem>>, vector<1x16xf32>,
      %add3A_316 = arith.constant 15 : i32
      %add3A_317 = arith.addi %add3A_316, %mul3A_26 : i32
      %add3A_318 = arith.constant 0 : i32
      %add3A_319 = arith.addi %add3A_317, %add3A_318 : i32
      %swap3A_320 = arith.index_cast %add3A_319 : i32 to index
      %swap3A_321 = arith.constant 176 : index
      %swap3A_322 = tpu.vector_load %arg10[%swap3A_320, %swap3A_321] {strides = array<i32>} : memref<77x512xf32, #tpu.memory_space<vmem>>, vector<1x16xf32>,
      %swap3A_323 = vector.shape_cast %swap3A_322 : vector<1x16xf32> to vector<16xf32>
      %swap3A_324 = vector.shape_cast %get3A_97 : vector<16xf32> to vector<1x16xf32>
      tpu.vector_store %arg10[%swap3A_320, %swap3A_321], %swap3A_324 {strides = array<i32>} : memref<77x512xf32, #tpu.memory_space<vmem>>, vector<1x16xf32>,
      %add3A_325 = arith.constant 15 : i32
      %add3A_326 = arith.addi %add3A_325, %mul3A_26 : i32
      %add3A_327 = arith.constant 0 : i32
      %add3A_328 = arith.addi %add3A_326, %add3A_327 : i32
      %swap3A_329 = arith.index_cast %add3A_328 : i32 to index
      %swap3A_330 = arith.constant 192 : index
      %swap3A_331 = tpu.vector_load %arg10[%swap3A_329, %swap3A_330] {strides = array<i32>} : memref<77x512xf32, #tpu.memory_space<vmem>>, vector<1x16xf32>,
      %swap3A_332 = vector.shape_cast %swap3A_331 : vector<1x16xf32> to vector<16xf32>
      %swap3A_333 = vector.shape_cast %get3A_103 : vector<16xf32> to vector<1x16xf32>
      tpu.vector_store %arg10[%swap3A_329, %swap3A_330], %swap3A_333 {strides = array<i32>} : memref<77x512xf32, #tpu.memory_space<vmem>>, vector<1x16xf32>,
      %add3A_334 = arith.constant 15 : i32
      %add3A_335 = arith.addi %add3A_334, %mul3A_26 : i32
      %add3A_336 = arith.constant 0 : i32
      %add3A_337 = arith.addi %add3A_335, %add3A_336 : i32
      %swap3A_338 = arith.index_cast %add3A_337 : i32 to index
      %swap3A_339 = arith.constant 208 : index
      %swap3A_340 = tpu.vector_load %arg10[%swap3A_338, %swap3A_339] {strides = array<i32>} : memref<77x512xf32, #tpu.memory_space<vmem>>, vector<1x16xf32>,
      %swap3A_341 = vector.shape_cast %swap3A_340 : vector<1x16xf32> to vector<16xf32>
      %swap3A_342 = vector.shape_cast %get3A_109 : vector<16xf32> to vector<1x16xf32>
      tpu.vector_store %arg10[%swap3A_338, %swap3A_339], %swap3A_342 {strides = array<i32>} : memref<77x512xf32, #tpu.memory_space<vmem>>, vector<1x16xf32>,
      %add3A_343 = arith.constant 15 : i32
      %add3A_344 = arith.addi %add3A_343, %mul3A_26 : i32
      %add3A_345 = arith.constant 0 : i32
      %add3A_346 = arith.addi %add3A_344, %add3A_345 : i32
      %swap3A_347 = arith.index_cast %add3A_346 : i32 to index
      %swap3A_348 = arith.constant 224 : index
      %swap3A_349 = tpu.vector_load %arg10[%swap3A_347, %swap3A_348] {strides = array<i32>} : memref<77x512xf32, #tpu.memory_space<vmem>>, vector<1x16xf32>,
      %swap3A_350 = vector.shape_cast %swap3A_349 : vector<1x16xf32> to vector<16xf32>
      %swap3A_351 = vector.shape_cast %get3A_115 : vector<16xf32> to vector<1x16xf32>
      tpu.vector_store %arg10[%swap3A_347, %swap3A_348], %swap3A_351 {strides = array<i32>} : memref<77x512xf32, #tpu.memory_space<vmem>>, vector<1x16xf32>,
      %add3A_352 = arith.constant 15 : i32
      %add3A_353 = arith.addi %add3A_352, %mul3A_26 : i32
      %add3A_354 = arith.constant 0 : i32
      %add3A_355 = arith.addi %add3A_353, %add3A_354 : i32
      %swap3A_356 = arith.index_cast %add3A_355 : i32 to index
      %swap3A_357 = arith.constant 240 : index
      %swap3A_358 = tpu.vector_load %arg10[%swap3A_356, %swap3A_357] {strides = array<i32>} : memref<77x512xf32, #tpu.memory_space<vmem>>, vector<1x16xf32>,
      %swap3A_359 = vector.shape_cast %swap3A_358 : vector<1x16xf32> to vector<16xf32>
      %swap3A_360 = vector.shape_cast %get3A_121 : vector<16xf32> to vector<1x16xf32>
      tpu.vector_store %arg10[%swap3A_356, %swap3A_357], %swap3A_360 {strides = array<i32>} : memref<77x512xf32, #tpu.memory_space<vmem>>, vector<1x16xf32>,
      %add3A_361 = arith.constant 15 : i32
      %add3A_362 = arith.addi %add3A_361, %mul3A_26 : i32
      %add3A_363 = arith.constant 0 : i32
      %add3A_364 = arith.addi %add3A_362, %add3A_363 : i32
      %swap3A_365 = arith.index_cast %add3A_364 : i32 to index
      %swap3A_366 = arith.constant 256 : index
      %swap3A_367 = tpu.vector_load %arg10[%swap3A_365, %swap3A_366] {strides = array<i32>} : memref<77x512xf32, #tpu.memory_space<vmem>>, vector<1x16xf32>,
      %swap3A_368 = vector.shape_cast %swap3A_367 : vector<1x16xf32> to vector<16xf32>
      %swap3A_369 = vector.shape_cast %get3A_127 : vector<16xf32> to vector<1x16xf32>
      tpu.vector_store %arg10[%swap3A_365, %swap3A_366], %swap3A_369 {strides = array<i32>} : memref<77x512xf32, #tpu.memory_space<vmem>>, vector<1x16xf32>,
      %add3A_370 = arith.constant 15 : i32
      %add3A_371 = arith.addi %add3A_370, %mul3A_26 : i32
      %add3A_372 = arith.constant 0 : i32
      %add3A_373 = arith.addi %add3A_371, %add3A_372 : i32
      %swap3A_374 = arith.index_cast %add3A_373 : i32 to index
      %swap3A_375 = arith.constant 272 : index
      %swap3A_376 = tpu.vector_load %arg10[%swap3A_374, %swap3A_375] {strides = array<i32>} : memref<77x512xf32, #tpu.memory_space<vmem>>, vector<1x16xf32>,
      %swap3A_377 = vector.shape_cast %swap3A_376 : vector<1x16xf32> to vector<16xf32>
      %swap3A_378 = vector.shape_cast %get3A_133 : vector<16xf32> to vector<1x16xf32>
      tpu.vector_store %arg10[%swap3A_374, %swap3A_375], %swap3A_378 {strides = array<i32>} : memref<77x512xf32, #tpu.memory_space<vmem>>, vector<1x16xf32>,
      %add3A_379 = arith.constant 15 : i32
      %add3A_380 = arith.addi %add3A_379, %mul3A_26 : i32
      %add3A_381 = arith.constant 0 : i32
      %add3A_382 = arith.addi %add3A_380, %add3A_381 : i32
      %swap3A_383 = arith.index_cast %add3A_382 : i32 to index
      %swap3A_384 = arith.constant 288 : index
      %swap3A_385 = tpu.vector_load %arg10[%swap3A_383, %swap3A_384] {strides = array<i32>} : memref<77x512xf32, #tpu.memory_space<vmem>>, vector<1x16xf32>,
      %swap3A_386 = vector.shape_cast %swap3A_385 : vector<1x16xf32> to vector<16xf32>
      %swap3A_387 = vector.shape_cast %get3A_139 : vector<16xf32> to vector<1x16xf32>
      tpu.vector_store %arg10[%swap3A_383, %swap3A_384], %swap3A_387 {strides = array<i32>} : memref<77x512xf32, #tpu.memory_space<vmem>>, vector<1x16xf32>,
      %add3A_388 = arith.constant 15 : i32
      %add3A_389 = arith.addi %add3A_388, %mul3A_26 : i32
      %add3A_390 = arith.constant 0 : i32
      %add3A_391 = arith.addi %add3A_389, %add3A_390 : i32
      %swap3A_392 = arith.index_cast %add3A_391 : i32 to index
      %swap3A_393 = arith.constant 304 : index
      %swap3A_394 = tpu.vector_load %arg10[%swap3A_392, %swap3A_393] {strides = array<i32>} : memref<77x512xf32, #tpu.memory_space<vmem>>, vector<1x16xf32>,
      %swap3A_395 = vector.shape_cast %swap3A_394 : vector<1x16xf32> to vector<16xf32>
      %swap3A_396 = vector.shape_cast %get3A_145 : vector<16xf32> to vector<1x16xf32>
      tpu.vector_store %arg10[%swap3A_392, %swap3A_393], %swap3A_396 {strides = array<i32>} : memref<77x512xf32, #tpu.memory_space<vmem>>, vector<1x16xf32>,
      %add3A_397 = arith.constant 15 : i32
      %add3A_398 = arith.addi %add3A_397, %mul3A_26 : i32
      %add3A_399 = arith.constant 0 : i32
      %add3A_400 = arith.addi %add3A_398, %add3A_399 : i32
      %swap3A_401 = arith.index_cast %add3A_400 : i32 to index
      %swap3A_402 = arith.constant 320 : index
      %swap3A_403 = tpu.vector_load %arg10[%swap3A_401, %swap3A_402] {strides = array<i32>} : memref<77x512xf32, #tpu.memory_space<vmem>>, vector<1x16xf32>,
      %swap3A_404 = vector.shape_cast %swap3A_403 : vector<1x16xf32> to vector<16xf32>
      %swap3A_405 = vector.shape_cast %get3A_151 : vector<16xf32> to vector<1x16xf32>
      tpu.vector_store %arg10[%swap3A_401, %swap3A_402], %swap3A_405 {strides = array<i32>} : memref<77x512xf32, #tpu.memory_space<vmem>>, vector<1x16xf32>,
      %add3A_406 = arith.constant 15 : i32
      %add3A_407 = arith.addi %add3A_406, %mul3A_26 : i32
      %add3A_408 = arith.constant 0 : i32
      %add3A_409 = arith.addi %add3A_407, %add3A_408 : i32
      %swap3A_410 = arith.index_cast %add3A_409 : i32 to index
      %swap3A_411 = arith.constant 336 : index
      %swap3A_412 = tpu.vector_load %arg10[%swap3A_410, %swap3A_411] {strides = array<i32>} : memref<77x512xf32, #tpu.memory_space<vmem>>, vector<1x16xf32>,
      %swap3A_413 = vector.shape_cast %swap3A_412 : vector<1x16xf32> to vector<16xf32>
      %swap3A_414 = vector.shape_cast %get3A_157 : vector<16xf32> to vector<1x16xf32>
      tpu.vector_store %arg10[%swap3A_410, %swap3A_411], %swap3A_414 {strides = array<i32>} : memref<77x512xf32, #tpu.memory_space<vmem>>, vector<1x16xf32>,
      %add3A_415 = arith.constant 15 : i32
      %add3A_416 = arith.addi %add3A_415, %mul3A_26 : i32
      %add3A_417 = arith.constant 0 : i32
      %add3A_418 = arith.addi %add3A_416, %add3A_417 : i32
      %swap3A_419 = arith.index_cast %add3A_418 : i32 to index
      %swap3A_420 = arith.constant 352 : index
      %swap3A_421 = tpu.vector_load %arg10[%swap3A_419, %swap3A_420] {strides = array<i32>} : memref<77x512xf32, #tpu.memory_space<vmem>>, vector<1x16xf32>,
      %swap3A_422 = vector.shape_cast %swap3A_421 : vector<1x16xf32> to vector<16xf32>
      %swap3A_423 = vector.shape_cast %get3A_163 : vector<16xf32> to vector<1x16xf32>
      tpu.vector_store %arg10[%swap3A_419, %swap3A_420], %swap3A_423 {strides = array<i32>} : memref<77x512xf32, #tpu.memory_space<vmem>>, vector<1x16xf32>,
      %add3A_424 = arith.constant 15 : i32
      %add3A_425 = arith.addi %add3A_424, %mul3A_26 : i32
      %add3A_426 = arith.constant 0 : i32
      %add3A_427 = arith.addi %add3A_425, %add3A_426 : i32
      %swap3A_428 = arith.index_cast %add3A_427 : i32 to index
      %swap3A_429 = arith.constant 368 : index
      %swap3A_430 = tpu.vector_load %arg10[%swap3A_428, %swap3A_429] {strides = array<i32>} : memref<77x512xf32, #tpu.memory_space<vmem>>, vector<1x16xf32>,
      %swap3A_431 = vector.shape_cast %swap3A_430 : vector<1x16xf32> to vector<16xf32>
      %swap3A_432 = vector.shape_cast %get3A_169 : vector<16xf32> to vector<1x16xf32>
      tpu.vector_store %arg10[%swap3A_428, %swap3A_429], %swap3A_432 {strides = array<i32>} : memref<77x512xf32, #tpu.memory_space<vmem>>, vector<1x16xf32>,
      %add3A_433 = arith.constant 15 : i32
      %add3A_434 = arith.addi %add3A_433, %mul3A_26 : i32
      %add3A_435 = arith.constant 0 : i32
      %add3A_436 = arith.addi %add3A_434, %add3A_435 : i32
      %swap3A_437 = arith.index_cast %add3A_436 : i32 to index
      %swap3A_438 = arith.constant 384 : index
      %swap3A_439 = tpu.vector_load %arg10[%swap3A_437, %swap3A_438] {strides = array<i32>} : memref<77x512xf32, #tpu.memory_space<vmem>>, vector<1x16xf32>,
      %swap3A_440 = vector.shape_cast %swap3A_439 : vector<1x16xf32> to vector<16xf32>
      %swap3A_441 = vector.shape_cast %get3A_175 : vector<16xf32> to vector<1x16xf32>
      tpu.vector_store %arg10[%swap3A_437, %swap3A_438], %swap3A_441 {strides = array<i32>} : memref<77x512xf32, #tpu.memory_space<vmem>>, vector<1x16xf32>,
      %add3A_442 = arith.constant 15 : i32
      %add3A_443 = arith.addi %add3A_442, %mul3A_26 : i32
      %add3A_444 = arith.constant 0 : i32
      %add3A_445 = arith.addi %add3A_443, %add3A_444 : i32
      %swap3A_446 = arith.index_cast %add3A_445 : i32 to index
      %swap3A_447 = arith.constant 400 : index
      %swap3A_448 = tpu.vector_load %arg10[%swap3A_446, %swap3A_447] {strides = array<i32>} : memref<77x512xf32, #tpu.memory_space<vmem>>, vector<1x16xf32>,
      %swap3A_449 = vector.shape_cast %swap3A_448 : vector<1x16xf32> to vector<16xf32>
      %swap3A_450 = vector.shape_cast %get3A_181 : vector<16xf32> to vector<1x16xf32>
      tpu.vector_store %arg10[%swap3A_446, %swap3A_447], %swap3A_450 {strides = array<i32>} : memref<77x512xf32, #tpu.memory_space<vmem>>, vector<1x16xf32>,
      %add3A_451 = arith.constant 15 : i32
      %add3A_452 = arith.addi %add3A_451, %mul3A_26 : i32
      %add3A_453 = arith.constant 0 : i32
      %add3A_454 = arith.addi %add3A_452, %add3A_453 : i32
      %swap3A_455 = arith.index_cast %add3A_454 : i32 to index
      %swap3A_456 = arith.constant 416 : index
      %swap3A_457 = tpu.vector_load %arg10[%swap3A_455, %swap3A_456] {strides = array<i32>} : memref<77x512xf32, #tpu.memory_space<vmem>>, vector<1x16xf32>,
      %swap3A_458 = vector.shape_cast %swap3A_457 : vector<1x16xf32> to vector<16xf32>
      %swap3A_459 = vector.shape_cast %get3A_187 : vector<16xf32> to vector<1x16xf32>
      tpu.vector_store %arg10[%swap3A_455, %swap3A_456], %swap3A_459 {strides = array<i32>} : memref<77x512xf32, #tpu.memory_space<vmem>>, vector<1x16xf32>,
      %add3A_460 = arith.constant 15 : i32
      %add3A_461 = arith.addi %add3A_460, %mul3A_26 : i32
      %add3A_462 = arith.constant 0 : i32
      %add3A_463 = arith.addi %add3A_461, %add3A_462 : i32
      %swap3A_464 = arith.index_cast %add3A_463 : i32 to index
      %swap3A_465 = arith.constant 432 : index
      %swap3A_466 = tpu.vector_load %arg10[%swap3A_464, %swap3A_465] {strides = array<i32>} : memref<77x512xf32, #tpu.memory_space<vmem>>, vector<1x16xf32>,
      %swap3A_467 = vector.shape_cast %swap3A_466 : vector<1x16xf32> to vector<16xf32>
      %swap3A_468 = vector.shape_cast %get3A_193 : vector<16xf32> to vector<1x16xf32>
      tpu.vector_store %arg10[%swap3A_464, %swap3A_465], %swap3A_468 {strides = array<i32>} : memref<77x512xf32, #tpu.memory_space<vmem>>, vector<1x16xf32>,
      %add3A_469 = arith.constant 15 : i32
      %add3A_470 = arith.addi %add3A_469, %mul3A_26 : i32
      %add3A_471 = arith.constant 0 : i32
      %add3A_472 = arith.addi %add3A_470, %add3A_471 : i32
      %swap3A_473 = arith.index_cast %add3A_472 : i32 to index
      %swap3A_474 = arith.constant 448 : index
      %swap3A_475 = tpu.vector_load %arg10[%swap3A_473, %swap3A_474] {strides = array<i32>} : memref<77x512xf32, #tpu.memory_space<vmem>>, vector<1x16xf32>,
      %swap3A_476 = vector.shape_cast %swap3A_475 : vector<1x16xf32> to vector<16xf32>
      %swap3A_477 = vector.shape_cast %get3A_199 : vector<16xf32> to vector<1x16xf32>
      tpu.vector_store %arg10[%swap3A_473, %swap3A_474], %swap3A_477 {strides = array<i32>} : memref<77x512xf32, #tpu.memory_space<vmem>>, vector<1x16xf32>,
      %add3A_478 = arith.constant 15 : i32
      %add3A_479 = arith.addi %add3A_478, %mul3A_26 : i32
      %add3A_480 = arith.constant 0 : i32
      %add3A_481 = arith.addi %add3A_479, %add3A_480 : i32
      %swap3A_482 = arith.index_cast %add3A_481 : i32 to index
      %swap3A_483 = arith.constant 464 : index
      %swap3A_484 = tpu.vector_load %arg10[%swap3A_482, %swap3A_483] {strides = array<i32>} : memref<77x512xf32, #tpu.memory_space<vmem>>, vector<1x16xf32>,
      %swap3A_485 = vector.shape_cast %swap3A_484 : vector<1x16xf32> to vector<16xf32>
      %swap3A_486 = vector.shape_cast %get3A_205 : vector<16xf32> to vector<1x16xf32>
      tpu.vector_store %arg10[%swap3A_482, %swap3A_483], %swap3A_486 {strides = array<i32>} : memref<77x512xf32, #tpu.memory_space<vmem>>, vector<1x16xf32>,
      %add3A_487 = arith.constant 15 : i32
      %add3A_488 = arith.addi %add3A_487, %mul3A_26 : i32
      %add3A_489 = arith.constant 0 : i32
      %add3A_490 = arith.addi %add3A_488, %add3A_489 : i32
      %swap3A_491 = arith.index_cast %add3A_490 : i32 to index
      %swap3A_492 = arith.constant 480 : index
      %swap3A_493 = tpu.vector_load %arg10[%swap3A_491, %swap3A_492] {strides = array<i32>} : memref<77x512xf32, #tpu.memory_space<vmem>>, vector<1x16xf32>,
      %swap3A_494 = vector.shape_cast %swap3A_493 : vector<1x16xf32> to vector<16xf32>
      %swap3A_495 = vector.shape_cast %get3A_211 : vector<16xf32> to vector<1x16xf32>
      tpu.vector_store %arg10[%swap3A_491, %swap3A_492], %swap3A_495 {strides = array<i32>} : memref<77x512xf32, #tpu.memory_space<vmem>>, vector<1x16xf32>,
      %add3A_496 = arith.constant 15 : i32
      %add3A_497 = arith.addi %add3A_496, %mul3A_26 : i32
      %add3A_498 = arith.constant 0 : i32
      %add3A_499 = arith.addi %add3A_497, %add3A_498 : i32
      %swap3A_500 = arith.index_cast %add3A_499 : i32 to index
      %swap3A_501 = arith.constant 496 : index
      %swap3A_502 = tpu.vector_load %arg10[%swap3A_500, %swap3A_501] {strides = array<i32>} : memref<77x512xf32, #tpu.memory_space<vmem>>, vector<1x16xf32>,
      %swap3A_503 = vector.shape_cast %swap3A_502 : vector<1x16xf32> to vector<16xf32>
      %swap3A_504 = vector.shape_cast %get3A_217 : vector<16xf32> to vector<1x16xf32>
      tpu.vector_store %arg10[%swap3A_500, %swap3A_501], %swap3A_504 {strides = array<i32>} : memref<77x512xf32, #tpu.memory_space<vmem>>, vector<1x16xf32>,
    }
    %scan3A_4 = arith.constant 16 : i32
    %add3A_5 = arith.constant 0 : i32
    %add3A_6 = arith.addi %add3A_5, %add3A : i32
    %lt3A = arith.constant 1000 : i32
    %lt3A_7 = arith.cmpi slt, %add3A_6, %lt3A : i32
    %and3A = arith.constant true
    %and3A_8 = arith.andi %and3A, %lt3A_7 : i1
    %convert_element_type3A = arith.extui %and3A_8 : i1 to i32
    %cond3A = arith.constant 0 : i32
    %cond3A_9 = arith.cmpi ne, %convert_element_type3A, %cond3A : i32
    scf.if %cond3A_9 {
      %add3A_24 = arith.constant 0 : i32
      %add3A_25 = arith.addi %add3A_24, %add3A : i32
      %dma_start3A = arith.constant 0 : i32
      %dma_start3A_26 = arith.constant 0 : i32
      %dma_start3A_27 = tpu.memref_slice %arg3[%add3A_25, %dma_start3A, %dma_start3A_26] : memref<1000x15x512xf32, #tpu.memory_space<hbm>> -> memref<1x15x512xf32, #tpu.memory_space<hbm>>
      %dma_start3A_28 = tpu.memref_squeeze %dma_start3A_27 : memref<1x15x512xf32, #tpu.memory_space<hbm>> -> memref<15x512xf32, #tpu.memory_space<hbm>>
      %dma_start3A_29 = arith.constant 0 : i32
      %dma_start3A_30 = arith.constant 0 : i32
      %dma_start3A_31 = tpu.memref_slice %arg3[%add3A_25, %dma_start3A_29, %dma_start3A_30] : memref<1000x15x512xf32, #tpu.memory_space<hbm>> -> memref<1x15x512xf32, #tpu.memory_space<hbm>>
      %dma_start3A_32 = tpu.memref_squeeze %dma_start3A_31 : memref<1x15x512xf32, #tpu.memory_space<hbm>> -> memref<15x512xf32, #tpu.memory_space<hbm>>
      tpu.enqueue_dma source(%dma_start3A_32 : memref<15x512xf32, #tpu.memory_space<hbm>>) target(%arg6 : memref<15x512xf32, #tpu.memory_space<vmem>>) target_semaphore(%arg12 : memref<!tpu.dma_semaphore, #tpu.memory_space<semaphore_mem>>)
      %dma_start3A_33 = arith.constant 0 : i32
      %dma_start3A_34 = arith.constant 0 : i32
      %dma_start3A_35 = tpu.memref_slice %arg4[%add3A_25, %dma_start3A_33, %dma_start3A_34] : memref<1000x46x512xf32, #tpu.memory_space<hbm>> -> memref<1x46x512xf32, #tpu.memory_space<hbm>>
      %dma_start3A_36 = tpu.memref_squeeze %dma_start3A_35 : memref<1x46x512xf32, #tpu.memory_space<hbm>> -> memref<46x512xf32, #tpu.memory_space<hbm>>
      %dma_start3A_37 = arith.constant 0 : i32
      %dma_start3A_38 = arith.constant 0 : i32
      %dma_start3A_39 = tpu.memref_slice %arg4[%add3A_25, %dma_start3A_37, %dma_start3A_38] : memref<1000x46x512xf32, #tpu.memory_space<hbm>> -> memref<1x46x512xf32, #tpu.memory_space<hbm>>
      %dma_start3A_40 = tpu.memref_squeeze %dma_start3A_39 : memref<1x46x512xf32, #tpu.memory_space<hbm>> -> memref<46x512xf32, #tpu.memory_space<hbm>>
      tpu.enqueue_dma source(%dma_start3A_40 : memref<46x512xf32, #tpu.memory_space<hbm>>) target(%arg8 : memref<46x512xf32, #tpu.memory_space<vmem>>) target_semaphore(%arg12 : memref<!tpu.dma_semaphore, #tpu.memory_space<semaphore_mem>>)
    } else {
    }
    %scan3A_10 = arith.constant 0 : i32
    %scan3A_11 = arith.constant 16 : i32
    %scan3A_12 = arith.addi %scan3A_10, %scan3A_11 : i32
    %scan3A_13 = arith.constant 1 : i32
    scf.for %scan3A_24 = %scan3A_10 to %scan3A_12 step %scan3A_13  : i32 {
      %mul3A_25 = arith.constant 2 : i32
      %mul3A_26 = arith.muli %scan3A_24, %mul3A_25 : i32
      %add3A_27 = arith.constant 0 : i32
      %add3A_28 = arith.addi %mul3A_26, %add3A_27 : i32
      %add3A_29 = arith.constant 1 : i32
      %add3A_30 = arith.addi %add3A_28, %add3A_29 : i32
      %lt3A_31 = arith.constant 32 : i32
      %lt3A_32 = arith.cmpi slt, %add3A_30, %lt3A_31 : i32
      %mul3A_33 = arith.constant 32 : i32
      %mul3A_34 = arith.muli %add3A_30, %mul3A_33 : i32
      %add3A_35 = arith.addi %mul3A_34, %add3A : i32
      %lt3A_36 = arith.constant 1000 : i32
      %lt3A_37 = arith.cmpi slt, %add3A_35, %lt3A_36 : i32
      %and3A_38 = arith.andi %lt3A_32, %lt3A_37 : i1
      %convert_element_type3A_39 = arith.extui %and3A_38 : i1 to i32
      %cond3A_40 = arith.constant 0 : i32
      %cond3A_41 = arith.cmpi ne, %convert_element_type3A_39, %cond3A_40 : i32
      scf.if %cond3A_41 {
        %mul3A_115 = arith.constant 32 : i32
        %mul3A_116 = arith.muli %add3A_30, %mul3A_115 : i32
        %add3A_117 = arith.addi %mul3A_116, %add3A : i32
        %dma_start3A = arith.constant 0 : i32
        %dma_start3A_118 = arith.constant 0 : i32
        %dma_start3A_119 = tpu.memref_slice %arg3[%add3A_117, %dma_start3A, %dma_start3A_118] : memref<1000x15x512xf32, #tpu.memory_space<hbm>> -> memref<1x15x512xf32, #tpu.memory_space<hbm>>
        %dma_start3A_120 = tpu.memref_squeeze %dma_start3A_119 : memref<1x15x512xf32, #tpu.memory_space<hbm>> -> memref<15x512xf32, #tpu.memory_space<hbm>>
        %dma_start3A_121 = arith.constant 0 : i32
        %dma_start3A_122 = arith.constant 0 : i32
        %dma_start3A_123 = tpu.memref_slice %arg3[%add3A_117, %dma_start3A_121, %dma_start3A_122] : memref<1000x15x512xf32, #tpu.memory_space<hbm>> -> memref<1x15x512xf32, #tpu.memory_space<hbm>>
        %dma_start3A_124 = tpu.memref_squeeze %dma_start3A_123 : memref<1x15x512xf32, #tpu.memory_space<hbm>> -> memref<15x512xf32, #tpu.memory_space<hbm>>
        tpu.enqueue_dma source(%dma_start3A_124 : memref<15x512xf32, #tpu.memory_space<hbm>>) target(%arg7 : memref<15x512xf32, #tpu.memory_space<vmem>>) target_semaphore(%arg13 : memref<!tpu.dma_semaphore, #tpu.memory_space<semaphore_mem>>)
        %dma_start3A_125 = arith.constant 0 : i32
        %dma_start3A_126 = arith.constant 0 : i32
        %dma_start3A_127 = tpu.memref_slice %arg4[%add3A_117, %dma_start3A_125, %dma_start3A_126] : memref<1000x46x512xf32, #tpu.memory_space<hbm>> -> memref<1x46x512xf32, #tpu.memory_space<hbm>>
        %dma_start3A_128 = tpu.memref_squeeze %dma_start3A_127 : memref<1x46x512xf32, #tpu.memory_space<hbm>> -> memref<46x512xf32, #tpu.memory_space<hbm>>
        %dma_start3A_129 = arith.constant 0 : i32
        %dma_start3A_130 = arith.constant 0 : i32
        %dma_start3A_131 = tpu.memref_slice %arg4[%add3A_117, %dma_start3A_129, %dma_start3A_130] : memref<1000x46x512xf32, #tpu.memory_space<hbm>> -> memref<1x46x512xf32, #tpu.memory_space<hbm>>
        %dma_start3A_132 = tpu.memref_squeeze %dma_start3A_131 : memref<1x46x512xf32, #tpu.memory_space<hbm>> -> memref<46x512xf32, #tpu.memory_space<hbm>>
        tpu.enqueue_dma source(%dma_start3A_132 : memref<46x512xf32, #tpu.memory_space<hbm>>) target(%arg9 : memref<46x512xf32, #tpu.memory_space<vmem>>) target_semaphore(%arg13 : memref<!tpu.dma_semaphore, #tpu.memory_space<semaphore_mem>>)
      } else {
      }
      %mul3A_42 = arith.constant 32 : i32
      %mul3A_43 = arith.muli %add3A_28, %mul3A_42 : i32
      %add3A_44 = arith.addi %mul3A_43, %add3A : i32
      %lt3A_45 = arith.constant 1000 : i32
      %lt3A_46 = arith.cmpi slt, %add3A_44, %lt3A_45 : i32
      %convert_element_type3A_47 = arith.extui %lt3A_46 : i1 to i32
      %cond3A_48 = arith.constant 0 : i32
      %cond3A_49 = arith.cmpi ne, %convert_element_type3A_47, %cond3A_48 : i32
      scf.if %cond3A_49 {
        %mul3A_115 = arith.constant 32 : i32
        %mul3A_116 = arith.muli %add3A_28, %mul3A_115 : i32
        %add3A_117 = arith.addi %mul3A_116, %add3A : i32
        %dma_wait3A = arith.constant 0 : i32
        %dma_wait3A_118 = arith.constant 0 : i32
        %dma_wait3A_119 = tpu.memref_slice %arg3[%add3A_117, %dma_wait3A, %dma_wait3A_118] : memref<1000x15x512xf32, #tpu.memory_space<hbm>> -> memref<1x15x512xf32, #tpu.memory_space<hbm>>
        %dma_wait3A_120 = tpu.memref_squeeze %dma_wait3A_119 : memref<1x15x512xf32, #tpu.memory_space<hbm>> -> memref<15x512xf32, #tpu.memory_space<hbm>>
        %dma_wait3A_121 = arith.constant 0 : i32
        %dma_wait3A_122 = arith.constant 0 : i32
        %dma_wait3A_123 = tpu.memref_slice %arg3[%add3A_117, %dma_wait3A_121, %dma_wait3A_122] : memref<1000x15x512xf32, #tpu.memory_space<hbm>> -> memref<1x15x512xf32, #tpu.memory_space<hbm>>
        %dma_wait3A_124 = tpu.memref_squeeze %dma_wait3A_123 : memref<1x15x512xf32, #tpu.memory_space<hbm>> -> memref<15x512xf32, #tpu.memory_space<hbm>>
        tpu.wait_dma2 semaphore(%arg12 : memref<!tpu.dma_semaphore, #tpu.memory_space<semaphore_mem>>) src(%dma_wait3A_124 : memref<15x512xf32, #tpu.memory_space<hbm>>) dst(%arg6 : memref<15x512xf32, #tpu.memory_space<vmem>>)
        %dma_wait3A_125 = arith.constant 0 : i32
        %dma_wait3A_126 = arith.constant 0 : i32
        %dma_wait3A_127 = tpu.memref_slice %arg4[%add3A_117, %dma_wait3A_125, %dma_wait3A_126] : memref<1000x46x512xf32, #tpu.memory_space<hbm>> -> memref<1x46x512xf32, #tpu.memory_space<hbm>>
        %dma_wait3A_128 = tpu.memref_squeeze %dma_wait3A_127 : memref<1x46x512xf32, #tpu.memory_space<hbm>> -> memref<46x512xf32, #tpu.memory_space<hbm>>
        %dma_wait3A_129 = arith.constant 0 : i32
        %dma_wait3A_130 = arith.constant 0 : i32
        %dma_wait3A_131 = tpu.memref_slice %arg4[%add3A_117, %dma_wait3A_129, %dma_wait3A_130] : memref<1000x46x512xf32, #tpu.memory_space<hbm>> -> memref<1x46x512xf32, #tpu.memory_space<hbm>>
        %dma_wait3A_132 = tpu.memref_squeeze %dma_wait3A_131 : memref<1x46x512xf32, #tpu.memory_space<hbm>> -> memref<46x512xf32, #tpu.memory_space<hbm>>
        tpu.wait_dma2 semaphore(%arg12 : memref<!tpu.dma_semaphore, #tpu.memory_space<semaphore_mem>>) src(%dma_wait3A_132 : memref<46x512xf32, #tpu.memory_space<hbm>>) dst(%arg8 : memref<46x512xf32, #tpu.memory_space<vmem>>)
      } else {
      }
      %sub3A = arith.constant 1 : i32
      %sub3A_50 = arith.subi %add3A_28, %sub3A : i32
      %ge3A = arith.constant 0 : i32
      %ge3A_51 = arith.cmpi sge, %sub3A_50, %ge3A : i32
      %mul3A_52 = arith.constant 32 : i32
      %mul3A_53 = arith.muli %sub3A_50, %mul3A_52 : i32
      %add3A_54 = arith.addi %mul3A_53, %add3A : i32
      %lt3A_55 = arith.constant 1000 : i32
      %lt3A_56 = arith.cmpi slt, %add3A_54, %lt3A_55 : i32
      %and3A_57 = arith.andi %ge3A_51, %lt3A_56 : i1
      %convert_element_type3A_58 = arith.extui %and3A_57 : i1 to i32
      %cond3A_59 = arith.constant 0 : i32
      %cond3A_60 = arith.cmpi ne, %convert_element_type3A_58, %cond3A_59 : i32
      scf.if %cond3A_60 {
        %mul3A_115 = arith.constant 32 : i32
        %mul3A_116 = arith.muli %sub3A_50, %mul3A_115 : i32
        %add3A_117 = arith.addi %mul3A_116, %add3A : i32
        %dma_wait3A = arith.constant 0 : i32
        %dma_wait3A_118 = arith.constant 0 : i32
        %dma_wait3A_119 = tpu.memref_slice %arg5[%add3A_117, %dma_wait3A, %dma_wait3A_118] : memref<1000x77x512xf32, #tpu.memory_space<hbm>> -> memref<1x77x512xf32, #tpu.memory_space<hbm>>
        %dma_wait3A_120 = tpu.memref_squeeze %dma_wait3A_119 : memref<1x77x512xf32, #tpu.memory_space<hbm>> -> memref<77x512xf32, #tpu.memory_space<hbm>>
        %dma_wait3A_121 = arith.constant 0 : i32
        %dma_wait3A_122 = arith.constant 0 : i32
        %dma_wait3A_123 = tpu.memref_slice %arg5[%add3A_117, %dma_wait3A_121, %dma_wait3A_122] : memref<1000x77x512xf32, #tpu.memory_space<hbm>> -> memref<1x77x512xf32, #tpu.memory_space<hbm>>
        %dma_wait3A_124 = tpu.memref_squeeze %dma_wait3A_123 : memref<1x77x512xf32, #tpu.memory_space<hbm>> -> memref<77x512xf32, #tpu.memory_space<hbm>>
        tpu.wait_dma2 semaphore(%arg14 : memref<!tpu.dma_semaphore, #tpu.memory_space<semaphore_mem>>) src(%arg10 : memref<77x512xf32, #tpu.memory_space<vmem>>) dst(%dma_wait3A_124 : memref<77x512xf32, #tpu.memory_space<hbm>>)
      } else {
      }
      %mul3A_61 = arith.constant 32 : i32
      %mul3A_62 = arith.muli %add3A_28, %mul3A_61 : i32
      %add3A_63 = arith.addi %mul3A_62, %add3A : i32
      %lt3A_64 = arith.constant 1000 : i32
      %lt3A_65 = arith.cmpi slt, %add3A_63, %lt3A_64 : i32
      %convert_element_type3A_66 = arith.extui %lt3A_65 : i1 to i32
      %cond3A_67 = arith.constant 0 : i32
      %cond3A_68 = arith.cmpi ne, %convert_element_type3A_66, %cond3A_67 : i32
      scf.if %cond3A_68 {
        %mul3A_115 = arith.constant 32 : i32
        %mul3A_116 = arith.muli %add3A_28, %mul3A_115 : i32
        %add3A_117 = arith.addi %mul3A_116, %add3A : i32
        %scan3A_118 = arith.constant 0 : i32
        %scan3A_119 = arith.constant 15 : i32
        %scan3A_120 = arith.addi %scan3A_118, %scan3A_119 : i32
        %scan3A_121 = arith.constant 1 : i32
        scf.for %scan3A_135 = %scan3A_118 to %scan3A_120 step %scan3A_121  : i32 {
          %mul3A_136 = arith.constant 1 : i32
          %mul3A_137 = arith.muli %scan3A_135, %mul3A_136 : i32
          %add3A_138 = arith.constant 0 : i32
          %add3A_139 = arith.addi %mul3A_137, %add3A_138 : i32
          %get3A = arith.index_cast %add3A_139 : i32 to index
          %get3A_140 = arith.constant 0 : index
          %get3A_141 = tpu.vector_load %arg6[%get3A, %get3A_140] {strides = array<i32>} : memref<15x512xf32, #tpu.memory_space<vmem>>, vector<1x16xf32>,
          %get3A_142 = vector.shape_cast %get3A_141 : vector<1x16xf32> to vector<16xf32>
          %add3A_143 = arith.constant 0 : i32
          %add3A_144 = arith.addi %mul3A_137, %add3A_143 : i32
          %get3A_145 = arith.index_cast %add3A_144 : i32 to index
          %get3A_146 = arith.constant 16 : index
          %get3A_147 = tpu.vector_load %arg6[%get3A_145, %get3A_146] {strides = array<i32>} : memref<15x512xf32, #tpu.memory_space<vmem>>, vector<1x16xf32>,
          %get3A_148 = vector.shape_cast %get3A_147 : vector<1x16xf32> to vector<16xf32>
          %add3A_149 = arith.constant 0 : i32
          %add3A_150 = arith.addi %mul3A_137, %add3A_149 : i32
          %get3A_151 = arith.index_cast %add3A_150 : i32 to index
          %get3A_152 = arith.constant 32 : index
          %get3A_153 = tpu.vector_load %arg6[%get3A_151, %get3A_152] {strides = array<i32>} : memref<15x512xf32, #tpu.memory_space<vmem>>, vector<1x16xf32>,
          %get3A_154 = vector.shape_cast %get3A_153 : vector<1x16xf32> to vector<16xf32>
          %add3A_155 = arith.constant 0 : i32
          %add3A_156 = arith.addi %mul3A_137, %add3A_155 : i32
          %get3A_157 = arith.index_cast %add3A_156 : i32 to index
          %get3A_158 = arith.constant 48 : index
          %get3A_159 = tpu.vector_load %arg6[%get3A_157, %get3A_158] {strides = array<i32>} : memref<15x512xf32, #tpu.memory_space<vmem>>, vector<1x16xf32>,
          %get3A_160 = vector.shape_cast %get3A_159 : vector<1x16xf32> to vector<16xf32>
          %add3A_161 = arith.constant 0 : i32
          %add3A_162 = arith.addi %mul3A_137, %add3A_161 : i32
          %get3A_163 = arith.index_cast %add3A_162 : i32 to index
          %get3A_164 = arith.constant 64 : index
          %get3A_165 = tpu.vector_load %arg6[%get3A_163, %get3A_164] {strides = array<i32>} : memref<15x512xf32, #tpu.memory_space<vmem>>, vector<1x16xf32>,
          %get3A_166 = vector.shape_cast %get3A_165 : vector<1x16xf32> to vector<16xf32>
          %add3A_167 = arith.constant 0 : i32
          %add3A_168 = arith.addi %mul3A_137, %add3A_167 : i32
          %get3A_169 = arith.index_cast %add3A_168 : i32 to index
          %get3A_170 = arith.constant 80 : index
          %get3A_171 = tpu.vector_load %arg6[%get3A_169, %get3A_170] {strides = array<i32>} : memref<15x512xf32, #tpu.memory_space<vmem>>, vector<1x16xf32>,
          %get3A_172 = vector.shape_cast %get3A_171 : vector<1x16xf32> to vector<16xf32>
          %add3A_173 = arith.constant 0 : i32
          %add3A_174 = arith.addi %mul3A_137, %add3A_173 : i32
          %get3A_175 = arith.index_cast %add3A_174 : i32 to index
          %get3A_176 = arith.constant 96 : index
          %get3A_177 = tpu.vector_load %arg6[%get3A_175, %get3A_176] {strides = array<i32>} : memref<15x512xf32, #tpu.memory_space<vmem>>, vector<1x16xf32>,
          %get3A_178 = vector.shape_cast %get3A_177 : vector<1x16xf32> to vector<16xf32>
          %add3A_179 = arith.constant 0 : i32
          %add3A_180 = arith.addi %mul3A_137, %add3A_179 : i32
          %get3A_181 = arith.index_cast %add3A_180 : i32 to index
          %get3A_182 = arith.constant 112 : index
          %get3A_183 = tpu.vector_load %arg6[%get3A_181, %get3A_182] {strides = array<i32>} : memref<15x512xf32, #tpu.memory_space<vmem>>, vector<1x16xf32>,
          %get3A_184 = vector.shape_cast %get3A_183 : vector<1x16xf32> to vector<16xf32>
          %add3A_185 = arith.constant 0 : i32
          %add3A_186 = arith.addi %mul3A_137, %add3A_185 : i32
          %get3A_187 = arith.index_cast %add3A_186 : i32 to index
          %get3A_188 = arith.constant 128 : index
          %get3A_189 = tpu.vector_load %arg6[%get3A_187, %get3A_188] {strides = array<i32>} : memref<15x512xf32, #tpu.memory_space<vmem>>, vector<1x16xf32>,
          %get3A_190 = vector.shape_cast %get3A_189 : vector<1x16xf32> to vector<16xf32>
          %add3A_191 = arith.constant 0 : i32
          %add3A_192 = arith.addi %mul3A_137, %add3A_191 : i32
          %get3A_193 = arith.index_cast %add3A_192 : i32 to index
          %get3A_194 = arith.constant 144 : index
          %get3A_195 = tpu.vector_load %arg6[%get3A_193, %get3A_194] {strides = array<i32>} : memref<15x512xf32, #tpu.memory_space<vmem>>, vector<1x16xf32>,
          %get3A_196 = vector.shape_cast %get3A_195 : vector<1x16xf32> to vector<16xf32>
          %add3A_197 = arith.constant 0 : i32
          %add3A_198 = arith.addi %mul3A_137, %add3A_197 : i32
          %get3A_199 = arith.index_cast %add3A_198 : i32 to index
          %get3A_200 = arith.constant 160 : index
          %get3A_201 = tpu.vector_load %arg6[%get3A_199, %get3A_200] {strides = array<i32>} : memref<15x512xf32, #tpu.memory_space<vmem>>, vector<1x16xf32>,
          %get3A_202 = vector.shape_cast %get3A_201 : vector<1x16xf32> to vector<16xf32>
          %add3A_203 = arith.constant 0 : i32
          %add3A_204 = arith.addi %mul3A_137, %add3A_203 : i32
          %get3A_205 = arith.index_cast %add3A_204 : i32 to index
          %get3A_206 = arith.constant 176 : index
          %get3A_207 = tpu.vector_load %arg6[%get3A_205, %get3A_206] {strides = array<i32>} : memref<15x512xf32, #tpu.memory_space<vmem>>, vector<1x16xf32>,
          %get3A_208 = vector.shape_cast %get3A_207 : vector<1x16xf32> to vector<16xf32>
          %add3A_209 = arith.constant 0 : i32
          %add3A_210 = arith.addi %mul3A_137, %add3A_209 : i32
          %get3A_211 = arith.index_cast %add3A_210 : i32 to index
          %get3A_212 = arith.constant 192 : index
          %get3A_213 = tpu.vector_load %arg6[%get3A_211, %get3A_212] {strides = array<i32>} : memref<15x512xf32, #tpu.memory_space<vmem>>, vector<1x16xf32>,
          %get3A_214 = vector.shape_cast %get3A_213 : vector<1x16xf32> to vector<16xf32>
          %add3A_215 = arith.constant 0 : i32
          %add3A_216 = arith.addi %mul3A_137, %add3A_215 : i32
          %get3A_217 = arith.index_cast %add3A_216 : i32 to index
          %get3A_218 = arith.constant 208 : index
          %get3A_219 = tpu.vector_load %arg6[%get3A_217, %get3A_218] {strides = array<i32>} : memref<15x512xf32, #tpu.memory_space<vmem>>, vector<1x16xf32>,
          %get3A_220 = vector.shape_cast %get3A_219 : vector<1x16xf32> to vector<16xf32>
          %add3A_221 = arith.constant 0 : i32
          %add3A_222 = arith.addi %mul3A_137, %add3A_221 : i32
          %get3A_223 = arith.index_cast %add3A_222 : i32 to index
          %get3A_224 = arith.constant 224 : index
          %get3A_225 = tpu.vector_load %arg6[%get3A_223, %get3A_224] {strides = array<i32>} : memref<15x512xf32, #tpu.memory_space<vmem>>, vector<1x16xf32>,
          %get3A_226 = vector.shape_cast %get3A_225 : vector<1x16xf32> to vector<16xf32>
          %add3A_227 = arith.constant 0 : i32
          %add3A_228 = arith.addi %mul3A_137, %add3A_227 : i32
          %get3A_229 = arith.index_cast %add3A_228 : i32 to index
          %get3A_230 = arith.constant 240 : index
          %get3A_231 = tpu.vector_load %arg6[%get3A_229, %get3A_230] {strides = array<i32>} : memref<15x512xf32, #tpu.memory_space<vmem>>, vector<1x16xf32>,
          %get3A_232 = vector.shape_cast %get3A_231 : vector<1x16xf32> to vector<16xf32>
          %add3A_233 = arith.constant 0 : i32
          %add3A_234 = arith.addi %mul3A_137, %add3A_233 : i32
          %get3A_235 = arith.index_cast %add3A_234 : i32 to index
          %get3A_236 = arith.constant 256 : index
          %get3A_237 = tpu.vector_load %arg6[%get3A_235, %get3A_236] {strides = array<i32>} : memref<15x512xf32, #tpu.memory_space<vmem>>, vector<1x16xf32>,
          %get3A_238 = vector.shape_cast %get3A_237 : vector<1x16xf32> to vector<16xf32>
          %add3A_239 = arith.constant 0 : i32
          %add3A_240 = arith.addi %mul3A_137, %add3A_239 : i32
          %get3A_241 = arith.index_cast %add3A_240 : i32 to index
          %get3A_242 = arith.constant 272 : index
          %get3A_243 = tpu.vector_load %arg6[%get3A_241, %get3A_242] {strides = array<i32>} : memref<15x512xf32, #tpu.memory_space<vmem>>, vector<1x16xf32>,
          %get3A_244 = vector.shape_cast %get3A_243 : vector<1x16xf32> to vector<16xf32>
          %add3A_245 = arith.constant 0 : i32
          %add3A_246 = arith.addi %mul3A_137, %add3A_245 : i32
          %get3A_247 = arith.index_cast %add3A_246 : i32 to index
          %get3A_248 = arith.constant 288 : index
          %get3A_249 = tpu.vector_load %arg6[%get3A_247, %get3A_248] {strides = array<i32>} : memref<15x512xf32, #tpu.memory_space<vmem>>, vector<1x16xf32>,
          %get3A_250 = vector.shape_cast %get3A_249 : vector<1x16xf32> to vector<16xf32>
          %add3A_251 = arith.constant 0 : i32
          %add3A_252 = arith.addi %mul3A_137, %add3A_251 : i32
          %get3A_253 = arith.index_cast %add3A_252 : i32 to index
          %get3A_254 = arith.constant 304 : index
          %get3A_255 = tpu.vector_load %arg6[%get3A_253, %get3A_254] {strides = array<i32>} : memref<15x512xf32, #tpu.memory_space<vmem>>, vector<1x16xf32>,
          %get3A_256 = vector.shape_cast %get3A_255 : vector<1x16xf32> to vector<16xf32>
          %add3A_257 = arith.constant 0 : i32
          %add3A_258 = arith.addi %mul3A_137, %add3A_257 : i32
          %get3A_259 = arith.index_cast %add3A_258 : i32 to index
          %get3A_260 = arith.constant 320 : index
          %get3A_261 = tpu.vector_load %arg6[%get3A_259, %get3A_260] {strides = array<i32>} : memref<15x512xf32, #tpu.memory_space<vmem>>, vector<1x16xf32>,
          %get3A_262 = vector.shape_cast %get3A_261 : vector<1x16xf32> to vector<16xf32>
          %add3A_263 = arith.constant 0 : i32
          %add3A_264 = arith.addi %mul3A_137, %add3A_263 : i32
          %get3A_265 = arith.index_cast %add3A_264 : i32 to index
          %get3A_266 = arith.constant 336 : index
          %get3A_267 = tpu.vector_load %arg6[%get3A_265, %get3A_266] {strides = array<i32>} : memref<15x512xf32, #tpu.memory_space<vmem>>, vector<1x16xf32>,
          %get3A_268 = vector.shape_cast %get3A_267 : vector<1x16xf32> to vector<16xf32>
          %add3A_269 = arith.constant 0 : i32
          %add3A_270 = arith.addi %mul3A_137, %add3A_269 : i32
          %get3A_271 = arith.index_cast %add3A_270 : i32 to index
          %get3A_272 = arith.constant 352 : index
          %get3A_273 = tpu.vector_load %arg6[%get3A_271, %get3A_272] {strides = array<i32>} : memref<15x512xf32, #tpu.memory_space<vmem>>, vector<1x16xf32>,
          %get3A_274 = vector.shape_cast %get3A_273 : vector<1x16xf32> to vector<16xf32>
          %add3A_275 = arith.constant 0 : i32
          %add3A_276 = arith.addi %mul3A_137, %add3A_275 : i32
          %get3A_277 = arith.index_cast %add3A_276 : i32 to index
          %get3A_278 = arith.constant 368 : index
          %get3A_279 = tpu.vector_load %arg6[%get3A_277, %get3A_278] {strides = array<i32>} : memref<15x512xf32, #tpu.memory_space<vmem>>, vector<1x16xf32>,
          %get3A_280 = vector.shape_cast %get3A_279 : vector<1x16xf32> to vector<16xf32>
          %add3A_281 = arith.constant 0 : i32
          %add3A_282 = arith.addi %mul3A_137, %add3A_281 : i32
          %get3A_283 = arith.index_cast %add3A_282 : i32 to index
          %get3A_284 = arith.constant 384 : index
          %get3A_285 = tpu.vector_load %arg6[%get3A_283, %get3A_284] {strides = array<i32>} : memref<15x512xf32, #tpu.memory_space<vmem>>, vector<1x16xf32>,
          %get3A_286 = vector.shape_cast %get3A_285 : vector<1x16xf32> to vector<16xf32>
          %add3A_287 = arith.constant 0 : i32
          %add3A_288 = arith.addi %mul3A_137, %add3A_287 : i32
          %get3A_289 = arith.index_cast %add3A_288 : i32 to index
          %get3A_290 = arith.constant 400 : index
          %get3A_291 = tpu.vector_load %arg6[%get3A_289, %get3A_290] {strides = array<i32>} : memref<15x512xf32, #tpu.memory_space<vmem>>, vector<1x16xf32>,
          %get3A_292 = vector.shape_cast %get3A_291 : vector<1x16xf32> to vector<16xf32>
          %add3A_293 = arith.constant 0 : i32
          %add3A_294 = arith.addi %mul3A_137, %add3A_293 : i32
          %get3A_295 = arith.index_cast %add3A_294 : i32 to index
          %get3A_296 = arith.constant 416 : index
          %get3A_297 = tpu.vector_load %arg6[%get3A_295, %get3A_296] {strides = array<i32>} : memref<15x512xf32, #tpu.memory_space<vmem>>, vector<1x16xf32>,
          %get3A_298 = vector.shape_cast %get3A_297 : vector<1x16xf32> to vector<16xf32>
          %add3A_299 = arith.constant 0 : i32
          %add3A_300 = arith.addi %mul3A_137, %add3A_299 : i32
          %get3A_301 = arith.index_cast %add3A_300 : i32 to index
          %get3A_302 = arith.constant 432 : index
          %get3A_303 = tpu.vector_load %arg6[%get3A_301, %get3A_302] {strides = array<i32>} : memref<15x512xf32, #tpu.memory_space<vmem>>, vector<1x16xf32>,
          %get3A_304 = vector.shape_cast %get3A_303 : vector<1x16xf32> to vector<16xf32>
          %add3A_305 = arith.constant 0 : i32
          %add3A_306 = arith.addi %mul3A_137, %add3A_305 : i32
          %get3A_307 = arith.index_cast %add3A_306 : i32 to index
          %get3A_308 = arith.constant 448 : index
          %get3A_309 = tpu.vector_load %arg6[%get3A_307, %get3A_308] {strides = array<i32>} : memref<15x512xf32, #tpu.memory_space<vmem>>, vector<1x16xf32>,
          %get3A_310 = vector.shape_cast %get3A_309 : vector<1x16xf32> to vector<16xf32>
          %add3A_311 = arith.constant 0 : i32
          %add3A_312 = arith.addi %mul3A_137, %add3A_311 : i32
          %get3A_313 = arith.index_cast %add3A_312 : i32 to index
          %get3A_314 = arith.constant 464 : index
          %get3A_315 = tpu.vector_load %arg6[%get3A_313, %get3A_314] {strides = array<i32>} : memref<15x512xf32, #tpu.memory_space<vmem>>, vector<1x16xf32>,
          %get3A_316 = vector.shape_cast %get3A_315 : vector<1x16xf32> to vector<16xf32>
          %add3A_317 = arith.constant 0 : i32
          %add3A_318 = arith.addi %mul3A_137, %add3A_317 : i32
          %get3A_319 = arith.index_cast %add3A_318 : i32 to index
          %get3A_320 = arith.constant 480 : index
          %get3A_321 = tpu.vector_load %arg6[%get3A_319, %get3A_320] {strides = array<i32>} : memref<15x512xf32, #tpu.memory_space<vmem>>, vector<1x16xf32>,
          %get3A_322 = vector.shape_cast %get3A_321 : vector<1x16xf32> to vector<16xf32>
          %add3A_323 = arith.constant 0 : i32
          %add3A_324 = arith.addi %mul3A_137, %add3A_323 : i32
          %get3A_325 = arith.index_cast %add3A_324 : i32 to index
          %get3A_326 = arith.constant 496 : index
          %get3A_327 = tpu.vector_load %arg6[%get3A_325, %get3A_326] {strides = array<i32>} : memref<15x512xf32, #tpu.memory_space<vmem>>, vector<1x16xf32>,
          %get3A_328 = vector.shape_cast %get3A_327 : vector<1x16xf32> to vector<16xf32>
          %add3A_329 = arith.constant 0 : i32
          %add3A_330 = arith.addi %add3A_329, %mul3A_137 : i32
          %add3A_331 = arith.constant 0 : i32
          %add3A_332 = arith.addi %add3A_330, %add3A_331 : i32
          %swap3A = arith.index_cast %add3A_332 : i32 to index
          %swap3A_333 = arith.constant 0 : index
          %swap3A_334 = tpu.vector_load %arg10[%swap3A, %swap3A_333] {strides = array<i32>} : memref<77x512xf32, #tpu.memory_space<vmem>>, vector<1x16xf32>,
          %swap3A_335 = vector.shape_cast %swap3A_334 : vector<1x16xf32> to vector<16xf32>
          %swap3A_336 = vector.shape_cast %get3A_142 : vector<16xf32> to vector<1x16xf32>
          tpu.vector_store %arg10[%swap3A, %swap3A_333], %swap3A_336 {strides = array<i32>} : memref<77x512xf32, #tpu.memory_space<vmem>>, vector<1x16xf32>,
          %add3A_337 = arith.constant 0 : i32
          %add3A_338 = arith.addi %add3A_337, %mul3A_137 : i32
          %add3A_339 = arith.constant 0 : i32
          %add3A_340 = arith.addi %add3A_338, %add3A_339 : i32
          %swap3A_341 = arith.index_cast %add3A_340 : i32 to index
          %swap3A_342 = arith.constant 16 : index
          %swap3A_343 = tpu.vector_load %arg10[%swap3A_341, %swap3A_342] {strides = array<i32>} : memref<77x512xf32, #tpu.memory_space<vmem>>, vector<1x16xf32>,
          %swap3A_344 = vector.shape_cast %swap3A_343 : vector<1x16xf32> to vector<16xf32>
          %swap3A_345 = vector.shape_cast %get3A_148 : vector<16xf32> to vector<1x16xf32>
          tpu.vector_store %arg10[%swap3A_341, %swap3A_342], %swap3A_345 {strides = array<i32>} : memref<77x512xf32, #tpu.memory_space<vmem>>, vector<1x16xf32>,
          %add3A_346 = arith.constant 0 : i32
          %add3A_347 = arith.addi %add3A_346, %mul3A_137 : i32
          %add3A_348 = arith.constant 0 : i32
          %add3A_349 = arith.addi %add3A_347, %add3A_348 : i32
          %swap3A_350 = arith.index_cast %add3A_349 : i32 to index
          %swap3A_351 = arith.constant 32 : index
          %swap3A_352 = tpu.vector_load %arg10[%swap3A_350, %swap3A_351] {strides = array<i32>} : memref<77x512xf32, #tpu.memory_space<vmem>>, vector<1x16xf32>,
          %swap3A_353 = vector.shape_cast %swap3A_352 : vector<1x16xf32> to vector<16xf32>
          %swap3A_354 = vector.shape_cast %get3A_154 : vector<16xf32> to vector<1x16xf32>
          tpu.vector_store %arg10[%swap3A_350, %swap3A_351], %swap3A_354 {strides = array<i32>} : memref<77x512xf32, #tpu.memory_space<vmem>>, vector<1x16xf32>,
          %add3A_355 = arith.constant 0 : i32
          %add3A_356 = arith.addi %add3A_355, %mul3A_137 : i32
          %add3A_357 = arith.constant 0 : i32
          %add3A_358 = arith.addi %add3A_356, %add3A_357 : i32
          %swap3A_359 = arith.index_cast %add3A_358 : i32 to index
          %swap3A_360 = arith.constant 48 : index
          %swap3A_361 = tpu.vector_load %arg10[%swap3A_359, %swap3A_360] {strides = array<i32>} : memref<77x512xf32, #tpu.memory_space<vmem>>, vector<1x16xf32>,
          %swap3A_362 = vector.shape_cast %swap3A_361 : vector<1x16xf32> to vector<16xf32>
          %swap3A_363 = vector.shape_cast %get3A_160 : vector<16xf32> to vector<1x16xf32>
          tpu.vector_store %arg10[%swap3A_359, %swap3A_360], %swap3A_363 {strides = array<i32>} : memref<77x512xf32, #tpu.memory_space<vmem>>, vector<1x16xf32>,
          %add3A_364 = arith.constant 0 : i32
          %add3A_365 = arith.addi %add3A_364, %mul3A_137 : i32
          %add3A_366 = arith.constant 0 : i32
          %add3A_367 = arith.addi %add3A_365, %add3A_366 : i32
          %swap3A_368 = arith.index_cast %add3A_367 : i32 to index
          %swap3A_369 = arith.constant 64 : index
          %swap3A_370 = tpu.vector_load %arg10[%swap3A_368, %swap3A_369] {strides = array<i32>} : memref<77x512xf32, #tpu.memory_space<vmem>>, vector<1x16xf32>,
          %swap3A_371 = vector.shape_cast %swap3A_370 : vector<1x16xf32> to vector<16xf32>
          %swap3A_372 = vector.shape_cast %get3A_166 : vector<16xf32> to vector<1x16xf32>
          tpu.vector_store %arg10[%swap3A_368, %swap3A_369], %swap3A_372 {strides = array<i32>} : memref<77x512xf32, #tpu.memory_space<vmem>>, vector<1x16xf32>,
          %add3A_373 = arith.constant 0 : i32
          %add3A_374 = arith.addi %add3A_373, %mul3A_137 : i32
          %add3A_375 = arith.constant 0 : i32
          %add3A_376 = arith.addi %add3A_374, %add3A_375 : i32
          %swap3A_377 = arith.index_cast %add3A_376 : i32 to index
          %swap3A_378 = arith.constant 80 : index
          %swap3A_379 = tpu.vector_load %arg10[%swap3A_377, %swap3A_378] {strides = array<i32>} : memref<77x512xf32, #tpu.memory_space<vmem>>, vector<1x16xf32>,
          %swap3A_380 = vector.shape_cast %swap3A_379 : vector<1x16xf32> to vector<16xf32>
          %swap3A_381 = vector.shape_cast %get3A_172 : vector<16xf32> to vector<1x16xf32>
          tpu.vector_store %arg10[%swap3A_377, %swap3A_378], %swap3A_381 {strides = array<i32>} : memref<77x512xf32, #tpu.memory_space<vmem>>, vector<1x16xf32>,
          %add3A_382 = arith.constant 0 : i32
          %add3A_383 = arith.addi %add3A_382, %mul3A_137 : i32
          %add3A_384 = arith.constant 0 : i32
          %add3A_385 = arith.addi %add3A_383, %add3A_384 : i32
          %swap3A_386 = arith.index_cast %add3A_385 : i32 to index
          %swap3A_387 = arith.constant 96 : index
          %swap3A_388 = tpu.vector_load %arg10[%swap3A_386, %swap3A_387] {strides = array<i32>} : memref<77x512xf32, #tpu.memory_space<vmem>>, vector<1x16xf32>,
          %swap3A_389 = vector.shape_cast %swap3A_388 : vector<1x16xf32> to vector<16xf32>
          %swap3A_390 = vector.shape_cast %get3A_178 : vector<16xf32> to vector<1x16xf32>
          tpu.vector_store %arg10[%swap3A_386, %swap3A_387], %swap3A_390 {strides = array<i32>} : memref<77x512xf32, #tpu.memory_space<vmem>>, vector<1x16xf32>,
          %add3A_391 = arith.constant 0 : i32
          %add3A_392 = arith.addi %add3A_391, %mul3A_137 : i32
          %add3A_393 = arith.constant 0 : i32
          %add3A_394 = arith.addi %add3A_392, %add3A_393 : i32
          %swap3A_395 = arith.index_cast %add3A_394 : i32 to index
          %swap3A_396 = arith.constant 112 : index
          %swap3A_397 = tpu.vector_load %arg10[%swap3A_395, %swap3A_396] {strides = array<i32>} : memref<77x512xf32, #tpu.memory_space<vmem>>, vector<1x16xf32>,
          %swap3A_398 = vector.shape_cast %swap3A_397 : vector<1x16xf32> to vector<16xf32>
          %swap3A_399 = vector.shape_cast %get3A_184 : vector<16xf32> to vector<1x16xf32>
          tpu.vector_store %arg10[%swap3A_395, %swap3A_396], %swap3A_399 {strides = array<i32>} : memref<77x512xf32, #tpu.memory_space<vmem>>, vector<1x16xf32>,
          %add3A_400 = arith.constant 0 : i32
          %add3A_401 = arith.addi %add3A_400, %mul3A_137 : i32
          %add3A_402 = arith.constant 0 : i32
          %add3A_403 = arith.addi %add3A_401, %add3A_402 : i32
          %swap3A_404 = arith.index_cast %add3A_403 : i32 to index
          %swap3A_405 = arith.constant 128 : index
          %swap3A_406 = tpu.vector_load %arg10[%swap3A_404, %swap3A_405] {strides = array<i32>} : memref<77x512xf32, #tpu.memory_space<vmem>>, vector<1x16xf32>,
          %swap3A_407 = vector.shape_cast %swap3A_406 : vector<1x16xf32> to vector<16xf32>
          %swap3A_408 = vector.shape_cast %get3A_190 : vector<16xf32> to vector<1x16xf32>
          tpu.vector_store %arg10[%swap3A_404, %swap3A_405], %swap3A_408 {strides = array<i32>} : memref<77x512xf32, #tpu.memory_space<vmem>>, vector<1x16xf32>,
          %add3A_409 = arith.constant 0 : i32
          %add3A_410 = arith.addi %add3A_409, %mul3A_137 : i32
          %add3A_411 = arith.constant 0 : i32
          %add3A_412 = arith.addi %add3A_410, %add3A_411 : i32
          %swap3A_413 = arith.index_cast %add3A_412 : i32 to index
          %swap3A_414 = arith.constant 144 : index
          %swap3A_415 = tpu.vector_load %arg10[%swap3A_413, %swap3A_414] {strides = array<i32>} : memref<77x512xf32, #tpu.memory_space<vmem>>, vector<1x16xf32>,
          %swap3A_416 = vector.shape_cast %swap3A_415 : vector<1x16xf32> to vector<16xf32>
          %swap3A_417 = vector.shape_cast %get3A_196 : vector<16xf32> to vector<1x16xf32>
          tpu.vector_store %arg10[%swap3A_413, %swap3A_414], %swap3A_417 {strides = array<i32>} : memref<77x512xf32, #tpu.memory_space<vmem>>, vector<1x16xf32>,
          %add3A_418 = arith.constant 0 : i32
          %add3A_419 = arith.addi %add3A_418, %mul3A_137 : i32
          %add3A_420 = arith.constant 0 : i32
          %add3A_421 = arith.addi %add3A_419, %add3A_420 : i32
          %swap3A_422 = arith.index_cast %add3A_421 : i32 to index
          %swap3A_423 = arith.constant 160 : index
          %swap3A_424 = tpu.vector_load %arg10[%swap3A_422, %swap3A_423] {strides = array<i32>} : memref<77x512xf32, #tpu.memory_space<vmem>>, vector<1x16xf32>,
          %swap3A_425 = vector.shape_cast %swap3A_424 : vector<1x16xf32> to vector<16xf32>
          %swap3A_426 = vector.shape_cast %get3A_202 : vector<16xf32> to vector<1x16xf32>
          tpu.vector_store %arg10[%swap3A_422, %swap3A_423], %swap3A_426 {strides = array<i32>} : memref<77x512xf32, #tpu.memory_space<vmem>>, vector<1x16xf32>,
          %add3A_427 = arith.constant 0 : i32
          %add3A_428 = arith.addi %add3A_427, %mul3A_137 : i32
          %add3A_429 = arith.constant 0 : i32
          %add3A_430 = arith.addi %add3A_428, %add3A_429 : i32
          %swap3A_431 = arith.index_cast %add3A_430 : i32 to index
          %swap3A_432 = arith.constant 176 : index
          %swap3A_433 = tpu.vector_load %arg10[%swap3A_431, %swap3A_432] {strides = array<i32>} : memref<77x512xf32, #tpu.memory_space<vmem>>, vector<1x16xf32>,
          %swap3A_434 = vector.shape_cast %swap3A_433 : vector<1x16xf32> to vector<16xf32>
          %swap3A_435 = vector.shape_cast %get3A_208 : vector<16xf32> to vector<1x16xf32>
          tpu.vector_store %arg10[%swap3A_431, %swap3A_432], %swap3A_435 {strides = array<i32>} : memref<77x512xf32, #tpu.memory_space<vmem>>, vector<1x16xf32>,
          %add3A_436 = arith.constant 0 : i32
          %add3A_437 = arith.addi %add3A_436, %mul3A_137 : i32
          %add3A_438 = arith.constant 0 : i32
          %add3A_439 = arith.addi %add3A_437, %add3A_438 : i32
          %swap3A_440 = arith.index_cast %add3A_439 : i32 to index
          %swap3A_441 = arith.constant 192 : index
          %swap3A_442 = tpu.vector_load %arg10[%swap3A_440, %swap3A_441] {strides = array<i32>} : memref<77x512xf32, #tpu.memory_space<vmem>>, vector<1x16xf32>,
          %swap3A_443 = vector.shape_cast %swap3A_442 : vector<1x16xf32> to vector<16xf32>
          %swap3A_444 = vector.shape_cast %get3A_214 : vector<16xf32> to vector<1x16xf32>
          tpu.vector_store %arg10[%swap3A_440, %swap3A_441], %swap3A_444 {strides = array<i32>} : memref<77x512xf32, #tpu.memory_space<vmem>>, vector<1x16xf32>,
          %add3A_445 = arith.constant 0 : i32
          %add3A_446 = arith.addi %add3A_445, %mul3A_137 : i32
          %add3A_447 = arith.constant 0 : i32
          %add3A_448 = arith.addi %add3A_446, %add3A_447 : i32
          %swap3A_449 = arith.index_cast %add3A_448 : i32 to index
          %swap3A_450 = arith.constant 208 : index
          %swap3A_451 = tpu.vector_load %arg10[%swap3A_449, %swap3A_450] {strides = array<i32>} : memref<77x512xf32, #tpu.memory_space<vmem>>, vector<1x16xf32>,
          %swap3A_452 = vector.shape_cast %swap3A_451 : vector<1x16xf32> to vector<16xf32>
          %swap3A_453 = vector.shape_cast %get3A_220 : vector<16xf32> to vector<1x16xf32>
          tpu.vector_store %arg10[%swap3A_449, %swap3A_450], %swap3A_453 {strides = array<i32>} : memref<77x512xf32, #tpu.memory_space<vmem>>, vector<1x16xf32>,
          %add3A_454 = arith.constant 0 : i32
          %add3A_455 = arith.addi %add3A_454, %mul3A_137 : i32
          %add3A_456 = arith.constant 0 : i32
          %add3A_457 = arith.addi %add3A_455, %add3A_456 : i32
          %swap3A_458 = arith.index_cast %add3A_457 : i32 to index
          %swap3A_459 = arith.constant 224 : index
          %swap3A_460 = tpu.vector_load %arg10[%swap3A_458, %swap3A_459] {strides = array<i32>} : memref<77x512xf32, #tpu.memory_space<vmem>>, vector<1x16xf32>,
          %swap3A_461 = vector.shape_cast %swap3A_460 : vector<1x16xf32> to vector<16xf32>
          %swap3A_462 = vector.shape_cast %get3A_226 : vector<16xf32> to vector<1x16xf32>
          tpu.vector_store %arg10[%swap3A_458, %swap3A_459], %swap3A_462 {strides = array<i32>} : memref<77x512xf32, #tpu.memory_space<vmem>>, vector<1x16xf32>,
          %add3A_463 = arith.constant 0 : i32
          %add3A_464 = arith.addi %add3A_463, %mul3A_137 : i32
          %add3A_465 = arith.constant 0 : i32
          %add3A_466 = arith.addi %add3A_464, %add3A_465 : i32
          %swap3A_467 = arith.index_cast %add3A_466 : i32 to index
          %swap3A_468 = arith.constant 240 : index
          %swap3A_469 = tpu.vector_load %arg10[%swap3A_467, %swap3A_468] {strides = array<i32>} : memref<77x512xf32, #tpu.memory_space<vmem>>, vector<1x16xf32>,
          %swap3A_470 = vector.shape_cast %swap3A_469 : vector<1x16xf32> to vector<16xf32>
          %swap3A_471 = vector.shape_cast %get3A_232 : vector<16xf32> to vector<1x16xf32>
          tpu.vector_store %arg10[%swap3A_467, %swap3A_468], %swap3A_471 {strides = array<i32>} : memref<77x512xf32, #tpu.memory_space<vmem>>, vector<1x16xf32>,
          %add3A_472 = arith.constant 0 : i32
          %add3A_473 = arith.addi %add3A_472, %mul3A_137 : i32
          %add3A_474 = arith.constant 0 : i32
          %add3A_475 = arith.addi %add3A_473, %add3A_474 : i32
          %swap3A_476 = arith.index_cast %add3A_475 : i32 to index
          %swap3A_477 = arith.constant 256 : index
          %swap3A_478 = tpu.vector_load %arg10[%swap3A_476, %swap3A_477] {strides = array<i32>} : memref<77x512xf32, #tpu.memory_space<vmem>>, vector<1x16xf32>,
          %swap3A_479 = vector.shape_cast %swap3A_478 : vector<1x16xf32> to vector<16xf32>
          %swap3A_480 = vector.shape_cast %get3A_238 : vector<16xf32> to vector<1x16xf32>
          tpu.vector_store %arg10[%swap3A_476, %swap3A_477], %swap3A_480 {strides = array<i32>} : memref<77x512xf32, #tpu.memory_space<vmem>>, vector<1x16xf32>,
          %add3A_481 = arith.constant 0 : i32
          %add3A_482 = arith.addi %add3A_481, %mul3A_137 : i32
          %add3A_483 = arith.constant 0 : i32
          %add3A_484 = arith.addi %add3A_482, %add3A_483 : i32
          %swap3A_485 = arith.index_cast %add3A_484 : i32 to index
          %swap3A_486 = arith.constant 272 : index
          %swap3A_487 = tpu.vector_load %arg10[%swap3A_485, %swap3A_486] {strides = array<i32>} : memref<77x512xf32, #tpu.memory_space<vmem>>, vector<1x16xf32>,
          %swap3A_488 = vector.shape_cast %swap3A_487 : vector<1x16xf32> to vector<16xf32>
          %swap3A_489 = vector.shape_cast %get3A_244 : vector<16xf32> to vector<1x16xf32>
          tpu.vector_store %arg10[%swap3A_485, %swap3A_486], %swap3A_489 {strides = array<i32>} : memref<77x512xf32, #tpu.memory_space<vmem>>, vector<1x16xf32>,
          %add3A_490 = arith.constant 0 : i32
          %add3A_491 = arith.addi %add3A_490, %mul3A_137 : i32
          %add3A_492 = arith.constant 0 : i32
          %add3A_493 = arith.addi %add3A_491, %add3A_492 : i32
          %swap3A_494 = arith.index_cast %add3A_493 : i32 to index
          %swap3A_495 = arith.constant 288 : index
          %swap3A_496 = tpu.vector_load %arg10[%swap3A_494, %swap3A_495] {strides = array<i32>} : memref<77x512xf32, #tpu.memory_space<vmem>>, vector<1x16xf32>,
          %swap3A_497 = vector.shape_cast %swap3A_496 : vector<1x16xf32> to vector<16xf32>
          %swap3A_498 = vector.shape_cast %get3A_250 : vector<16xf32> to vector<1x16xf32>
          tpu.vector_store %arg10[%swap3A_494, %swap3A_495], %swap3A_498 {strides = array<i32>} : memref<77x512xf32, #tpu.memory_space<vmem>>, vector<1x16xf32>,
          %add3A_499 = arith.constant 0 : i32
          %add3A_500 = arith.addi %add3A_499, %mul3A_137 : i32
          %add3A_501 = arith.constant 0 : i32
          %add3A_502 = arith.addi %add3A_500, %add3A_501 : i32
          %swap3A_503 = arith.index_cast %add3A_502 : i32 to index
          %swap3A_504 = arith.constant 304 : index
          %swap3A_505 = tpu.vector_load %arg10[%swap3A_503, %swap3A_504] {strides = array<i32>} : memref<77x512xf32, #tpu.memory_space<vmem>>, vector<1x16xf32>,
          %swap3A_506 = vector.shape_cast %swap3A_505 : vector<1x16xf32> to vector<16xf32>
          %swap3A_507 = vector.shape_cast %get3A_256 : vector<16xf32> to vector<1x16xf32>
          tpu.vector_store %arg10[%swap3A_503, %swap3A_504], %swap3A_507 {strides = array<i32>} : memref<77x512xf32, #tpu.memory_space<vmem>>, vector<1x16xf32>,
          %add3A_508 = arith.constant 0 : i32
          %add3A_509 = arith.addi %add3A_508, %mul3A_137 : i32
          %add3A_510 = arith.constant 0 : i32
          %add3A_511 = arith.addi %add3A_509, %add3A_510 : i32
          %swap3A_512 = arith.index_cast %add3A_511 : i32 to index
          %swap3A_513 = arith.constant 320 : index
          %swap3A_514 = tpu.vector_load %arg10[%swap3A_512, %swap3A_513] {strides = array<i32>} : memref<77x512xf32, #tpu.memory_space<vmem>>, vector<1x16xf32>,
          %swap3A_515 = vector.shape_cast %swap3A_514 : vector<1x16xf32> to vector<16xf32>
          %swap3A_516 = vector.shape_cast %get3A_262 : vector<16xf32> to vector<1x16xf32>
          tpu.vector_store %arg10[%swap3A_512, %swap3A_513], %swap3A_516 {strides = array<i32>} : memref<77x512xf32, #tpu.memory_space<vmem>>, vector<1x16xf32>,
          %add3A_517 = arith.constant 0 : i32
          %add3A_518 = arith.addi %add3A_517, %mul3A_137 : i32
          %add3A_519 = arith.constant 0 : i32
          %add3A_520 = arith.addi %add3A_518, %add3A_519 : i32
          %swap3A_521 = arith.index_cast %add3A_520 : i32 to index
          %swap3A_522 = arith.constant 336 : index
          %swap3A_523 = tpu.vector_load %arg10[%swap3A_521, %swap3A_522] {strides = array<i32>} : memref<77x512xf32, #tpu.memory_space<vmem>>, vector<1x16xf32>,
          %swap3A_524 = vector.shape_cast %swap3A_523 : vector<1x16xf32> to vector<16xf32>
          %swap3A_525 = vector.shape_cast %get3A_268 : vector<16xf32> to vector<1x16xf32>
          tpu.vector_store %arg10[%swap3A_521, %swap3A_522], %swap3A_525 {strides = array<i32>} : memref<77x512xf32, #tpu.memory_space<vmem>>, vector<1x16xf32>,
          %add3A_526 = arith.constant 0 : i32
          %add3A_527 = arith.addi %add3A_526, %mul3A_137 : i32
          %add3A_528 = arith.constant 0 : i32
          %add3A_529 = arith.addi %add3A_527, %add3A_528 : i32
          %swap3A_530 = arith.index_cast %add3A_529 : i32 to index
          %swap3A_531 = arith.constant 352 : index
          %swap3A_532 = tpu.vector_load %arg10[%swap3A_530, %swap3A_531] {strides = array<i32>} : memref<77x512xf32, #tpu.memory_space<vmem>>, vector<1x16xf32>,
          %swap3A_533 = vector.shape_cast %swap3A_532 : vector<1x16xf32> to vector<16xf32>
          %swap3A_534 = vector.shape_cast %get3A_274 : vector<16xf32> to vector<1x16xf32>
          tpu.vector_store %arg10[%swap3A_530, %swap3A_531], %swap3A_534 {strides = array<i32>} : memref<77x512xf32, #tpu.memory_space<vmem>>, vector<1x16xf32>,
          %add3A_535 = arith.constant 0 : i32
          %add3A_536 = arith.addi %add3A_535, %mul3A_137 : i32
          %add3A_537 = arith.constant 0 : i32
          %add3A_538 = arith.addi %add3A_536, %add3A_537 : i32
          %swap3A_539 = arith.index_cast %add3A_538 : i32 to index
          %swap3A_540 = arith.constant 368 : index
          %swap3A_541 = tpu.vector_load %arg10[%swap3A_539, %swap3A_540] {strides = array<i32>} : memref<77x512xf32, #tpu.memory_space<vmem>>, vector<1x16xf32>,
          %swap3A_542 = vector.shape_cast %swap3A_541 : vector<1x16xf32> to vector<16xf32>
          %swap3A_543 = vector.shape_cast %get3A_280 : vector<16xf32> to vector<1x16xf32>
          tpu.vector_store %arg10[%swap3A_539, %swap3A_540], %swap3A_543 {strides = array<i32>} : memref<77x512xf32, #tpu.memory_space<vmem>>, vector<1x16xf32>,
          %add3A_544 = arith.constant 0 : i32
          %add3A_545 = arith.addi %add3A_544, %mul3A_137 : i32
          %add3A_546 = arith.constant 0 : i32
          %add3A_547 = arith.addi %add3A_545, %add3A_546 : i32
          %swap3A_548 = arith.index_cast %add3A_547 : i32 to index
          %swap3A_549 = arith.constant 384 : index
          %swap3A_550 = tpu.vector_load %arg10[%swap3A_548, %swap3A_549] {strides = array<i32>} : memref<77x512xf32, #tpu.memory_space<vmem>>, vector<1x16xf32>,
          %swap3A_551 = vector.shape_cast %swap3A_550 : vector<1x16xf32> to vector<16xf32>
          %swap3A_552 = vector.shape_cast %get3A_286 : vector<16xf32> to vector<1x16xf32>
          tpu.vector_store %arg10[%swap3A_548, %swap3A_549], %swap3A_552 {strides = array<i32>} : memref<77x512xf32, #tpu.memory_space<vmem>>, vector<1x16xf32>,
          %add3A_553 = arith.constant 0 : i32
          %add3A_554 = arith.addi %add3A_553, %mul3A_137 : i32
          %add3A_555 = arith.constant 0 : i32
          %add3A_556 = arith.addi %add3A_554, %add3A_555 : i32
          %swap3A_557 = arith.index_cast %add3A_556 : i32 to index
          %swap3A_558 = arith.constant 400 : index
          %swap3A_559 = tpu.vector_load %arg10[%swap3A_557, %swap3A_558] {strides = array<i32>} : memref<77x512xf32, #tpu.memory_space<vmem>>, vector<1x16xf32>,
          %swap3A_560 = vector.shape_cast %swap3A_559 : vector<1x16xf32> to vector<16xf32>
          %swap3A_561 = vector.shape_cast %get3A_292 : vector<16xf32> to vector<1x16xf32>
          tpu.vector_store %arg10[%swap3A_557, %swap3A_558], %swap3A_561 {strides = array<i32>} : memref<77x512xf32, #tpu.memory_space<vmem>>, vector<1x16xf32>,
          %add3A_562 = arith.constant 0 : i32
          %add3A_563 = arith.addi %add3A_562, %mul3A_137 : i32
          %add3A_564 = arith.constant 0 : i32
          %add3A_565 = arith.addi %add3A_563, %add3A_564 : i32
          %swap3A_566 = arith.index_cast %add3A_565 : i32 to index
          %swap3A_567 = arith.constant 416 : index
          %swap3A_568 = tpu.vector_load %arg10[%swap3A_566, %swap3A_567] {strides = array<i32>} : memref<77x512xf32, #tpu.memory_space<vmem>>, vector<1x16xf32>,
          %swap3A_569 = vector.shape_cast %swap3A_568 : vector<1x16xf32> to vector<16xf32>
          %swap3A_570 = vector.shape_cast %get3A_298 : vector<16xf32> to vector<1x16xf32>
          tpu.vector_store %arg10[%swap3A_566, %swap3A_567], %swap3A_570 {strides = array<i32>} : memref<77x512xf32, #tpu.memory_space<vmem>>, vector<1x16xf32>,
          %add3A_571 = arith.constant 0 : i32
          %add3A_572 = arith.addi %add3A_571, %mul3A_137 : i32
          %add3A_573 = arith.constant 0 : i32
          %add3A_574 = arith.addi %add3A_572, %add3A_573 : i32
          %swap3A_575 = arith.index_cast %add3A_574 : i32 to index
          %swap3A_576 = arith.constant 432 : index
          %swap3A_577 = tpu.vector_load %arg10[%swap3A_575, %swap3A_576] {strides = array<i32>} : memref<77x512xf32, #tpu.memory_space<vmem>>, vector<1x16xf32>,
          %swap3A_578 = vector.shape_cast %swap3A_577 : vector<1x16xf32> to vector<16xf32>
          %swap3A_579 = vector.shape_cast %get3A_304 : vector<16xf32> to vector<1x16xf32>
          tpu.vector_store %arg10[%swap3A_575, %swap3A_576], %swap3A_579 {strides = array<i32>} : memref<77x512xf32, #tpu.memory_space<vmem>>, vector<1x16xf32>,
          %add3A_580 = arith.constant 0 : i32
          %add3A_581 = arith.addi %add3A_580, %mul3A_137 : i32
          %add3A_582 = arith.constant 0 : i32
          %add3A_583 = arith.addi %add3A_581, %add3A_582 : i32
          %swap3A_584 = arith.index_cast %add3A_583 : i32 to index
          %swap3A_585 = arith.constant 448 : index
          %swap3A_586 = tpu.vector_load %arg10[%swap3A_584, %swap3A_585] {strides = array<i32>} : memref<77x512xf32, #tpu.memory_space<vmem>>, vector<1x16xf32>,
          %swap3A_587 = vector.shape_cast %swap3A_586 : vector<1x16xf32> to vector<16xf32>
          %swap3A_588 = vector.shape_cast %get3A_310 : vector<16xf32> to vector<1x16xf32>
          tpu.vector_store %arg10[%swap3A_584, %swap3A_585], %swap3A_588 {strides = array<i32>} : memref<77x512xf32, #tpu.memory_space<vmem>>, vector<1x16xf32>,
          %add3A_589 = arith.constant 0 : i32
          %add3A_590 = arith.addi %add3A_589, %mul3A_137 : i32
          %add3A_591 = arith.constant 0 : i32
          %add3A_592 = arith.addi %add3A_590, %add3A_591 : i32
          %swap3A_593 = arith.index_cast %add3A_592 : i32 to index
          %swap3A_594 = arith.constant 464 : index
          %swap3A_595 = tpu.vector_load %arg10[%swap3A_593, %swap3A_594] {strides = array<i32>} : memref<77x512xf32, #tpu.memory_space<vmem>>, vector<1x16xf32>,
          %swap3A_596 = vector.shape_cast %swap3A_595 : vector<1x16xf32> to vector<16xf32>
          %swap3A_597 = vector.shape_cast %get3A_316 : vector<16xf32> to vector<1x16xf32>
          tpu.vector_store %arg10[%swap3A_593, %swap3A_594], %swap3A_597 {strides = array<i32>} : memref<77x512xf32, #tpu.memory_space<vmem>>, vector<1x16xf32>,
          %add3A_598 = arith.constant 0 : i32
          %add3A_599 = arith.addi %add3A_598, %mul3A_137 : i32
          %add3A_600 = arith.constant 0 : i32
          %add3A_601 = arith.addi %add3A_599, %add3A_600 : i32
          %swap3A_602 = arith.index_cast %add3A_601 : i32 to index
          %swap3A_603 = arith.constant 480 : index
          %swap3A_604 = tpu.vector_load %arg10[%swap3A_602, %swap3A_603] {strides = array<i32>} : memref<77x512xf32, #tpu.memory_space<vmem>>, vector<1x16xf32>,
          %swap3A_605 = vector.shape_cast %swap3A_604 : vector<1x16xf32> to vector<16xf32>
          %swap3A_606 = vector.shape_cast %get3A_322 : vector<16xf32> to vector<1x16xf32>
          tpu.vector_store %arg10[%swap3A_602, %swap3A_603], %swap3A_606 {strides = array<i32>} : memref<77x512xf32, #tpu.memory_space<vmem>>, vector<1x16xf32>,
          %add3A_607 = arith.constant 0 : i32
          %add3A_608 = arith.addi %add3A_607, %mul3A_137 : i32
          %add3A_609 = arith.constant 0 : i32
          %add3A_610 = arith.addi %add3A_608, %add3A_609 : i32
          %swap3A_611 = arith.index_cast %add3A_610 : i32 to index
          %swap3A_612 = arith.constant 496 : index
          %swap3A_613 = tpu.vector_load %arg10[%swap3A_611, %swap3A_612] {strides = array<i32>} : memref<77x512xf32, #tpu.memory_space<vmem>>, vector<1x16xf32>,
          %swap3A_614 = vector.shape_cast %swap3A_613 : vector<1x16xf32> to vector<16xf32>
          %swap3A_615 = vector.shape_cast %get3A_328 : vector<16xf32> to vector<1x16xf32>
          tpu.vector_store %arg10[%swap3A_611, %swap3A_612], %swap3A_615 {strides = array<i32>} : memref<77x512xf32, #tpu.memory_space<vmem>>, vector<1x16xf32>,
        }
        %scan3A_122 = arith.constant 15 : i32
        %scan3A_123 = arith.constant 0 : i32
        %scan3A_124 = arith.constant 46 : i32
        %scan3A_125 = arith.addi %scan3A_123, %scan3A_124 : i32
        %scan3A_126 = arith.constant 1 : i32
        scf.for %scan3A_135 = %scan3A_123 to %scan3A_125 step %scan3A_126  : i32 {
          %mul3A_136 = arith.constant 1 : i32
          %mul3A_137 = arith.muli %scan3A_135, %mul3A_136 : i32
          %add3A_138 = arith.constant 0 : i32
          %add3A_139 = arith.addi %mul3A_137, %add3A_138 : i32
          %get3A = arith.index_cast %add3A_139 : i32 to index
          %get3A_140 = arith.constant 0 : index
          %get3A_141 = tpu.vector_load %arg8[%get3A, %get3A_140] {strides = array<i32>} : memref<46x512xf32, #tpu.memory_space<vmem>>, vector<1x16xf32>,
          %get3A_142 = vector.shape_cast %get3A_141 : vector<1x16xf32> to vector<16xf32>
          %add3A_143 = arith.constant 0 : i32
          %add3A_144 = arith.addi %mul3A_137, %add3A_143 : i32
          %get3A_145 = arith.index_cast %add3A_144 : i32 to index
          %get3A_146 = arith.constant 16 : index
          %get3A_147 = tpu.vector_load %arg8[%get3A_145, %get3A_146] {strides = array<i32>} : memref<46x512xf32, #tpu.memory_space<vmem>>, vector<1x16xf32>,
          %get3A_148 = vector.shape_cast %get3A_147 : vector<1x16xf32> to vector<16xf32>
          %add3A_149 = arith.constant 0 : i32
          %add3A_150 = arith.addi %mul3A_137, %add3A_149 : i32
          %get3A_151 = arith.index_cast %add3A_150 : i32 to index
          %get3A_152 = arith.constant 32 : index
          %get3A_153 = tpu.vector_load %arg8[%get3A_151, %get3A_152] {strides = array<i32>} : memref<46x512xf32, #tpu.memory_space<vmem>>, vector<1x16xf32>,
          %get3A_154 = vector.shape_cast %get3A_153 : vector<1x16xf32> to vector<16xf32>
          %add3A_155 = arith.constant 0 : i32
          %add3A_156 = arith.addi %mul3A_137, %add3A_155 : i32
          %get3A_157 = arith.index_cast %add3A_156 : i32 to index
          %get3A_158 = arith.constant 48 : index
          %get3A_159 = tpu.vector_load %arg8[%get3A_157, %get3A_158] {strides = array<i32>} : memref<46x512xf32, #tpu.memory_space<vmem>>, vector<1x16xf32>,
          %get3A_160 = vector.shape_cast %get3A_159 : vector<1x16xf32> to vector<16xf32>
          %add3A_161 = arith.constant 0 : i32
          %add3A_162 = arith.addi %mul3A_137, %add3A_161 : i32
          %get3A_163 = arith.index_cast %add3A_162 : i32 to index
          %get3A_164 = arith.constant 64 : index
          %get3A_165 = tpu.vector_load %arg8[%get3A_163, %get3A_164] {strides = array<i32>} : memref<46x512xf32, #tpu.memory_space<vmem>>, vector<1x16xf32>,
          %get3A_166 = vector.shape_cast %get3A_165 : vector<1x16xf32> to vector<16xf32>
          %add3A_167 = arith.constant 0 : i32
          %add3A_168 = arith.addi %mul3A_137, %add3A_167 : i32
          %get3A_169 = arith.index_cast %add3A_168 : i32 to index
          %get3A_170 = arith.constant 80 : index
          %get3A_171 = tpu.vector_load %arg8[%get3A_169, %get3A_170] {strides = array<i32>} : memref<46x512xf32, #tpu.memory_space<vmem>>, vector<1x16xf32>,
          %get3A_172 = vector.shape_cast %get3A_171 : vector<1x16xf32> to vector<16xf32>
          %add3A_173 = arith.constant 0 : i32
          %add3A_174 = arith.addi %mul3A_137, %add3A_173 : i32
          %get3A_175 = arith.index_cast %add3A_174 : i32 to index
          %get3A_176 = arith.constant 96 : index
          %get3A_177 = tpu.vector_load %arg8[%get3A_175, %get3A_176] {strides = array<i32>} : memref<46x512xf32, #tpu.memory_space<vmem>>, vector<1x16xf32>,
          %get3A_178 = vector.shape_cast %get3A_177 : vector<1x16xf32> to vector<16xf32>
          %add3A_179 = arith.constant 0 : i32
          %add3A_180 = arith.addi %mul3A_137, %add3A_179 : i32
          %get3A_181 = arith.index_cast %add3A_180 : i32 to index
          %get3A_182 = arith.constant 112 : index
          %get3A_183 = tpu.vector_load %arg8[%get3A_181, %get3A_182] {strides = array<i32>} : memref<46x512xf32, #tpu.memory_space<vmem>>, vector<1x16xf32>,
          %get3A_184 = vector.shape_cast %get3A_183 : vector<1x16xf32> to vector<16xf32>
          %add3A_185 = arith.constant 0 : i32
          %add3A_186 = arith.addi %mul3A_137, %add3A_185 : i32
          %get3A_187 = arith.index_cast %add3A_186 : i32 to index
          %get3A_188 = arith.constant 128 : index
          %get3A_189 = tpu.vector_load %arg8[%get3A_187, %get3A_188] {strides = array<i32>} : memref<46x512xf32, #tpu.memory_space<vmem>>, vector<1x16xf32>,
          %get3A_190 = vector.shape_cast %get3A_189 : vector<1x16xf32> to vector<16xf32>
          %add3A_191 = arith.constant 0 : i32
          %add3A_192 = arith.addi %mul3A_137, %add3A_191 : i32
          %get3A_193 = arith.index_cast %add3A_192 : i32 to index
          %get3A_194 = arith.constant 144 : index
          %get3A_195 = tpu.vector_load %arg8[%get3A_193, %get3A_194] {strides = array<i32>} : memref<46x512xf32, #tpu.memory_space<vmem>>, vector<1x16xf32>,
          %get3A_196 = vector.shape_cast %get3A_195 : vector<1x16xf32> to vector<16xf32>
          %add3A_197 = arith.constant 0 : i32
          %add3A_198 = arith.addi %mul3A_137, %add3A_197 : i32
          %get3A_199 = arith.index_cast %add3A_198 : i32 to index
          %get3A_200 = arith.constant 160 : index
          %get3A_201 = tpu.vector_load %arg8[%get3A_199, %get3A_200] {strides = array<i32>} : memref<46x512xf32, #tpu.memory_space<vmem>>, vector<1x16xf32>,
          %get3A_202 = vector.shape_cast %get3A_201 : vector<1x16xf32> to vector<16xf32>
          %add3A_203 = arith.constant 0 : i32
          %add3A_204 = arith.addi %mul3A_137, %add3A_203 : i32
          %get3A_205 = arith.index_cast %add3A_204 : i32 to index
          %get3A_206 = arith.constant 176 : index
          %get3A_207 = tpu.vector_load %arg8[%get3A_205, %get3A_206] {strides = array<i32>} : memref<46x512xf32, #tpu.memory_space<vmem>>, vector<1x16xf32>,
          %get3A_208 = vector.shape_cast %get3A_207 : vector<1x16xf32> to vector<16xf32>
          %add3A_209 = arith.constant 0 : i32
          %add3A_210 = arith.addi %mul3A_137, %add3A_209 : i32
          %get3A_211 = arith.index_cast %add3A_210 : i32 to index
          %get3A_212 = arith.constant 192 : index
          %get3A_213 = tpu.vector_load %arg8[%get3A_211, %get3A_212] {strides = array<i32>} : memref<46x512xf32, #tpu.memory_space<vmem>>, vector<1x16xf32>,
          %get3A_214 = vector.shape_cast %get3A_213 : vector<1x16xf32> to vector<16xf32>
          %add3A_215 = arith.constant 0 : i32
          %add3A_216 = arith.addi %mul3A_137, %add3A_215 : i32
          %get3A_217 = arith.index_cast %add3A_216 : i32 to index
          %get3A_218 = arith.constant 208 : index
          %get3A_219 = tpu.vector_load %arg8[%get3A_217, %get3A_218] {strides = array<i32>} : memref<46x512xf32, #tpu.memory_space<vmem>>, vector<1x16xf32>,
          %get3A_220 = vector.shape_cast %get3A_219 : vector<1x16xf32> to vector<16xf32>
          %add3A_221 = arith.constant 0 : i32
          %add3A_222 = arith.addi %mul3A_137, %add3A_221 : i32
          %get3A_223 = arith.index_cast %add3A_222 : i32 to index
          %get3A_224 = arith.constant 224 : index
          %get3A_225 = tpu.vector_load %arg8[%get3A_223, %get3A_224] {strides = array<i32>} : memref<46x512xf32, #tpu.memory_space<vmem>>, vector<1x16xf32>,
          %get3A_226 = vector.shape_cast %get3A_225 : vector<1x16xf32> to vector<16xf32>
          %add3A_227 = arith.constant 0 : i32
          %add3A_228 = arith.addi %mul3A_137, %add3A_227 : i32
          %get3A_229 = arith.index_cast %add3A_228 : i32 to index
          %get3A_230 = arith.constant 240 : index
          %get3A_231 = tpu.vector_load %arg8[%get3A_229, %get3A_230] {strides = array<i32>} : memref<46x512xf32, #tpu.memory_space<vmem>>, vector<1x16xf32>,
          %get3A_232 = vector.shape_cast %get3A_231 : vector<1x16xf32> to vector<16xf32>
          %add3A_233 = arith.constant 0 : i32
          %add3A_234 = arith.addi %mul3A_137, %add3A_233 : i32
          %get3A_235 = arith.index_cast %add3A_234 : i32 to index
          %get3A_236 = arith.constant 256 : index
          %get3A_237 = tpu.vector_load %arg8[%get3A_235, %get3A_236] {strides = array<i32>} : memref<46x512xf32, #tpu.memory_space<vmem>>, vector<1x16xf32>,
          %get3A_238 = vector.shape_cast %get3A_237 : vector<1x16xf32> to vector<16xf32>
          %add3A_239 = arith.constant 0 : i32
          %add3A_240 = arith.addi %mul3A_137, %add3A_239 : i32
          %get3A_241 = arith.index_cast %add3A_240 : i32 to index
          %get3A_242 = arith.constant 272 : index
          %get3A_243 = tpu.vector_load %arg8[%get3A_241, %get3A_242] {strides = array<i32>} : memref<46x512xf32, #tpu.memory_space<vmem>>, vector<1x16xf32>,
          %get3A_244 = vector.shape_cast %get3A_243 : vector<1x16xf32> to vector<16xf32>
          %add3A_245 = arith.constant 0 : i32
          %add3A_246 = arith.addi %mul3A_137, %add3A_245 : i32
          %get3A_247 = arith.index_cast %add3A_246 : i32 to index
          %get3A_248 = arith.constant 288 : index
          %get3A_249 = tpu.vector_load %arg8[%get3A_247, %get3A_248] {strides = array<i32>} : memref<46x512xf32, #tpu.memory_space<vmem>>, vector<1x16xf32>,
          %get3A_250 = vector.shape_cast %get3A_249 : vector<1x16xf32> to vector<16xf32>
          %add3A_251 = arith.constant 0 : i32
          %add3A_252 = arith.addi %mul3A_137, %add3A_251 : i32
          %get3A_253 = arith.index_cast %add3A_252 : i32 to index
          %get3A_254 = arith.constant 304 : index
          %get3A_255 = tpu.vector_load %arg8[%get3A_253, %get3A_254] {strides = array<i32>} : memref<46x512xf32, #tpu.memory_space<vmem>>, vector<1x16xf32>,
          %get3A_256 = vector.shape_cast %get3A_255 : vector<1x16xf32> to vector<16xf32>
          %add3A_257 = arith.constant 0 : i32
          %add3A_258 = arith.addi %mul3A_137, %add3A_257 : i32
          %get3A_259 = arith.index_cast %add3A_258 : i32 to index
          %get3A_260 = arith.constant 320 : index
          %get3A_261 = tpu.vector_load %arg8[%get3A_259, %get3A_260] {strides = array<i32>} : memref<46x512xf32, #tpu.memory_space<vmem>>, vector<1x16xf32>,
          %get3A_262 = vector.shape_cast %get3A_261 : vector<1x16xf32> to vector<16xf32>
          %add3A_263 = arith.constant 0 : i32
          %add3A_264 = arith.addi %mul3A_137, %add3A_263 : i32
          %get3A_265 = arith.index_cast %add3A_264 : i32 to index
          %get3A_266 = arith.constant 336 : index
          %get3A_267 = tpu.vector_load %arg8[%get3A_265, %get3A_266] {strides = array<i32>} : memref<46x512xf32, #tpu.memory_space<vmem>>, vector<1x16xf32>,
          %get3A_268 = vector.shape_cast %get3A_267 : vector<1x16xf32> to vector<16xf32>
          %add3A_269 = arith.constant 0 : i32
          %add3A_270 = arith.addi %mul3A_137, %add3A_269 : i32
          %get3A_271 = arith.index_cast %add3A_270 : i32 to index
          %get3A_272 = arith.constant 352 : index
          %get3A_273 = tpu.vector_load %arg8[%get3A_271, %get3A_272] {strides = array<i32>} : memref<46x512xf32, #tpu.memory_space<vmem>>, vector<1x16xf32>,
          %get3A_274 = vector.shape_cast %get3A_273 : vector<1x16xf32> to vector<16xf32>
          %add3A_275 = arith.constant 0 : i32
          %add3A_276 = arith.addi %mul3A_137, %add3A_275 : i32
          %get3A_277 = arith.index_cast %add3A_276 : i32 to index
          %get3A_278 = arith.constant 368 : index
          %get3A_279 = tpu.vector_load %arg8[%get3A_277, %get3A_278] {strides = array<i32>} : memref<46x512xf32, #tpu.memory_space<vmem>>, vector<1x16xf32>,
          %get3A_280 = vector.shape_cast %get3A_279 : vector<1x16xf32> to vector<16xf32>
          %add3A_281 = arith.constant 0 : i32
          %add3A_282 = arith.addi %mul3A_137, %add3A_281 : i32
          %get3A_283 = arith.index_cast %add3A_282 : i32 to index
          %get3A_284 = arith.constant 384 : index
          %get3A_285 = tpu.vector_load %arg8[%get3A_283, %get3A_284] {strides = array<i32>} : memref<46x512xf32, #tpu.memory_space<vmem>>, vector<1x16xf32>,
          %get3A_286 = vector.shape_cast %get3A_285 : vector<1x16xf32> to vector<16xf32>
          %add3A_287 = arith.constant 0 : i32
          %add3A_288 = arith.addi %mul3A_137, %add3A_287 : i32
          %get3A_289 = arith.index_cast %add3A_288 : i32 to index
          %get3A_290 = arith.constant 400 : index
          %get3A_291 = tpu.vector_load %arg8[%get3A_289, %get3A_290] {strides = array<i32>} : memref<46x512xf32, #tpu.memory_space<vmem>>, vector<1x16xf32>,
          %get3A_292 = vector.shape_cast %get3A_291 : vector<1x16xf32> to vector<16xf32>
          %add3A_293 = arith.constant 0 : i32
          %add3A_294 = arith.addi %mul3A_137, %add3A_293 : i32
          %get3A_295 = arith.index_cast %add3A_294 : i32 to index
          %get3A_296 = arith.constant 416 : index
          %get3A_297 = tpu.vector_load %arg8[%get3A_295, %get3A_296] {strides = array<i32>} : memref<46x512xf32, #tpu.memory_space<vmem>>, vector<1x16xf32>,
          %get3A_298 = vector.shape_cast %get3A_297 : vector<1x16xf32> to vector<16xf32>
          %add3A_299 = arith.constant 0 : i32
          %add3A_300 = arith.addi %mul3A_137, %add3A_299 : i32
          %get3A_301 = arith.index_cast %add3A_300 : i32 to index
          %get3A_302 = arith.constant 432 : index
          %get3A_303 = tpu.vector_load %arg8[%get3A_301, %get3A_302] {strides = array<i32>} : memref<46x512xf32, #tpu.memory_space<vmem>>, vector<1x16xf32>,
          %get3A_304 = vector.shape_cast %get3A_303 : vector<1x16xf32> to vector<16xf32>
          %add3A_305 = arith.constant 0 : i32
          %add3A_306 = arith.addi %mul3A_137, %add3A_305 : i32
          %get3A_307 = arith.index_cast %add3A_306 : i32 to index
          %get3A_308 = arith.constant 448 : index
          %get3A_309 = tpu.vector_load %arg8[%get3A_307, %get3A_308] {strides = array<i32>} : memref<46x512xf32, #tpu.memory_space<vmem>>, vector<1x16xf32>,
          %get3A_310 = vector.shape_cast %get3A_309 : vector<1x16xf32> to vector<16xf32>
          %add3A_311 = arith.constant 0 : i32
          %add3A_312 = arith.addi %mul3A_137, %add3A_311 : i32
          %get3A_313 = arith.index_cast %add3A_312 : i32 to index
          %get3A_314 = arith.constant 464 : index
          %get3A_315 = tpu.vector_load %arg8[%get3A_313, %get3A_314] {strides = array<i32>} : memref<46x512xf32, #tpu.memory_space<vmem>>, vector<1x16xf32>,
          %get3A_316 = vector.shape_cast %get3A_315 : vector<1x16xf32> to vector<16xf32>
          %add3A_317 = arith.constant 0 : i32
          %add3A_318 = arith.addi %mul3A_137, %add3A_317 : i32
          %get3A_319 = arith.index_cast %add3A_318 : i32 to index
          %get3A_320 = arith.constant 480 : index
          %get3A_321 = tpu.vector_load %arg8[%get3A_319, %get3A_320] {strides = array<i32>} : memref<46x512xf32, #tpu.memory_space<vmem>>, vector<1x16xf32>,
          %get3A_322 = vector.shape_cast %get3A_321 : vector<1x16xf32> to vector<16xf32>
          %add3A_323 = arith.constant 0 : i32
          %add3A_324 = arith.addi %mul3A_137, %add3A_323 : i32
          %get3A_325 = arith.index_cast %add3A_324 : i32 to index
          %get3A_326 = arith.constant 496 : index
          %get3A_327 = tpu.vector_load %arg8[%get3A_325, %get3A_326] {strides = array<i32>} : memref<46x512xf32, #tpu.memory_space<vmem>>, vector<1x16xf32>,
          %get3A_328 = vector.shape_cast %get3A_327 : vector<1x16xf32> to vector<16xf32>
          %add3A_329 = arith.constant 31 : i32
          %add3A_330 = arith.addi %add3A_329, %mul3A_137 : i32
          %add3A_331 = arith.constant 0 : i32
          %add3A_332 = arith.addi %add3A_330, %add3A_331 : i32
          %swap3A = arith.index_cast %add3A_332 : i32 to index
          %swap3A_333 = arith.constant 0 : index
          %swap3A_334 = tpu.vector_load %arg10[%swap3A, %swap3A_333] {strides = array<i32>} : memref<77x512xf32, #tpu.memory_space<vmem>>, vector<1x16xf32>,
          %swap3A_335 = vector.shape_cast %swap3A_334 : vector<1x16xf32> to vector<16xf32>
          %swap3A_336 = vector.shape_cast %get3A_142 : vector<16xf32> to vector<1x16xf32>
          tpu.vector_store %arg10[%swap3A, %swap3A_333], %swap3A_336 {strides = array<i32>} : memref<77x512xf32, #tpu.memory_space<vmem>>, vector<1x16xf32>,
          %add3A_337 = arith.constant 31 : i32
          %add3A_338 = arith.addi %add3A_337, %mul3A_137 : i32
          %add3A_339 = arith.constant 0 : i32
          %add3A_340 = arith.addi %add3A_338, %add3A_339 : i32
          %swap3A_341 = arith.index_cast %add3A_340 : i32 to index
          %swap3A_342 = arith.constant 16 : index
          %swap3A_343 = tpu.vector_load %arg10[%swap3A_341, %swap3A_342] {strides = array<i32>} : memref<77x512xf32, #tpu.memory_space<vmem>>, vector<1x16xf32>,
          %swap3A_344 = vector.shape_cast %swap3A_343 : vector<1x16xf32> to vector<16xf32>
          %swap3A_345 = vector.shape_cast %get3A_148 : vector<16xf32> to vector<1x16xf32>
          tpu.vector_store %arg10[%swap3A_341, %swap3A_342], %swap3A_345 {strides = array<i32>} : memref<77x512xf32, #tpu.memory_space<vmem>>, vector<1x16xf32>,
          %add3A_346 = arith.constant 31 : i32
          %add3A_347 = arith.addi %add3A_346, %mul3A_137 : i32
          %add3A_348 = arith.constant 0 : i32
          %add3A_349 = arith.addi %add3A_347, %add3A_348 : i32
          %swap3A_350 = arith.index_cast %add3A_349 : i32 to index
          %swap3A_351 = arith.constant 32 : index
          %swap3A_352 = tpu.vector_load %arg10[%swap3A_350, %swap3A_351] {strides = array<i32>} : memref<77x512xf32, #tpu.memory_space<vmem>>, vector<1x16xf32>,
          %swap3A_353 = vector.shape_cast %swap3A_352 : vector<1x16xf32> to vector<16xf32>
          %swap3A_354 = vector.shape_cast %get3A_154 : vector<16xf32> to vector<1x16xf32>
          tpu.vector_store %arg10[%swap3A_350, %swap3A_351], %swap3A_354 {strides = array<i32>} : memref<77x512xf32, #tpu.memory_space<vmem>>, vector<1x16xf32>,
          %add3A_355 = arith.constant 31 : i32
          %add3A_356 = arith.addi %add3A_355, %mul3A_137 : i32
          %add3A_357 = arith.constant 0 : i32
          %add3A_358 = arith.addi %add3A_356, %add3A_357 : i32
          %swap3A_359 = arith.index_cast %add3A_358 : i32 to index
          %swap3A_360 = arith.constant 48 : index
          %swap3A_361 = tpu.vector_load %arg10[%swap3A_359, %swap3A_360] {strides = array<i32>} : memref<77x512xf32, #tpu.memory_space<vmem>>, vector<1x16xf32>,
          %swap3A_362 = vector.shape_cast %swap3A_361 : vector<1x16xf32> to vector<16xf32>
          %swap3A_363 = vector.shape_cast %get3A_160 : vector<16xf32> to vector<1x16xf32>
          tpu.vector_store %arg10[%swap3A_359, %swap3A_360], %swap3A_363 {strides = array<i32>} : memref<77x512xf32, #tpu.memory_space<vmem>>, vector<1x16xf32>,
          %add3A_364 = arith.constant 31 : i32
          %add3A_365 = arith.addi %add3A_364, %mul3A_137 : i32
          %add3A_366 = arith.constant 0 : i32
          %add3A_367 = arith.addi %add3A_365, %add3A_366 : i32
          %swap3A_368 = arith.index_cast %add3A_367 : i32 to index
          %swap3A_369 = arith.constant 64 : index
          %swap3A_370 = tpu.vector_load %arg10[%swap3A_368, %swap3A_369] {strides = array<i32>} : memref<77x512xf32, #tpu.memory_space<vmem>>, vector<1x16xf32>,
          %swap3A_371 = vector.shape_cast %swap3A_370 : vector<1x16xf32> to vector<16xf32>
          %swap3A_372 = vector.shape_cast %get3A_166 : vector<16xf32> to vector<1x16xf32>
          tpu.vector_store %arg10[%swap3A_368, %swap3A_369], %swap3A_372 {strides = array<i32>} : memref<77x512xf32, #tpu.memory_space<vmem>>, vector<1x16xf32>,
          %add3A_373 = arith.constant 31 : i32
          %add3A_374 = arith.addi %add3A_373, %mul3A_137 : i32
          %add3A_375 = arith.constant 0 : i32
          %add3A_376 = arith.addi %add3A_374, %add3A_375 : i32
          %swap3A_377 = arith.index_cast %add3A_376 : i32 to index
          %swap3A_378 = arith.constant 80 : index
          %swap3A_379 = tpu.vector_load %arg10[%swap3A_377, %swap3A_378] {strides = array<i32>} : memref<77x512xf32, #tpu.memory_space<vmem>>, vector<1x16xf32>,
          %swap3A_380 = vector.shape_cast %swap3A_379 : vector<1x16xf32> to vector<16xf32>
          %swap3A_381 = vector.shape_cast %get3A_172 : vector<16xf32> to vector<1x16xf32>
          tpu.vector_store %arg10[%swap3A_377, %swap3A_378], %swap3A_381 {strides = array<i32>} : memref<77x512xf32, #tpu.memory_space<vmem>>, vector<1x16xf32>,
          %add3A_382 = arith.constant 31 : i32
          %add3A_383 = arith.addi %add3A_382, %mul3A_137 : i32
          %add3A_384 = arith.constant 0 : i32
          %add3A_385 = arith.addi %add3A_383, %add3A_384 : i32
          %swap3A_386 = arith.index_cast %add3A_385 : i32 to index
          %swap3A_387 = arith.constant 96 : index
          %swap3A_388 = tpu.vector_load %arg10[%swap3A_386, %swap3A_387] {strides = array<i32>} : memref<77x512xf32, #tpu.memory_space<vmem>>, vector<1x16xf32>,
          %swap3A_389 = vector.shape_cast %swap3A_388 : vector<1x16xf32> to vector<16xf32>
          %swap3A_390 = vector.shape_cast %get3A_178 : vector<16xf32> to vector<1x16xf32>
          tpu.vector_store %arg10[%swap3A_386, %swap3A_387], %swap3A_390 {strides = array<i32>} : memref<77x512xf32, #tpu.memory_space<vmem>>, vector<1x16xf32>,
          %add3A_391 = arith.constant 31 : i32
          %add3A_392 = arith.addi %add3A_391, %mul3A_137 : i32
          %add3A_393 = arith.constant 0 : i32
          %add3A_394 = arith.addi %add3A_392, %add3A_393 : i32
          %swap3A_395 = arith.index_cast %add3A_394 : i32 to index
          %swap3A_396 = arith.constant 112 : index
          %swap3A_397 = tpu.vector_load %arg10[%swap3A_395, %swap3A_396] {strides = array<i32>} : memref<77x512xf32, #tpu.memory_space<vmem>>, vector<1x16xf32>,
          %swap3A_398 = vector.shape_cast %swap3A_397 : vector<1x16xf32> to vector<16xf32>
          %swap3A_399 = vector.shape_cast %get3A_184 : vector<16xf32> to vector<1x16xf32>
          tpu.vector_store %arg10[%swap3A_395, %swap3A_396], %swap3A_399 {strides = array<i32>} : memref<77x512xf32, #tpu.memory_space<vmem>>, vector<1x16xf32>,
          %add3A_400 = arith.constant 31 : i32
          %add3A_401 = arith.addi %add3A_400, %mul3A_137 : i32
          %add3A_402 = arith.constant 0 : i32
          %add3A_403 = arith.addi %add3A_401, %add3A_402 : i32
          %swap3A_404 = arith.index_cast %add3A_403 : i32 to index
          %swap3A_405 = arith.constant 128 : index
          %swap3A_406 = tpu.vector_load %arg10[%swap3A_404, %swap3A_405] {strides = array<i32>} : memref<77x512xf32, #tpu.memory_space<vmem>>, vector<1x16xf32>,
          %swap3A_407 = vector.shape_cast %swap3A_406 : vector<1x16xf32> to vector<16xf32>
          %swap3A_408 = vector.shape_cast %get3A_190 : vector<16xf32> to vector<1x16xf32>
          tpu.vector_store %arg10[%swap3A_404, %swap3A_405], %swap3A_408 {strides = array<i32>} : memref<77x512xf32, #tpu.memory_space<vmem>>, vector<1x16xf32>,
          %add3A_409 = arith.constant 31 : i32
          %add3A_410 = arith.addi %add3A_409, %mul3A_137 : i32
          %add3A_411 = arith.constant 0 : i32
          %add3A_412 = arith.addi %add3A_410, %add3A_411 : i32
          %swap3A_413 = arith.index_cast %add3A_412 : i32 to index
          %swap3A_414 = arith.constant 144 : index
          %swap3A_415 = tpu.vector_load %arg10[%swap3A_413, %swap3A_414] {strides = array<i32>} : memref<77x512xf32, #tpu.memory_space<vmem>>, vector<1x16xf32>,
          %swap3A_416 = vector.shape_cast %swap3A_415 : vector<1x16xf32> to vector<16xf32>
          %swap3A_417 = vector.shape_cast %get3A_196 : vector<16xf32> to vector<1x16xf32>
          tpu.vector_store %arg10[%swap3A_413, %swap3A_414], %swap3A_417 {strides = array<i32>} : memref<77x512xf32, #tpu.memory_space<vmem>>, vector<1x16xf32>,
          %add3A_418 = arith.constant 31 : i32
          %add3A_419 = arith.addi %add3A_418, %mul3A_137 : i32
          %add3A_420 = arith.constant 0 : i32
          %add3A_421 = arith.addi %add3A_419, %add3A_420 : i32
          %swap3A_422 = arith.index_cast %add3A_421 : i32 to index
          %swap3A_423 = arith.constant 160 : index
          %swap3A_424 = tpu.vector_load %arg10[%swap3A_422, %swap3A_423] {strides = array<i32>} : memref<77x512xf32, #tpu.memory_space<vmem>>, vector<1x16xf32>,
          %swap3A_425 = vector.shape_cast %swap3A_424 : vector<1x16xf32> to vector<16xf32>
          %swap3A_426 = vector.shape_cast %get3A_202 : vector<16xf32> to vector<1x16xf32>
          tpu.vector_store %arg10[%swap3A_422, %swap3A_423], %swap3A_426 {strides = array<i32>} : memref<77x512xf32, #tpu.memory_space<vmem>>, vector<1x16xf32>,
          %add3A_427 = arith.constant 31 : i32
          %add3A_428 = arith.addi %add3A_427, %mul3A_137 : i32
          %add3A_429 = arith.constant 0 : i32
          %add3A_430 = arith.addi %add3A_428, %add3A_429 : i32
          %swap3A_431 = arith.index_cast %add3A_430 : i32 to index
          %swap3A_432 = arith.constant 176 : index
          %swap3A_433 = tpu.vector_load %arg10[%swap3A_431, %swap3A_432] {strides = array<i32>} : memref<77x512xf32, #tpu.memory_space<vmem>>, vector<1x16xf32>,
          %swap3A_434 = vector.shape_cast %swap3A_433 : vector<1x16xf32> to vector<16xf32>
          %swap3A_435 = vector.shape_cast %get3A_208 : vector<16xf32> to vector<1x16xf32>
          tpu.vector_store %arg10[%swap3A_431, %swap3A_432], %swap3A_435 {strides = array<i32>} : memref<77x512xf32, #tpu.memory_space<vmem>>, vector<1x16xf32>,
          %add3A_436 = arith.constant 31 : i32
          %add3A_437 = arith.addi %add3A_436, %mul3A_137 : i32
          %add3A_438 = arith.constant 0 : i32
          %add3A_439 = arith.addi %add3A_437, %add3A_438 : i32
          %swap3A_440 = arith.index_cast %add3A_439 : i32 to index
          %swap3A_441 = arith.constant 192 : index
          %swap3A_442 = tpu.vector_load %arg10[%swap3A_440, %swap3A_441] {strides = array<i32>} : memref<77x512xf32, #tpu.memory_space<vmem>>, vector<1x16xf32>,
          %swap3A_443 = vector.shape_cast %swap3A_442 : vector<1x16xf32> to vector<16xf32>
          %swap3A_444 = vector.shape_cast %get3A_214 : vector<16xf32> to vector<1x16xf32>
          tpu.vector_store %arg10[%swap3A_440, %swap3A_441], %swap3A_444 {strides = array<i32>} : memref<77x512xf32, #tpu.memory_space<vmem>>, vector<1x16xf32>,
          %add3A_445 = arith.constant 31 : i32
          %add3A_446 = arith.addi %add3A_445, %mul3A_137 : i32
          %add3A_447 = arith.constant 0 : i32
          %add3A_448 = arith.addi %add3A_446, %add3A_447 : i32
          %swap3A_449 = arith.index_cast %add3A_448 : i32 to index
          %swap3A_450 = arith.constant 208 : index
          %swap3A_451 = tpu.vector_load %arg10[%swap3A_449, %swap3A_450] {strides = array<i32>} : memref<77x512xf32, #tpu.memory_space<vmem>>, vector<1x16xf32>,
          %swap3A_452 = vector.shape_cast %swap3A_451 : vector<1x16xf32> to vector<16xf32>
          %swap3A_453 = vector.shape_cast %get3A_220 : vector<16xf32> to vector<1x16xf32>
          tpu.vector_store %arg10[%swap3A_449, %swap3A_450], %swap3A_453 {strides = array<i32>} : memref<77x512xf32, #tpu.memory_space<vmem>>, vector<1x16xf32>,
          %add3A_454 = arith.constant 31 : i32
          %add3A_455 = arith.addi %add3A_454, %mul3A_137 : i32
          %add3A_456 = arith.constant 0 : i32
          %add3A_457 = arith.addi %add3A_455, %add3A_456 : i32
          %swap3A_458 = arith.index_cast %add3A_457 : i32 to index
          %swap3A_459 = arith.constant 224 : index
          %swap3A_460 = tpu.vector_load %arg10[%swap3A_458, %swap3A_459] {strides = array<i32>} : memref<77x512xf32, #tpu.memory_space<vmem>>, vector<1x16xf32>,
          %swap3A_461 = vector.shape_cast %swap3A_460 : vector<1x16xf32> to vector<16xf32>
          %swap3A_462 = vector.shape_cast %get3A_226 : vector<16xf32> to vector<1x16xf32>
          tpu.vector_store %arg10[%swap3A_458, %swap3A_459], %swap3A_462 {strides = array<i32>} : memref<77x512xf32, #tpu.memory_space<vmem>>, vector<1x16xf32>,
          %add3A_463 = arith.constant 31 : i32
          %add3A_464 = arith.addi %add3A_463, %mul3A_137 : i32
          %add3A_465 = arith.constant 0 : i32
          %add3A_466 = arith.addi %add3A_464, %add3A_465 : i32
          %swap3A_467 = arith.index_cast %add3A_466 : i32 to index
          %swap3A_468 = arith.constant 240 : index
          %swap3A_469 = tpu.vector_load %arg10[%swap3A_467, %swap3A_468] {strides = array<i32>} : memref<77x512xf32, #tpu.memory_space<vmem>>, vector<1x16xf32>,
          %swap3A_470 = vector.shape_cast %swap3A_469 : vector<1x16xf32> to vector<16xf32>
          %swap3A_471 = vector.shape_cast %get3A_232 : vector<16xf32> to vector<1x16xf32>
          tpu.vector_store %arg10[%swap3A_467, %swap3A_468], %swap3A_471 {strides = array<i32>} : memref<77x512xf32, #tpu.memory_space<vmem>>, vector<1x16xf32>,
          %add3A_472 = arith.constant 31 : i32
          %add3A_473 = arith.addi %add3A_472, %mul3A_137 : i32
          %add3A_474 = arith.constant 0 : i32
          %add3A_475 = arith.addi %add3A_473, %add3A_474 : i32
          %swap3A_476 = arith.index_cast %add3A_475 : i32 to index
          %swap3A_477 = arith.constant 256 : index
          %swap3A_478 = tpu.vector_load %arg10[%swap3A_476, %swap3A_477] {strides = array<i32>} : memref<77x512xf32, #tpu.memory_space<vmem>>, vector<1x16xf32>,
          %swap3A_479 = vector.shape_cast %swap3A_478 : vector<1x16xf32> to vector<16xf32>
          %swap3A_480 = vector.shape_cast %get3A_238 : vector<16xf32> to vector<1x16xf32>
          tpu.vector_store %arg10[%swap3A_476, %swap3A_477], %swap3A_480 {strides = array<i32>} : memref<77x512xf32, #tpu.memory_space<vmem>>, vector<1x16xf32>,
          %add3A_481 = arith.constant 31 : i32
          %add3A_482 = arith.addi %add3A_481, %mul3A_137 : i32
          %add3A_483 = arith.constant 0 : i32
          %add3A_484 = arith.addi %add3A_482, %add3A_483 : i32
          %swap3A_485 = arith.index_cast %add3A_484 : i32 to index
          %swap3A_486 = arith.constant 272 : index
          %swap3A_487 = tpu.vector_load %arg10[%swap3A_485, %swap3A_486] {strides = array<i32>} : memref<77x512xf32, #tpu.memory_space<vmem>>, vector<1x16xf32>,
          %swap3A_488 = vector.shape_cast %swap3A_487 : vector<1x16xf32> to vector<16xf32>
          %swap3A_489 = vector.shape_cast %get3A_244 : vector<16xf32> to vector<1x16xf32>
          tpu.vector_store %arg10[%swap3A_485, %swap3A_486], %swap3A_489 {strides = array<i32>} : memref<77x512xf32, #tpu.memory_space<vmem>>, vector<1x16xf32>,
          %add3A_490 = arith.constant 31 : i32
          %add3A_491 = arith.addi %add3A_490, %mul3A_137 : i32
          %add3A_492 = arith.constant 0 : i32
          %add3A_493 = arith.addi %add3A_491, %add3A_492 : i32
          %swap3A_494 = arith.index_cast %add3A_493 : i32 to index
          %swap3A_495 = arith.constant 288 : index
          %swap3A_496 = tpu.vector_load %arg10[%swap3A_494, %swap3A_495] {strides = array<i32>} : memref<77x512xf32, #tpu.memory_space<vmem>>, vector<1x16xf32>,
          %swap3A_497 = vector.shape_cast %swap3A_496 : vector<1x16xf32> to vector<16xf32>
          %swap3A_498 = vector.shape_cast %get3A_250 : vector<16xf32> to vector<1x16xf32>
          tpu.vector_store %arg10[%swap3A_494, %swap3A_495], %swap3A_498 {strides = array<i32>} : memref<77x512xf32, #tpu.memory_space<vmem>>, vector<1x16xf32>,
          %add3A_499 = arith.constant 31 : i32
          %add3A_500 = arith.addi %add3A_499, %mul3A_137 : i32
          %add3A_501 = arith.constant 0 : i32
          %add3A_502 = arith.addi %add3A_500, %add3A_501 : i32
          %swap3A_503 = arith.index_cast %add3A_502 : i32 to index
          %swap3A_504 = arith.constant 304 : index
          %swap3A_505 = tpu.vector_load %arg10[%swap3A_503, %swap3A_504] {strides = array<i32>} : memref<77x512xf32, #tpu.memory_space<vmem>>, vector<1x16xf32>,
          %swap3A_506 = vector.shape_cast %swap3A_505 : vector<1x16xf32> to vector<16xf32>
          %swap3A_507 = vector.shape_cast %get3A_256 : vector<16xf32> to vector<1x16xf32>
          tpu.vector_store %arg10[%swap3A_503, %swap3A_504], %swap3A_507 {strides = array<i32>} : memref<77x512xf32, #tpu.memory_space<vmem>>, vector<1x16xf32>,
          %add3A_508 = arith.constant 31 : i32
          %add3A_509 = arith.addi %add3A_508, %mul3A_137 : i32
          %add3A_510 = arith.constant 0 : i32
          %add3A_511 = arith.addi %add3A_509, %add3A_510 : i32
          %swap3A_512 = arith.index_cast %add3A_511 : i32 to index
          %swap3A_513 = arith.constant 320 : index
          %swap3A_514 = tpu.vector_load %arg10[%swap3A_512, %swap3A_513] {strides = array<i32>} : memref<77x512xf32, #tpu.memory_space<vmem>>, vector<1x16xf32>,
          %swap3A_515 = vector.shape_cast %swap3A_514 : vector<1x16xf32> to vector<16xf32>
          %swap3A_516 = vector.shape_cast %get3A_262 : vector<16xf32> to vector<1x16xf32>
          tpu.vector_store %arg10[%swap3A_512, %swap3A_513], %swap3A_516 {strides = array<i32>} : memref<77x512xf32, #tpu.memory_space<vmem>>, vector<1x16xf32>,
          %add3A_517 = arith.constant 31 : i32
          %add3A_518 = arith.addi %add3A_517, %mul3A_137 : i32
          %add3A_519 = arith.constant 0 : i32
          %add3A_520 = arith.addi %add3A_518, %add3A_519 : i32
          %swap3A_521 = arith.index_cast %add3A_520 : i32 to index
          %swap3A_522 = arith.constant 336 : index
          %swap3A_523 = tpu.vector_load %arg10[%swap3A_521, %swap3A_522] {strides = array<i32>} : memref<77x512xf32, #tpu.memory_space<vmem>>, vector<1x16xf32>,
          %swap3A_524 = vector.shape_cast %swap3A_523 : vector<1x16xf32> to vector<16xf32>
          %swap3A_525 = vector.shape_cast %get3A_268 : vector<16xf32> to vector<1x16xf32>
          tpu.vector_store %arg10[%swap3A_521, %swap3A_522], %swap3A_525 {strides = array<i32>} : memref<77x512xf32, #tpu.memory_space<vmem>>, vector<1x16xf32>,
          %add3A_526 = arith.constant 31 : i32
          %add3A_527 = arith.addi %add3A_526, %mul3A_137 : i32
          %add3A_528 = arith.constant 0 : i32
          %add3A_529 = arith.addi %add3A_527, %add3A_528 : i32
          %swap3A_530 = arith.index_cast %add3A_529 : i32 to index
          %swap3A_531 = arith.constant 352 : index
          %swap3A_532 = tpu.vector_load %arg10[%swap3A_530, %swap3A_531] {strides = array<i32>} : memref<77x512xf32, #tpu.memory_space<vmem>>, vector<1x16xf32>,
          %swap3A_533 = vector.shape_cast %swap3A_532 : vector<1x16xf32> to vector<16xf32>
          %swap3A_534 = vector.shape_cast %get3A_274 : vector<16xf32> to vector<1x16xf32>
          tpu.vector_store %arg10[%swap3A_530, %swap3A_531], %swap3A_534 {strides = array<i32>} : memref<77x512xf32, #tpu.memory_space<vmem>>, vector<1x16xf32>,
          %add3A_535 = arith.constant 31 : i32
          %add3A_536 = arith.addi %add3A_535, %mul3A_137 : i32
          %add3A_537 = arith.constant 0 : i32
          %add3A_538 = arith.addi %add3A_536, %add3A_537 : i32
          %swap3A_539 = arith.index_cast %add3A_538 : i32 to index
          %swap3A_540 = arith.constant 368 : index
          %swap3A_541 = tpu.vector_load %arg10[%swap3A_539, %swap3A_540] {strides = array<i32>} : memref<77x512xf32, #tpu.memory_space<vmem>>, vector<1x16xf32>,
          %swap3A_542 = vector.shape_cast %swap3A_541 : vector<1x16xf32> to vector<16xf32>
          %swap3A_543 = vector.shape_cast %get3A_280 : vector<16xf32> to vector<1x16xf32>
          tpu.vector_store %arg10[%swap3A_539, %swap3A_540], %swap3A_543 {strides = array<i32>} : memref<77x512xf32, #tpu.memory_space<vmem>>, vector<1x16xf32>,
          %add3A_544 = arith.constant 31 : i32
          %add3A_545 = arith.addi %add3A_544, %mul3A_137 : i32
          %add3A_546 = arith.constant 0 : i32
          %add3A_547 = arith.addi %add3A_545, %add3A_546 : i32
          %swap3A_548 = arith.index_cast %add3A_547 : i32 to index
          %swap3A_549 = arith.constant 384 : index
          %swap3A_550 = tpu.vector_load %arg10[%swap3A_548, %swap3A_549] {strides = array<i32>} : memref<77x512xf32, #tpu.memory_space<vmem>>, vector<1x16xf32>,
          %swap3A_551 = vector.shape_cast %swap3A_550 : vector<1x16xf32> to vector<16xf32>
          %swap3A_552 = vector.shape_cast %get3A_286 : vector<16xf32> to vector<1x16xf32>
          tpu.vector_store %arg10[%swap3A_548, %swap3A_549], %swap3A_552 {strides = array<i32>} : memref<77x512xf32, #tpu.memory_space<vmem>>, vector<1x16xf32>,
          %add3A_553 = arith.constant 31 : i32
          %add3A_554 = arith.addi %add3A_553, %mul3A_137 : i32
          %add3A_555 = arith.constant 0 : i32
          %add3A_556 = arith.addi %add3A_554, %add3A_555 : i32
          %swap3A_557 = arith.index_cast %add3A_556 : i32 to index
          %swap3A_558 = arith.constant 400 : index
          %swap3A_559 = tpu.vector_load %arg10[%swap3A_557, %swap3A_558] {strides = array<i32>} : memref<77x512xf32, #tpu.memory_space<vmem>>, vector<1x16xf32>,
          %swap3A_560 = vector.shape_cast %swap3A_559 : vector<1x16xf32> to vector<16xf32>
          %swap3A_561 = vector.shape_cast %get3A_292 : vector<16xf32> to vector<1x16xf32>
          tpu.vector_store %arg10[%swap3A_557, %swap3A_558], %swap3A_561 {strides = array<i32>} : memref<77x512xf32, #tpu.memory_space<vmem>>, vector<1x16xf32>,
          %add3A_562 = arith.constant 31 : i32
          %add3A_563 = arith.addi %add3A_562, %mul3A_137 : i32
          %add3A_564 = arith.constant 0 : i32
          %add3A_565 = arith.addi %add3A_563, %add3A_564 : i32
          %swap3A_566 = arith.index_cast %add3A_565 : i32 to index
          %swap3A_567 = arith.constant 416 : index
          %swap3A_568 = tpu.vector_load %arg10[%swap3A_566, %swap3A_567] {strides = array<i32>} : memref<77x512xf32, #tpu.memory_space<vmem>>, vector<1x16xf32>,
          %swap3A_569 = vector.shape_cast %swap3A_568 : vector<1x16xf32> to vector<16xf32>
          %swap3A_570 = vector.shape_cast %get3A_298 : vector<16xf32> to vector<1x16xf32>
          tpu.vector_store %arg10[%swap3A_566, %swap3A_567], %swap3A_570 {strides = array<i32>} : memref<77x512xf32, #tpu.memory_space<vmem>>, vector<1x16xf32>,
          %add3A_571 = arith.constant 31 : i32
          %add3A_572 = arith.addi %add3A_571, %mul3A_137 : i32
          %add3A_573 = arith.constant 0 : i32
          %add3A_574 = arith.addi %add3A_572, %add3A_573 : i32
          %swap3A_575 = arith.index_cast %add3A_574 : i32 to index
          %swap3A_576 = arith.constant 432 : index
          %swap3A_577 = tpu.vector_load %arg10[%swap3A_575, %swap3A_576] {strides = array<i32>} : memref<77x512xf32, #tpu.memory_space<vmem>>, vector<1x16xf32>,
          %swap3A_578 = vector.shape_cast %swap3A_577 : vector<1x16xf32> to vector<16xf32>
          %swap3A_579 = vector.shape_cast %get3A_304 : vector<16xf32> to vector<1x16xf32>
          tpu.vector_store %arg10[%swap3A_575, %swap3A_576], %swap3A_579 {strides = array<i32>} : memref<77x512xf32, #tpu.memory_space<vmem>>, vector<1x16xf32>,
          %add3A_580 = arith.constant 31 : i32
          %add3A_581 = arith.addi %add3A_580, %mul3A_137 : i32
          %add3A_582 = arith.constant 0 : i32
          %add3A_583 = arith.addi %add3A_581, %add3A_582 : i32
          %swap3A_584 = arith.index_cast %add3A_583 : i32 to index
          %swap3A_585 = arith.constant 448 : index
          %swap3A_586 = tpu.vector_load %arg10[%swap3A_584, %swap3A_585] {strides = array<i32>} : memref<77x512xf32, #tpu.memory_space<vmem>>, vector<1x16xf32>,
          %swap3A_587 = vector.shape_cast %swap3A_586 : vector<1x16xf32> to vector<16xf32>
          %swap3A_588 = vector.shape_cast %get3A_310 : vector<16xf32> to vector<1x16xf32>
          tpu.vector_store %arg10[%swap3A_584, %swap3A_585], %swap3A_588 {strides = array<i32>} : memref<77x512xf32, #tpu.memory_space<vmem>>, vector<1x16xf32>,
          %add3A_589 = arith.constant 31 : i32
          %add3A_590 = arith.addi %add3A_589, %mul3A_137 : i32
          %add3A_591 = arith.constant 0 : i32
          %add3A_592 = arith.addi %add3A_590, %add3A_591 : i32
          %swap3A_593 = arith.index_cast %add3A_592 : i32 to index
          %swap3A_594 = arith.constant 464 : index
          %swap3A_595 = tpu.vector_load %arg10[%swap3A_593, %swap3A_594] {strides = array<i32>} : memref<77x512xf32, #tpu.memory_space<vmem>>, vector<1x16xf32>,
          %swap3A_596 = vector.shape_cast %swap3A_595 : vector<1x16xf32> to vector<16xf32>
          %swap3A_597 = vector.shape_cast %get3A_316 : vector<16xf32> to vector<1x16xf32>
          tpu.vector_store %arg10[%swap3A_593, %swap3A_594], %swap3A_597 {strides = array<i32>} : memref<77x512xf32, #tpu.memory_space<vmem>>, vector<1x16xf32>,
          %add3A_598 = arith.constant 31 : i32
          %add3A_599 = arith.addi %add3A_598, %mul3A_137 : i32
          %add3A_600 = arith.constant 0 : i32
          %add3A_601 = arith.addi %add3A_599, %add3A_600 : i32
          %swap3A_602 = arith.index_cast %add3A_601 : i32 to index
          %swap3A_603 = arith.constant 480 : index
          %swap3A_604 = tpu.vector_load %arg10[%swap3A_602, %swap3A_603] {strides = array<i32>} : memref<77x512xf32, #tpu.memory_space<vmem>>, vector<1x16xf32>,
          %swap3A_605 = vector.shape_cast %swap3A_604 : vector<1x16xf32> to vector<16xf32>
          %swap3A_606 = vector.shape_cast %get3A_322 : vector<16xf32> to vector<1x16xf32>
          tpu.vector_store %arg10[%swap3A_602, %swap3A_603], %swap3A_606 {strides = array<i32>} : memref<77x512xf32, #tpu.memory_space<vmem>>, vector<1x16xf32>,
          %add3A_607 = arith.constant 31 : i32
          %add3A_608 = arith.addi %add3A_607, %mul3A_137 : i32
          %add3A_609 = arith.constant 0 : i32
          %add3A_610 = arith.addi %add3A_608, %add3A_609 : i32
          %swap3A_611 = arith.index_cast %add3A_610 : i32 to index
          %swap3A_612 = arith.constant 496 : index
          %swap3A_613 = tpu.vector_load %arg10[%swap3A_611, %swap3A_612] {strides = array<i32>} : memref<77x512xf32, #tpu.memory_space<vmem>>, vector<1x16xf32>,
          %swap3A_614 = vector.shape_cast %swap3A_613 : vector<1x16xf32> to vector<16xf32>
          %swap3A_615 = vector.shape_cast %get3A_328 : vector<16xf32> to vector<1x16xf32>
          tpu.vector_store %arg10[%swap3A_611, %swap3A_612], %swap3A_615 {strides = array<i32>} : memref<77x512xf32, #tpu.memory_space<vmem>>, vector<1x16xf32>,
        }
        %scan3A_127 = arith.constant 46 : i32
        %dma_start3A = arith.constant 0 : i32
        %dma_start3A_128 = arith.constant 0 : i32
        %dma_start3A_129 = tpu.memref_slice %arg5[%add3A_117, %dma_start3A, %dma_start3A_128] : memref<1000x77x512xf32, #tpu.memory_space<hbm>> -> memref<1x77x512xf32, #tpu.memory_space<hbm>>
        %dma_start3A_130 = tpu.memref_squeeze %dma_start3A_129 : memref<1x77x512xf32, #tpu.memory_space<hbm>> -> memref<77x512xf32, #tpu.memory_space<hbm>>
        %dma_start3A_131 = arith.constant 0 : i32
        %dma_start3A_132 = arith.constant 0 : i32
        %dma_start3A_133 = tpu.memref_slice %arg5[%add3A_117, %dma_start3A_131, %dma_start3A_132] : memref<1000x77x512xf32, #tpu.memory_space<hbm>> -> memref<1x77x512xf32, #tpu.memory_space<hbm>>
        %dma_start3A_134 = tpu.memref_squeeze %dma_start3A_133 : memref<1x77x512xf32, #tpu.memory_space<hbm>> -> memref<77x512xf32, #tpu.memory_space<hbm>>
        tpu.enqueue_dma source(%arg10 : memref<77x512xf32, #tpu.memory_space<vmem>>) target(%dma_start3A_134 : memref<77x512xf32, #tpu.memory_space<hbm>>) target_semaphore(%arg14 : memref<!tpu.dma_semaphore, #tpu.memory_space<semaphore_mem>>)
      } else {
      }
      %mul3A_69 = arith.constant 2 : i32
      %mul3A_70 = arith.muli %scan3A_24, %mul3A_69 : i32
      %add3A_71 = arith.constant 1 : i32
      %add3A_72 = arith.addi %mul3A_70, %add3A_71 : i32
      %add3A_73 = arith.constant 1 : i32
      %add3A_74 = arith.addi %add3A_72, %add3A_73 : i32
      %lt3A_75 = arith.constant 32 : i32
      %lt3A_76 = arith.cmpi slt, %add3A_74, %lt3A_75 : i32
      %mul3A_77 = arith.constant 32 : i32
      %mul3A_78 = arith.muli %add3A_74, %mul3A_77 : i32
      %add3A_79 = arith.addi %mul3A_78, %add3A : i32
      %lt3A_80 = arith.constant 1000 : i32
      %lt3A_81 = arith.cmpi slt, %add3A_79, %lt3A_80 : i32
      %and3A_82 = arith.andi %lt3A_76, %lt3A_81 : i1
      %convert_element_type3A_83 = arith.extui %and3A_82 : i1 to i32
      %cond3A_84 = arith.constant 0 : i32
      %cond3A_85 = arith.cmpi ne, %convert_element_type3A_83, %cond3A_84 : i32
      scf.if %cond3A_85 {
        %mul3A_115 = arith.constant 32 : i32
        %mul3A_116 = arith.muli %add3A_74, %mul3A_115 : i32
        %add3A_117 = arith.addi %mul3A_116, %add3A : i32
        %dma_start3A = arith.constant 0 : i32
        %dma_start3A_118 = arith.constant 0 : i32
        %dma_start3A_119 = tpu.memref_slice %arg3[%add3A_117, %dma_start3A, %dma_start3A_118] : memref<1000x15x512xf32, #tpu.memory_space<hbm>> -> memref<1x15x512xf32, #tpu.memory_space<hbm>>
        %dma_start3A_120 = tpu.memref_squeeze %dma_start3A_119 : memref<1x15x512xf32, #tpu.memory_space<hbm>> -> memref<15x512xf32, #tpu.memory_space<hbm>>
        %dma_start3A_121 = arith.constant 0 : i32
        %dma_start3A_122 = arith.constant 0 : i32
        %dma_start3A_123 = tpu.memref_slice %arg3[%add3A_117, %dma_start3A_121, %dma_start3A_122] : memref<1000x15x512xf32, #tpu.memory_space<hbm>> -> memref<1x15x512xf32, #tpu.memory_space<hbm>>
        %dma_start3A_124 = tpu.memref_squeeze %dma_start3A_123 : memref<1x15x512xf32, #tpu.memory_space<hbm>> -> memref<15x512xf32, #tpu.memory_space<hbm>>
        tpu.enqueue_dma source(%dma_start3A_124 : memref<15x512xf32, #tpu.memory_space<hbm>>) target(%arg6 : memref<15x512xf32, #tpu.memory_space<vmem>>) target_semaphore(%arg12 : memref<!tpu.dma_semaphore, #tpu.memory_space<semaphore_mem>>)
        %dma_start3A_125 = arith.constant 0 : i32
        %dma_start3A_126 = arith.constant 0 : i32
        %dma_start3A_127 = tpu.memref_slice %arg4[%add3A_117, %dma_start3A_125, %dma_start3A_126] : memref<1000x46x512xf32, #tpu.memory_space<hbm>> -> memref<1x46x512xf32, #tpu.memory_space<hbm>>
        %dma_start3A_128 = tpu.memref_squeeze %dma_start3A_127 : memref<1x46x512xf32, #tpu.memory_space<hbm>> -> memref<46x512xf32, #tpu.memory_space<hbm>>
        %dma_start3A_129 = arith.constant 0 : i32
        %dma_start3A_130 = arith.constant 0 : i32
        %dma_start3A_131 = tpu.memref_slice %arg4[%add3A_117, %dma_start3A_129, %dma_start3A_130] : memref<1000x46x512xf32, #tpu.memory_space<hbm>> -> memref<1x46x512xf32, #tpu.memory_space<hbm>>
        %dma_start3A_132 = tpu.memref_squeeze %dma_start3A_131 : memref<1x46x512xf32, #tpu.memory_space<hbm>> -> memref<46x512xf32, #tpu.memory_space<hbm>>
        tpu.enqueue_dma source(%dma_start3A_132 : memref<46x512xf32, #tpu.memory_space<hbm>>) target(%arg8 : memref<46x512xf32, #tpu.memory_space<vmem>>) target_semaphore(%arg12 : memref<!tpu.dma_semaphore, #tpu.memory_space<semaphore_mem>>)
      } else {
      }
      %mul3A_86 = arith.constant 32 : i32
      %mul3A_87 = arith.muli %add3A_72, %mul3A_86 : i32
      %add3A_88 = arith.addi %mul3A_87, %add3A : i32
      %lt3A_89 = arith.constant 1000 : i32
      %lt3A_90 = arith.cmpi slt, %add3A_88, %lt3A_89 : i32
      %convert_element_type3A_91 = arith.extui %lt3A_90 : i1 to i32
      %cond3A_92 = arith.constant 0 : i32
      %cond3A_93 = arith.cmpi ne, %convert_element_type3A_91, %cond3A_92 : i32
      scf.if %cond3A_93 {
        %mul3A_115 = arith.constant 32 : i32
        %mul3A_116 = arith.muli %add3A_72, %mul3A_115 : i32
        %add3A_117 = arith.addi %mul3A_116, %add3A : i32
        %dma_wait3A = arith.constant 0 : i32
        %dma_wait3A_118 = arith.constant 0 : i32
        %dma_wait3A_119 = tpu.memref_slice %arg3[%add3A_117, %dma_wait3A, %dma_wait3A_118] : memref<1000x15x512xf32, #tpu.memory_space<hbm>> -> memref<1x15x512xf32, #tpu.memory_space<hbm>>
        %dma_wait3A_120 = tpu.memref_squeeze %dma_wait3A_119 : memref<1x15x512xf32, #tpu.memory_space<hbm>> -> memref<15x512xf32, #tpu.memory_space<hbm>>
        %dma_wait3A_121 = arith.constant 0 : i32
        %dma_wait3A_122 = arith.constant 0 : i32
        %dma_wait3A_123 = tpu.memref_slice %arg3[%add3A_117, %dma_wait3A_121, %dma_wait3A_122] : memref<1000x15x512xf32, #tpu.memory_space<hbm>> -> memref<1x15x512xf32, #tpu.memory_space<hbm>>
        %dma_wait3A_124 = tpu.memref_squeeze %dma_wait3A_123 : memref<1x15x512xf32, #tpu.memory_space<hbm>> -> memref<15x512xf32, #tpu.memory_space<hbm>>
        tpu.wait_dma2 semaphore(%arg13 : memref<!tpu.dma_semaphore, #tpu.memory_space<semaphore_mem>>) src(%dma_wait3A_124 : memref<15x512xf32, #tpu.memory_space<hbm>>) dst(%arg7 : memref<15x512xf32, #tpu.memory_space<vmem>>)
        %dma_wait3A_125 = arith.constant 0 : i32
        %dma_wait3A_126 = arith.constant 0 : i32
        %dma_wait3A_127 = tpu.memref_slice %arg4[%add3A_117, %dma_wait3A_125, %dma_wait3A_126] : memref<1000x46x512xf32, #tpu.memory_space<hbm>> -> memref<1x46x512xf32, #tpu.memory_space<hbm>>
        %dma_wait3A_128 = tpu.memref_squeeze %dma_wait3A_127 : memref<1x46x512xf32, #tpu.memory_space<hbm>> -> memref<46x512xf32, #tpu.memory_space<hbm>>
        %dma_wait3A_129 = arith.constant 0 : i32
        %dma_wait3A_130 = arith.constant 0 : i32
        %dma_wait3A_131 = tpu.memref_slice %arg4[%add3A_117, %dma_wait3A_129, %dma_wait3A_130] : memref<1000x46x512xf32, #tpu.memory_space<hbm>> -> memref<1x46x512xf32, #tpu.memory_space<hbm>>
        %dma_wait3A_132 = tpu.memref_squeeze %dma_wait3A_131 : memref<1x46x512xf32, #tpu.memory_space<hbm>> -> memref<46x512xf32, #tpu.memory_space<hbm>>
        tpu.wait_dma2 semaphore(%arg13 : memref<!tpu.dma_semaphore, #tpu.memory_space<semaphore_mem>>) src(%dma_wait3A_132 : memref<46x512xf32, #tpu.memory_space<hbm>>) dst(%arg9 : memref<46x512xf32, #tpu.memory_space<vmem>>)
      } else {
      }
      %sub3A_94 = arith.constant 1 : i32
      %sub3A_95 = arith.subi %add3A_72, %sub3A_94 : i32
      %ge3A_96 = arith.constant 0 : i32
      %ge3A_97 = arith.cmpi sge, %sub3A_95, %ge3A_96 : i32
      %mul3A_98 = arith.constant 32 : i32
      %mul3A_99 = arith.muli %sub3A_95, %mul3A_98 : i32
      %add3A_100 = arith.addi %mul3A_99, %add3A : i32
      %lt3A_101 = arith.constant 1000 : i32
      %lt3A_102 = arith.cmpi slt, %add3A_100, %lt3A_101 : i32
      %and3A_103 = arith.andi %ge3A_97, %lt3A_102 : i1
      %convert_element_type3A_104 = arith.extui %and3A_103 : i1 to i32
      %cond3A_105 = arith.constant 0 : i32
      %cond3A_106 = arith.cmpi ne, %convert_element_type3A_104, %cond3A_105 : i32
      scf.if %cond3A_106 {
        %mul3A_115 = arith.constant 32 : i32
        %mul3A_116 = arith.muli %sub3A_95, %mul3A_115 : i32
        %add3A_117 = arith.addi %mul3A_116, %add3A : i32
        %dma_wait3A = arith.constant 0 : i32
        %dma_wait3A_118 = arith.constant 0 : i32
        %dma_wait3A_119 = tpu.memref_slice %arg5[%add3A_117, %dma_wait3A, %dma_wait3A_118] : memref<1000x77x512xf32, #tpu.memory_space<hbm>> -> memref<1x77x512xf32, #tpu.memory_space<hbm>>
        %dma_wait3A_120 = tpu.memref_squeeze %dma_wait3A_119 : memref<1x77x512xf32, #tpu.memory_space<hbm>> -> memref<77x512xf32, #tpu.memory_space<hbm>>
        %dma_wait3A_121 = arith.constant 0 : i32
        %dma_wait3A_122 = arith.constant 0 : i32
        %dma_wait3A_123 = tpu.memref_slice %arg5[%add3A_117, %dma_wait3A_121, %dma_wait3A_122] : memref<1000x77x512xf32, #tpu.memory_space<hbm>> -> memref<1x77x512xf32, #tpu.memory_space<hbm>>
        %dma_wait3A_124 = tpu.memref_squeeze %dma_wait3A_123 : memref<1x77x512xf32, #tpu.memory_space<hbm>> -> memref<77x512xf32, #tpu.memory_space<hbm>>
        tpu.wait_dma2 semaphore(%arg14 : memref<!tpu.dma_semaphore, #tpu.memory_space<semaphore_mem>>) src(%arg10 : memref<77x512xf32, #tpu.memory_space<vmem>>) dst(%dma_wait3A_124 : memref<77x512xf32, #tpu.memory_space<hbm>>)
      } else {
      }
      %mul3A_107 = arith.constant 32 : i32
      %mul3A_108 = arith.muli %add3A_72, %mul3A_107 : i32
      %add3A_109 = arith.addi %mul3A_108, %add3A : i32
      %lt3A_110 = arith.constant 1000 : i32
      %lt3A_111 = arith.cmpi slt, %add3A_109, %lt3A_110 : i32
      %convert_element_type3A_112 = arith.extui %lt3A_111 : i1 to i32
      %cond3A_113 = arith.constant 0 : i32
      %cond3A_114 = arith.cmpi ne, %convert_element_type3A_112, %cond3A_113 : i32
      scf.if %cond3A_114 {
        %mul3A_115 = arith.constant 32 : i32
        %mul3A_116 = arith.muli %add3A_72, %mul3A_115 : i32
        %add3A_117 = arith.addi %mul3A_116, %add3A : i32
        %scan3A_118 = arith.constant 0 : i32
        %scan3A_119 = arith.constant 15 : i32
        %scan3A_120 = arith.addi %scan3A_118, %scan3A_119 : i32
        %scan3A_121 = arith.constant 1 : i32
        scf.for %scan3A_135 = %scan3A_118 to %scan3A_120 step %scan3A_121  : i32 {
          %mul3A_136 = arith.constant 1 : i32
          %mul3A_137 = arith.muli %scan3A_135, %mul3A_136 : i32
          %add3A_138 = arith.constant 0 : i32
          %add3A_139 = arith.addi %mul3A_137, %add3A_138 : i32
          %get3A = arith.index_cast %add3A_139 : i32 to index
          %get3A_140 = arith.constant 0 : index
          %get3A_141 = tpu.vector_load %arg7[%get3A, %get3A_140] {strides = array<i32>} : memref<15x512xf32, #tpu.memory_space<vmem>>, vector<1x16xf32>,
          %get3A_142 = vector.shape_cast %get3A_141 : vector<1x16xf32> to vector<16xf32>
          %add3A_143 = arith.constant 0 : i32
          %add3A_144 = arith.addi %mul3A_137, %add3A_143 : i32
          %get3A_145 = arith.index_cast %add3A_144 : i32 to index
          %get3A_146 = arith.constant 16 : index
          %get3A_147 = tpu.vector_load %arg7[%get3A_145, %get3A_146] {strides = array<i32>} : memref<15x512xf32, #tpu.memory_space<vmem>>, vector<1x16xf32>,
          %get3A_148 = vector.shape_cast %get3A_147 : vector<1x16xf32> to vector<16xf32>
          %add3A_149 = arith.constant 0 : i32
          %add3A_150 = arith.addi %mul3A_137, %add3A_149 : i32
          %get3A_151 = arith.index_cast %add3A_150 : i32 to index
          %get3A_152 = arith.constant 32 : index
          %get3A_153 = tpu.vector_load %arg7[%get3A_151, %get3A_152] {strides = array<i32>} : memref<15x512xf32, #tpu.memory_space<vmem>>, vector<1x16xf32>,
          %get3A_154 = vector.shape_cast %get3A_153 : vector<1x16xf32> to vector<16xf32>
          %add3A_155 = arith.constant 0 : i32
          %add3A_156 = arith.addi %mul3A_137, %add3A_155 : i32
          %get3A_157 = arith.index_cast %add3A_156 : i32 to index
          %get3A_158 = arith.constant 48 : index
          %get3A_159 = tpu.vector_load %arg7[%get3A_157, %get3A_158] {strides = array<i32>} : memref<15x512xf32, #tpu.memory_space<vmem>>, vector<1x16xf32>,
          %get3A_160 = vector.shape_cast %get3A_159 : vector<1x16xf32> to vector<16xf32>
          %add3A_161 = arith.constant 0 : i32
          %add3A_162 = arith.addi %mul3A_137, %add3A_161 : i32
          %get3A_163 = arith.index_cast %add3A_162 : i32 to index
          %get3A_164 = arith.constant 64 : index
          %get3A_165 = tpu.vector_load %arg7[%get3A_163, %get3A_164] {strides = array<i32>} : memref<15x512xf32, #tpu.memory_space<vmem>>, vector<1x16xf32>,
          %get3A_166 = vector.shape_cast %get3A_165 : vector<1x16xf32> to vector<16xf32>
          %add3A_167 = arith.constant 0 : i32
          %add3A_168 = arith.addi %mul3A_137, %add3A_167 : i32
          %get3A_169 = arith.index_cast %add3A_168 : i32 to index
          %get3A_170 = arith.constant 80 : index
          %get3A_171 = tpu.vector_load %arg7[%get3A_169, %get3A_170] {strides = array<i32>} : memref<15x512xf32, #tpu.memory_space<vmem>>, vector<1x16xf32>,
          %get3A_172 = vector.shape_cast %get3A_171 : vector<1x16xf32> to vector<16xf32>
          %add3A_173 = arith.constant 0 : i32
          %add3A_174 = arith.addi %mul3A_137, %add3A_173 : i32
          %get3A_175 = arith.index_cast %add3A_174 : i32 to index
          %get3A_176 = arith.constant 96 : index
          %get3A_177 = tpu.vector_load %arg7[%get3A_175, %get3A_176] {strides = array<i32>} : memref<15x512xf32, #tpu.memory_space<vmem>>, vector<1x16xf32>,
          %get3A_178 = vector.shape_cast %get3A_177 : vector<1x16xf32> to vector<16xf32>
          %add3A_179 = arith.constant 0 : i32
          %add3A_180 = arith.addi %mul3A_137, %add3A_179 : i32
          %get3A_181 = arith.index_cast %add3A_180 : i32 to index
          %get3A_182 = arith.constant 112 : index
          %get3A_183 = tpu.vector_load %arg7[%get3A_181, %get3A_182] {strides = array<i32>} : memref<15x512xf32, #tpu.memory_space<vmem>>, vector<1x16xf32>,
          %get3A_184 = vector.shape_cast %get3A_183 : vector<1x16xf32> to vector<16xf32>
          %add3A_185 = arith.constant 0 : i32
          %add3A_186 = arith.addi %mul3A_137, %add3A_185 : i32
          %get3A_187 = arith.index_cast %add3A_186 : i32 to index
          %get3A_188 = arith.constant 128 : index
          %get3A_189 = tpu.vector_load %arg7[%get3A_187, %get3A_188] {strides = array<i32>} : memref<15x512xf32, #tpu.memory_space<vmem>>, vector<1x16xf32>,
          %get3A_190 = vector.shape_cast %get3A_189 : vector<1x16xf32> to vector<16xf32>
          %add3A_191 = arith.constant 0 : i32
          %add3A_192 = arith.addi %mul3A_137, %add3A_191 : i32
          %get3A_193 = arith.index_cast %add3A_192 : i32 to index
          %get3A_194 = arith.constant 144 : index
          %get3A_195 = tpu.vector_load %arg7[%get3A_193, %get3A_194] {strides = array<i32>} : memref<15x512xf32, #tpu.memory_space<vmem>>, vector<1x16xf32>,
          %get3A_196 = vector.shape_cast %get3A_195 : vector<1x16xf32> to vector<16xf32>
          %add3A_197 = arith.constant 0 : i32
          %add3A_198 = arith.addi %mul3A_137, %add3A_197 : i32
          %get3A_199 = arith.index_cast %add3A_198 : i32 to index
          %get3A_200 = arith.constant 160 : index
          %get3A_201 = tpu.vector_load %arg7[%get3A_199, %get3A_200] {strides = array<i32>} : memref<15x512xf32, #tpu.memory_space<vmem>>, vector<1x16xf32>,
          %get3A_202 = vector.shape_cast %get3A_201 : vector<1x16xf32> to vector<16xf32>
          %add3A_203 = arith.constant 0 : i32
          %add3A_204 = arith.addi %mul3A_137, %add3A_203 : i32
          %get3A_205 = arith.index_cast %add3A_204 : i32 to index
          %get3A_206 = arith.constant 176 : index
          %get3A_207 = tpu.vector_load %arg7[%get3A_205, %get3A_206] {strides = array<i32>} : memref<15x512xf32, #tpu.memory_space<vmem>>, vector<1x16xf32>,
          %get3A_208 = vector.shape_cast %get3A_207 : vector<1x16xf32> to vector<16xf32>
          %add3A_209 = arith.constant 0 : i32
          %add3A_210 = arith.addi %mul3A_137, %add3A_209 : i32
          %get3A_211 = arith.index_cast %add3A_210 : i32 to index
          %get3A_212 = arith.constant 192 : index
          %get3A_213 = tpu.vector_load %arg7[%get3A_211, %get3A_212] {strides = array<i32>} : memref<15x512xf32, #tpu.memory_space<vmem>>, vector<1x16xf32>,
          %get3A_214 = vector.shape_cast %get3A_213 : vector<1x16xf32> to vector<16xf32>
          %add3A_215 = arith.constant 0 : i32
          %add3A_216 = arith.addi %mul3A_137, %add3A_215 : i32
          %get3A_217 = arith.index_cast %add3A_216 : i32 to index
          %get3A_218 = arith.constant 208 : index
          %get3A_219 = tpu.vector_load %arg7[%get3A_217, %get3A_218] {strides = array<i32>} : memref<15x512xf32, #tpu.memory_space<vmem>>, vector<1x16xf32>,
          %get3A_220 = vector.shape_cast %get3A_219 : vector<1x16xf32> to vector<16xf32>
          %add3A_221 = arith.constant 0 : i32
          %add3A_222 = arith.addi %mul3A_137, %add3A_221 : i32
          %get3A_223 = arith.index_cast %add3A_222 : i32 to index
          %get3A_224 = arith.constant 224 : index
          %get3A_225 = tpu.vector_load %arg7[%get3A_223, %get3A_224] {strides = array<i32>} : memref<15x512xf32, #tpu.memory_space<vmem>>, vector<1x16xf32>,
          %get3A_226 = vector.shape_cast %get3A_225 : vector<1x16xf32> to vector<16xf32>
          %add3A_227 = arith.constant 0 : i32
          %add3A_228 = arith.addi %mul3A_137, %add3A_227 : i32
          %get3A_229 = arith.index_cast %add3A_228 : i32 to index
          %get3A_230 = arith.constant 240 : index
          %get3A_231 = tpu.vector_load %arg7[%get3A_229, %get3A_230] {strides = array<i32>} : memref<15x512xf32, #tpu.memory_space<vmem>>, vector<1x16xf32>,
          %get3A_232 = vector.shape_cast %get3A_231 : vector<1x16xf32> to vector<16xf32>
          %add3A_233 = arith.constant 0 : i32
          %add3A_234 = arith.addi %mul3A_137, %add3A_233 : i32
          %get3A_235 = arith.index_cast %add3A_234 : i32 to index
          %get3A_236 = arith.constant 256 : index
          %get3A_237 = tpu.vector_load %arg7[%get3A_235, %get3A_236] {strides = array<i32>} : memref<15x512xf32, #tpu.memory_space<vmem>>, vector<1x16xf32>,
          %get3A_238 = vector.shape_cast %get3A_237 : vector<1x16xf32> to vector<16xf32>
          %add3A_239 = arith.constant 0 : i32
          %add3A_240 = arith.addi %mul3A_137, %add3A_239 : i32
          %get3A_241 = arith.index_cast %add3A_240 : i32 to index
          %get3A_242 = arith.constant 272 : index
          %get3A_243 = tpu.vector_load %arg7[%get3A_241, %get3A_242] {strides = array<i32>} : memref<15x512xf32, #tpu.memory_space<vmem>>, vector<1x16xf32>,
          %get3A_244 = vector.shape_cast %get3A_243 : vector<1x16xf32> to vector<16xf32>
          %add3A_245 = arith.constant 0 : i32
          %add3A_246 = arith.addi %mul3A_137, %add3A_245 : i32
          %get3A_247 = arith.index_cast %add3A_246 : i32 to index
          %get3A_248 = arith.constant 288 : index
          %get3A_249 = tpu.vector_load %arg7[%get3A_247, %get3A_248] {strides = array<i32>} : memref<15x512xf32, #tpu.memory_space<vmem>>, vector<1x16xf32>,
          %get3A_250 = vector.shape_cast %get3A_249 : vector<1x16xf32> to vector<16xf32>
          %add3A_251 = arith.constant 0 : i32
          %add3A_252 = arith.addi %mul3A_137, %add3A_251 : i32
          %get3A_253 = arith.index_cast %add3A_252 : i32 to index
          %get3A_254 = arith.constant 304 : index
          %get3A_255 = tpu.vector_load %arg7[%get3A_253, %get3A_254] {strides = array<i32>} : memref<15x512xf32, #tpu.memory_space<vmem>>, vector<1x16xf32>,
          %get3A_256 = vector.shape_cast %get3A_255 : vector<1x16xf32> to vector<16xf32>
          %add3A_257 = arith.constant 0 : i32
          %add3A_258 = arith.addi %mul3A_137, %add3A_257 : i32
          %get3A_259 = arith.index_cast %add3A_258 : i32 to index
          %get3A_260 = arith.constant 320 : index
          %get3A_261 = tpu.vector_load %arg7[%get3A_259, %get3A_260] {strides = array<i32>} : memref<15x512xf32, #tpu.memory_space<vmem>>, vector<1x16xf32>,
          %get3A_262 = vector.shape_cast %get3A_261 : vector<1x16xf32> to vector<16xf32>
          %add3A_263 = arith.constant 0 : i32
          %add3A_264 = arith.addi %mul3A_137, %add3A_263 : i32
          %get3A_265 = arith.index_cast %add3A_264 : i32 to index
          %get3A_266 = arith.constant 336 : index
          %get3A_267 = tpu.vector_load %arg7[%get3A_265, %get3A_266] {strides = array<i32>} : memref<15x512xf32, #tpu.memory_space<vmem>>, vector<1x16xf32>,
          %get3A_268 = vector.shape_cast %get3A_267 : vector<1x16xf32> to vector<16xf32>
          %add3A_269 = arith.constant 0 : i32
          %add3A_270 = arith.addi %mul3A_137, %add3A_269 : i32
          %get3A_271 = arith.index_cast %add3A_270 : i32 to index
          %get3A_272 = arith.constant 352 : index
          %get3A_273 = tpu.vector_load %arg7[%get3A_271, %get3A_272] {strides = array<i32>} : memref<15x512xf32, #tpu.memory_space<vmem>>, vector<1x16xf32>,
          %get3A_274 = vector.shape_cast %get3A_273 : vector<1x16xf32> to vector<16xf32>
          %add3A_275 = arith.constant 0 : i32
          %add3A_276 = arith.addi %mul3A_137, %add3A_275 : i32
          %get3A_277 = arith.index_cast %add3A_276 : i32 to index
          %get3A_278 = arith.constant 368 : index
          %get3A_279 = tpu.vector_load %arg7[%get3A_277, %get3A_278] {strides = array<i32>} : memref<15x512xf32, #tpu.memory_space<vmem>>, vector<1x16xf32>,
          %get3A_280 = vector.shape_cast %get3A_279 : vector<1x16xf32> to vector<16xf32>
          %add3A_281 = arith.constant 0 : i32
          %add3A_282 = arith.addi %mul3A_137, %add3A_281 : i32
          %get3A_283 = arith.index_cast %add3A_282 : i32 to index
          %get3A_284 = arith.constant 384 : index
          %get3A_285 = tpu.vector_load %arg7[%get3A_283, %get3A_284] {strides = array<i32>} : memref<15x512xf32, #tpu.memory_space<vmem>>, vector<1x16xf32>,
          %get3A_286 = vector.shape_cast %get3A_285 : vector<1x16xf32> to vector<16xf32>
          %add3A_287 = arith.constant 0 : i32
          %add3A_288 = arith.addi %mul3A_137, %add3A_287 : i32
          %get3A_289 = arith.index_cast %add3A_288 : i32 to index
          %get3A_290 = arith.constant 400 : index
          %get3A_291 = tpu.vector_load %arg7[%get3A_289, %get3A_290] {strides = array<i32>} : memref<15x512xf32, #tpu.memory_space<vmem>>, vector<1x16xf32>,
          %get3A_292 = vector.shape_cast %get3A_291 : vector<1x16xf32> to vector<16xf32>
          %add3A_293 = arith.constant 0 : i32
          %add3A_294 = arith.addi %mul3A_137, %add3A_293 : i32
          %get3A_295 = arith.index_cast %add3A_294 : i32 to index
          %get3A_296 = arith.constant 416 : index
          %get3A_297 = tpu.vector_load %arg7[%get3A_295, %get3A_296] {strides = array<i32>} : memref<15x512xf32, #tpu.memory_space<vmem>>, vector<1x16xf32>,
          %get3A_298 = vector.shape_cast %get3A_297 : vector<1x16xf32> to vector<16xf32>
          %add3A_299 = arith.constant 0 : i32
          %add3A_300 = arith.addi %mul3A_137, %add3A_299 : i32
          %get3A_301 = arith.index_cast %add3A_300 : i32 to index
          %get3A_302 = arith.constant 432 : index
          %get3A_303 = tpu.vector_load %arg7[%get3A_301, %get3A_302] {strides = array<i32>} : memref<15x512xf32, #tpu.memory_space<vmem>>, vector<1x16xf32>,
          %get3A_304 = vector.shape_cast %get3A_303 : vector<1x16xf32> to vector<16xf32>
          %add3A_305 = arith.constant 0 : i32
          %add3A_306 = arith.addi %mul3A_137, %add3A_305 : i32
          %get3A_307 = arith.index_cast %add3A_306 : i32 to index
          %get3A_308 = arith.constant 448 : index
          %get3A_309 = tpu.vector_load %arg7[%get3A_307, %get3A_308] {strides = array<i32>} : memref<15x512xf32, #tpu.memory_space<vmem>>, vector<1x16xf32>,
          %get3A_310 = vector.shape_cast %get3A_309 : vector<1x16xf32> to vector<16xf32>
          %add3A_311 = arith.constant 0 : i32
          %add3A_312 = arith.addi %mul3A_137, %add3A_311 : i32
          %get3A_313 = arith.index_cast %add3A_312 : i32 to index
          %get3A_314 = arith.constant 464 : index
          %get3A_315 = tpu.vector_load %arg7[%get3A_313, %get3A_314] {strides = array<i32>} : memref<15x512xf32, #tpu.memory_space<vmem>>, vector<1x16xf32>,
          %get3A_316 = vector.shape_cast %get3A_315 : vector<1x16xf32> to vector<16xf32>
          %add3A_317 = arith.constant 0 : i32
          %add3A_318 = arith.addi %mul3A_137, %add3A_317 : i32
          %get3A_319 = arith.index_cast %add3A_318 : i32 to index
          %get3A_320 = arith.constant 480 : index
          %get3A_321 = tpu.vector_load %arg7[%get3A_319, %get3A_320] {strides = array<i32>} : memref<15x512xf32, #tpu.memory_space<vmem>>, vector<1x16xf32>,
          %get3A_322 = vector.shape_cast %get3A_321 : vector<1x16xf32> to vector<16xf32>
          %add3A_323 = arith.constant 0 : i32
          %add3A_324 = arith.addi %mul3A_137, %add3A_323 : i32
          %get3A_325 = arith.index_cast %add3A_324 : i32 to index
          %get3A_326 = arith.constant 496 : index
          %get3A_327 = tpu.vector_load %arg7[%get3A_325, %get3A_326] {strides = array<i32>} : memref<15x512xf32, #tpu.memory_space<vmem>>, vector<1x16xf32>,
          %get3A_328 = vector.shape_cast %get3A_327 : vector<1x16xf32> to vector<16xf32>
          %add3A_329 = arith.constant 0 : i32
          %add3A_330 = arith.addi %add3A_329, %mul3A_137 : i32
          %add3A_331 = arith.constant 0 : i32
          %add3A_332 = arith.addi %add3A_330, %add3A_331 : i32
          %swap3A = arith.index_cast %add3A_332 : i32 to index
          %swap3A_333 = arith.constant 0 : index
          %swap3A_334 = tpu.vector_load %arg10[%swap3A, %swap3A_333] {strides = array<i32>} : memref<77x512xf32, #tpu.memory_space<vmem>>, vector<1x16xf32>,
          %swap3A_335 = vector.shape_cast %swap3A_334 : vector<1x16xf32> to vector<16xf32>
          %swap3A_336 = vector.shape_cast %get3A_142 : vector<16xf32> to vector<1x16xf32>
          tpu.vector_store %arg10[%swap3A, %swap3A_333], %swap3A_336 {strides = array<i32>} : memref<77x512xf32, #tpu.memory_space<vmem>>, vector<1x16xf32>,
          %add3A_337 = arith.constant 0 : i32
          %add3A_338 = arith.addi %add3A_337, %mul3A_137 : i32
          %add3A_339 = arith.constant 0 : i32
          %add3A_340 = arith.addi %add3A_338, %add3A_339 : i32
          %swap3A_341 = arith.index_cast %add3A_340 : i32 to index
          %swap3A_342 = arith.constant 16 : index
          %swap3A_343 = tpu.vector_load %arg10[%swap3A_341, %swap3A_342] {strides = array<i32>} : memref<77x512xf32, #tpu.memory_space<vmem>>, vector<1x16xf32>,
          %swap3A_344 = vector.shape_cast %swap3A_343 : vector<1x16xf32> to vector<16xf32>
          %swap3A_345 = vector.shape_cast %get3A_148 : vector<16xf32> to vector<1x16xf32>
          tpu.vector_store %arg10[%swap3A_341, %swap3A_342], %swap3A_345 {strides = array<i32>} : memref<77x512xf32, #tpu.memory_space<vmem>>, vector<1x16xf32>,
          %add3A_346 = arith.constant 0 : i32
          %add3A_347 = arith.addi %add3A_346, %mul3A_137 : i32
          %add3A_348 = arith.constant 0 : i32
          %add3A_349 = arith.addi %add3A_347, %add3A_348 : i32
          %swap3A_350 = arith.index_cast %add3A_349 : i32 to index
          %swap3A_351 = arith.constant 32 : index
          %swap3A_352 = tpu.vector_load %arg10[%swap3A_350, %swap3A_351] {strides = array<i32>} : memref<77x512xf32, #tpu.memory_space<vmem>>, vector<1x16xf32>,
          %swap3A_353 = vector.shape_cast %swap3A_352 : vector<1x16xf32> to vector<16xf32>
          %swap3A_354 = vector.shape_cast %get3A_154 : vector<16xf32> to vector<1x16xf32>
          tpu.vector_store %arg10[%swap3A_350, %swap3A_351], %swap3A_354 {strides = array<i32>} : memref<77x512xf32, #tpu.memory_space<vmem>>, vector<1x16xf32>,
          %add3A_355 = arith.constant 0 : i32
          %add3A_356 = arith.addi %add3A_355, %mul3A_137 : i32
          %add3A_357 = arith.constant 0 : i32
          %add3A_358 = arith.addi %add3A_356, %add3A_357 : i32
          %swap3A_359 = arith.index_cast %add3A_358 : i32 to index
          %swap3A_360 = arith.constant 48 : index
          %swap3A_361 = tpu.vector_load %arg10[%swap3A_359, %swap3A_360] {strides = array<i32>} : memref<77x512xf32, #tpu.memory_space<vmem>>, vector<1x16xf32>,
          %swap3A_362 = vector.shape_cast %swap3A_361 : vector<1x16xf32> to vector<16xf32>
          %swap3A_363 = vector.shape_cast %get3A_160 : vector<16xf32> to vector<1x16xf32>
          tpu.vector_store %arg10[%swap3A_359, %swap3A_360], %swap3A_363 {strides = array<i32>} : memref<77x512xf32, #tpu.memory_space<vmem>>, vector<1x16xf32>,
          %add3A_364 = arith.constant 0 : i32
          %add3A_365 = arith.addi %add3A_364, %mul3A_137 : i32
          %add3A_366 = arith.constant 0 : i32
          %add3A_367 = arith.addi %add3A_365, %add3A_366 : i32
          %swap3A_368 = arith.index_cast %add3A_367 : i32 to index
          %swap3A_369 = arith.constant 64 : index
          %swap3A_370 = tpu.vector_load %arg10[%swap3A_368, %swap3A_369] {strides = array<i32>} : memref<77x512xf32, #tpu.memory_space<vmem>>, vector<1x16xf32>,
          %swap3A_371 = vector.shape_cast %swap3A_370 : vector<1x16xf32> to vector<16xf32>
          %swap3A_372 = vector.shape_cast %get3A_166 : vector<16xf32> to vector<1x16xf32>
          tpu.vector_store %arg10[%swap3A_368, %swap3A_369], %swap3A_372 {strides = array<i32>} : memref<77x512xf32, #tpu.memory_space<vmem>>, vector<1x16xf32>,
          %add3A_373 = arith.constant 0 : i32
          %add3A_374 = arith.addi %add3A_373, %mul3A_137 : i32
          %add3A_375 = arith.constant 0 : i32
          %add3A_376 = arith.addi %add3A_374, %add3A_375 : i32
          %swap3A_377 = arith.index_cast %add3A_376 : i32 to index
          %swap3A_378 = arith.constant 80 : index
          %swap3A_379 = tpu.vector_load %arg10[%swap3A_377, %swap3A_378] {strides = array<i32>} : memref<77x512xf32, #tpu.memory_space<vmem>>, vector<1x16xf32>,
          %swap3A_380 = vector.shape_cast %swap3A_379 : vector<1x16xf32> to vector<16xf32>
          %swap3A_381 = vector.shape_cast %get3A_172 : vector<16xf32> to vector<1x16xf32>
          tpu.vector_store %arg10[%swap3A_377, %swap3A_378], %swap3A_381 {strides = array<i32>} : memref<77x512xf32, #tpu.memory_space<vmem>>, vector<1x16xf32>,
          %add3A_382 = arith.constant 0 : i32
          %add3A_383 = arith.addi %add3A_382, %mul3A_137 : i32
          %add3A_384 = arith.constant 0 : i32
          %add3A_385 = arith.addi %add3A_383, %add3A_384 : i32
          %swap3A_386 = arith.index_cast %add3A_385 : i32 to index
          %swap3A_387 = arith.constant 96 : index
          %swap3A_388 = tpu.vector_load %arg10[%swap3A_386, %swap3A_387] {strides = array<i32>} : memref<77x512xf32, #tpu.memory_space<vmem>>, vector<1x16xf32>,
          %swap3A_389 = vector.shape_cast %swap3A_388 : vector<1x16xf32> to vector<16xf32>
          %swap3A_390 = vector.shape_cast %get3A_178 : vector<16xf32> to vector<1x16xf32>
          tpu.vector_store %arg10[%swap3A_386, %swap3A_387], %swap3A_390 {strides = array<i32>} : memref<77x512xf32, #tpu.memory_space<vmem>>, vector<1x16xf32>,
          %add3A_391 = arith.constant 0 : i32
          %add3A_392 = arith.addi %add3A_391, %mul3A_137 : i32
          %add3A_393 = arith.constant 0 : i32
          %add3A_394 = arith.addi %add3A_392, %add3A_393 : i32
          %swap3A_395 = arith.index_cast %add3A_394 : i32 to index
          %swap3A_396 = arith.constant 112 : index
          %swap3A_397 = tpu.vector_load %arg10[%swap3A_395, %swap3A_396] {strides = array<i32>} : memref<77x512xf32, #tpu.memory_space<vmem>>, vector<1x16xf32>,
          %swap3A_398 = vector.shape_cast %swap3A_397 : vector<1x16xf32> to vector<16xf32>
          %swap3A_399 = vector.shape_cast %get3A_184 : vector<16xf32> to vector<1x16xf32>
          tpu.vector_store %arg10[%swap3A_395, %swap3A_396], %swap3A_399 {strides = array<i32>} : memref<77x512xf32, #tpu.memory_space<vmem>>, vector<1x16xf32>,
          %add3A_400 = arith.constant 0 : i32
          %add3A_401 = arith.addi %add3A_400, %mul3A_137 : i32
          %add3A_402 = arith.constant 0 : i32
          %add3A_403 = arith.addi %add3A_401, %add3A_402 : i32
          %swap3A_404 = arith.index_cast %add3A_403 : i32 to index
          %swap3A_405 = arith.constant 128 : index
          %swap3A_406 = tpu.vector_load %arg10[%swap3A_404, %swap3A_405] {strides = array<i32>} : memref<77x512xf32, #tpu.memory_space<vmem>>, vector<1x16xf32>,
          %swap3A_407 = vector.shape_cast %swap3A_406 : vector<1x16xf32> to vector<16xf32>
          %swap3A_408 = vector.shape_cast %get3A_190 : vector<16xf32> to vector<1x16xf32>
          tpu.vector_store %arg10[%swap3A_404, %swap3A_405], %swap3A_408 {strides = array<i32>} : memref<77x512xf32, #tpu.memory_space<vmem>>, vector<1x16xf32>,
          %add3A_409 = arith.constant 0 : i32
          %add3A_410 = arith.addi %add3A_409, %mul3A_137 : i32
          %add3A_411 = arith.constant 0 : i32
          %add3A_412 = arith.addi %add3A_410, %add3A_411 : i32
          %swap3A_413 = arith.index_cast %add3A_412 : i32 to index
          %swap3A_414 = arith.constant 144 : index
          %swap3A_415 = tpu.vector_load %arg10[%swap3A_413, %swap3A_414] {strides = array<i32>} : memref<77x512xf32, #tpu.memory_space<vmem>>, vector<1x16xf32>,
          %swap3A_416 = vector.shape_cast %swap3A_415 : vector<1x16xf32> to vector<16xf32>
          %swap3A_417 = vector.shape_cast %get3A_196 : vector<16xf32> to vector<1x16xf32>
          tpu.vector_store %arg10[%swap3A_413, %swap3A_414], %swap3A_417 {strides = array<i32>} : memref<77x512xf32, #tpu.memory_space<vmem>>, vector<1x16xf32>,
          %add3A_418 = arith.constant 0 : i32
          %add3A_419 = arith.addi %add3A_418, %mul3A_137 : i32
          %add3A_420 = arith.constant 0 : i32
          %add3A_421 = arith.addi %add3A_419, %add3A_420 : i32
          %swap3A_422 = arith.index_cast %add3A_421 : i32 to index
          %swap3A_423 = arith.constant 160 : index
          %swap3A_424 = tpu.vector_load %arg10[%swap3A_422, %swap3A_423] {strides = array<i32>} : memref<77x512xf32, #tpu.memory_space<vmem>>, vector<1x16xf32>,
          %swap3A_425 = vector.shape_cast %swap3A_424 : vector<1x16xf32> to vector<16xf32>
          %swap3A_426 = vector.shape_cast %get3A_202 : vector<16xf32> to vector<1x16xf32>
          tpu.vector_store %arg10[%swap3A_422, %swap3A_423], %swap3A_426 {strides = array<i32>} : memref<77x512xf32, #tpu.memory_space<vmem>>, vector<1x16xf32>,
          %add3A_427 = arith.constant 0 : i32
          %add3A_428 = arith.addi %add3A_427, %mul3A_137 : i32
          %add3A_429 = arith.constant 0 : i32
          %add3A_430 = arith.addi %add3A_428, %add3A_429 : i32
          %swap3A_431 = arith.index_cast %add3A_430 : i32 to index
          %swap3A_432 = arith.constant 176 : index
          %swap3A_433 = tpu.vector_load %arg10[%swap3A_431, %swap3A_432] {strides = array<i32>} : memref<77x512xf32, #tpu.memory_space<vmem>>, vector<1x16xf32>,
          %swap3A_434 = vector.shape_cast %swap3A_433 : vector<1x16xf32> to vector<16xf32>
          %swap3A_435 = vector.shape_cast %get3A_208 : vector<16xf32> to vector<1x16xf32>
          tpu.vector_store %arg10[%swap3A_431, %swap3A_432], %swap3A_435 {strides = array<i32>} : memref<77x512xf32, #tpu.memory_space<vmem>>, vector<1x16xf32>,
          %add3A_436 = arith.constant 0 : i32
          %add3A_437 = arith.addi %add3A_436, %mul3A_137 : i32
          %add3A_438 = arith.constant 0 : i32
          %add3A_439 = arith.addi %add3A_437, %add3A_438 : i32
          %swap3A_440 = arith.index_cast %add3A_439 : i32 to index
          %swap3A_441 = arith.constant 192 : index
          %swap3A_442 = tpu.vector_load %arg10[%swap3A_440, %swap3A_441] {strides = array<i32>} : memref<77x512xf32, #tpu.memory_space<vmem>>, vector<1x16xf32>,
          %swap3A_443 = vector.shape_cast %swap3A_442 : vector<1x16xf32> to vector<16xf32>
          %swap3A_444 = vector.shape_cast %get3A_214 : vector<16xf32> to vector<1x16xf32>
          tpu.vector_store %arg10[%swap3A_440, %swap3A_441], %swap3A_444 {strides = array<i32>} : memref<77x512xf32, #tpu.memory_space<vmem>>, vector<1x16xf32>,
          %add3A_445 = arith.constant 0 : i32
          %add3A_446 = arith.addi %add3A_445, %mul3A_137 : i32
          %add3A_447 = arith.constant 0 : i32
          %add3A_448 = arith.addi %add3A_446, %add3A_447 : i32
          %swap3A_449 = arith.index_cast %add3A_448 : i32 to index
          %swap3A_450 = arith.constant 208 : index
          %swap3A_451 = tpu.vector_load %arg10[%swap3A_449, %swap3A_450] {strides = array<i32>} : memref<77x512xf32, #tpu.memory_space<vmem>>, vector<1x16xf32>,
          %swap3A_452 = vector.shape_cast %swap3A_451 : vector<1x16xf32> to vector<16xf32>
          %swap3A_453 = vector.shape_cast %get3A_220 : vector<16xf32> to vector<1x16xf32>
          tpu.vector_store %arg10[%swap3A_449, %swap3A_450], %swap3A_453 {strides = array<i32>} : memref<77x512xf32, #tpu.memory_space<vmem>>, vector<1x16xf32>,
          %add3A_454 = arith.constant 0 : i32
          %add3A_455 = arith.addi %add3A_454, %mul3A_137 : i32
          %add3A_456 = arith.constant 0 : i32
          %add3A_457 = arith.addi %add3A_455, %add3A_456 : i32
          %swap3A_458 = arith.index_cast %add3A_457 : i32 to index
          %swap3A_459 = arith.constant 224 : index
          %swap3A_460 = tpu.vector_load %arg10[%swap3A_458, %swap3A_459] {strides = array<i32>} : memref<77x512xf32, #tpu.memory_space<vmem>>, vector<1x16xf32>,
          %swap3A_461 = vector.shape_cast %swap3A_460 : vector<1x16xf32> to vector<16xf32>
          %swap3A_462 = vector.shape_cast %get3A_226 : vector<16xf32> to vector<1x16xf32>
          tpu.vector_store %arg10[%swap3A_458, %swap3A_459], %swap3A_462 {strides = array<i32>} : memref<77x512xf32, #tpu.memory_space<vmem>>, vector<1x16xf32>,
          %add3A_463 = arith.constant 0 : i32
          %add3A_464 = arith.addi %add3A_463, %mul3A_137 : i32
          %add3A_465 = arith.constant 0 : i32
          %add3A_466 = arith.addi %add3A_464, %add3A_465 : i32
          %swap3A_467 = arith.index_cast %add3A_466 : i32 to index
          %swap3A_468 = arith.constant 240 : index
          %swap3A_469 = tpu.vector_load %arg10[%swap3A_467, %swap3A_468] {strides = array<i32>} : memref<77x512xf32, #tpu.memory_space<vmem>>, vector<1x16xf32>,
          %swap3A_470 = vector.shape_cast %swap3A_469 : vector<1x16xf32> to vector<16xf32>
          %swap3A_471 = vector.shape_cast %get3A_232 : vector<16xf32> to vector<1x16xf32>
          tpu.vector_store %arg10[%swap3A_467, %swap3A_468], %swap3A_471 {strides = array<i32>} : memref<77x512xf32, #tpu.memory_space<vmem>>, vector<1x16xf32>,
          %add3A_472 = arith.constant 0 : i32
          %add3A_473 = arith.addi %add3A_472, %mul3A_137 : i32
          %add3A_474 = arith.constant 0 : i32
          %add3A_475 = arith.addi %add3A_473, %add3A_474 : i32
          %swap3A_476 = arith.index_cast %add3A_475 : i32 to index
          %swap3A_477 = arith.constant 256 : index
          %swap3A_478 = tpu.vector_load %arg10[%swap3A_476, %swap3A_477] {strides = array<i32>} : memref<77x512xf32, #tpu.memory_space<vmem>>, vector<1x16xf32>,
          %swap3A_479 = vector.shape_cast %swap3A_478 : vector<1x16xf32> to vector<16xf32>
          %swap3A_480 = vector.shape_cast %get3A_238 : vector<16xf32> to vector<1x16xf32>
          tpu.vector_store %arg10[%swap3A_476, %swap3A_477], %swap3A_480 {strides = array<i32>} : memref<77x512xf32, #tpu.memory_space<vmem>>, vector<1x16xf32>,
          %add3A_481 = arith.constant 0 : i32
          %add3A_482 = arith.addi %add3A_481, %mul3A_137 : i32
          %add3A_483 = arith.constant 0 : i32
          %add3A_484 = arith.addi %add3A_482, %add3A_483 : i32
          %swap3A_485 = arith.index_cast %add3A_484 : i32 to index
          %swap3A_486 = arith.constant 272 : index
          %swap3A_487 = tpu.vector_load %arg10[%swap3A_485, %swap3A_486] {strides = array<i32>} : memref<77x512xf32, #tpu.memory_space<vmem>>, vector<1x16xf32>,
          %swap3A_488 = vector.shape_cast %swap3A_487 : vector<1x16xf32> to vector<16xf32>
          %swap3A_489 = vector.shape_cast %get3A_244 : vector<16xf32> to vector<1x16xf32>
          tpu.vector_store %arg10[%swap3A_485, %swap3A_486], %swap3A_489 {strides = array<i32>} : memref<77x512xf32, #tpu.memory_space<vmem>>, vector<1x16xf32>,
          %add3A_490 = arith.constant 0 : i32
          %add3A_491 = arith.addi %add3A_490, %mul3A_137 : i32
          %add3A_492 = arith.constant 0 : i32
          %add3A_493 = arith.addi %add3A_491, %add3A_492 : i32
          %swap3A_494 = arith.index_cast %add3A_493 : i32 to index
          %swap3A_495 = arith.constant 288 : index
          %swap3A_496 = tpu.vector_load %arg10[%swap3A_494, %swap3A_495] {strides = array<i32>} : memref<77x512xf32, #tpu.memory_space<vmem>>, vector<1x16xf32>,
          %swap3A_497 = vector.shape_cast %swap3A_496 : vector<1x16xf32> to vector<16xf32>
          %swap3A_498 = vector.shape_cast %get3A_250 : vector<16xf32> to vector<1x16xf32>
          tpu.vector_store %arg10[%swap3A_494, %swap3A_495], %swap3A_498 {strides = array<i32>} : memref<77x512xf32, #tpu.memory_space<vmem>>, vector<1x16xf32>,
          %add3A_499 = arith.constant 0 : i32
          %add3A_500 = arith.addi %add3A_499, %mul3A_137 : i32
          %add3A_501 = arith.constant 0 : i32
          %add3A_502 = arith.addi %add3A_500, %add3A_501 : i32
          %swap3A_503 = arith.index_cast %add3A_502 : i32 to index
          %swap3A_504 = arith.constant 304 : index
          %swap3A_505 = tpu.vector_load %arg10[%swap3A_503, %swap3A_504] {strides = array<i32>} : memref<77x512xf32, #tpu.memory_space<vmem>>, vector<1x16xf32>,
          %swap3A_506 = vector.shape_cast %swap3A_505 : vector<1x16xf32> to vector<16xf32>
          %swap3A_507 = vector.shape_cast %get3A_256 : vector<16xf32> to vector<1x16xf32>
          tpu.vector_store %arg10[%swap3A_503, %swap3A_504], %swap3A_507 {strides = array<i32>} : memref<77x512xf32, #tpu.memory_space<vmem>>, vector<1x16xf32>,
          %add3A_508 = arith.constant 0 : i32
          %add3A_509 = arith.addi %add3A_508, %mul3A_137 : i32
          %add3A_510 = arith.constant 0 : i32
          %add3A_511 = arith.addi %add3A_509, %add3A_510 : i32
          %swap3A_512 = arith.index_cast %add3A_511 : i32 to index
          %swap3A_513 = arith.constant 320 : index
          %swap3A_514 = tpu.vector_load %arg10[%swap3A_512, %swap3A_513] {strides = array<i32>} : memref<77x512xf32, #tpu.memory_space<vmem>>, vector<1x16xf32>,
          %swap3A_515 = vector.shape_cast %swap3A_514 : vector<1x16xf32> to vector<16xf32>
          %swap3A_516 = vector.shape_cast %get3A_262 : vector<16xf32> to vector<1x16xf32>
          tpu.vector_store %arg10[%swap3A_512, %swap3A_513], %swap3A_516 {strides = array<i32>} : memref<77x512xf32, #tpu.memory_space<vmem>>, vector<1x16xf32>,
          %add3A_517 = arith.constant 0 : i32
          %add3A_518 = arith.addi %add3A_517, %mul3A_137 : i32
          %add3A_519 = arith.constant 0 : i32
          %add3A_520 = arith.addi %add3A_518, %add3A_519 : i32
          %swap3A_521 = arith.index_cast %add3A_520 : i32 to index
          %swap3A_522 = arith.constant 336 : index
          %swap3A_523 = tpu.vector_load %arg10[%swap3A_521, %swap3A_522] {strides = array<i32>} : memref<77x512xf32, #tpu.memory_space<vmem>>, vector<1x16xf32>,
          %swap3A_524 = vector.shape_cast %swap3A_523 : vector<1x16xf32> to vector<16xf32>
          %swap3A_525 = vector.shape_cast %get3A_268 : vector<16xf32> to vector<1x16xf32>
          tpu.vector_store %arg10[%swap3A_521, %swap3A_522], %swap3A_525 {strides = array<i32>} : memref<77x512xf32, #tpu.memory_space<vmem>>, vector<1x16xf32>,
          %add3A_526 = arith.constant 0 : i32
          %add3A_527 = arith.addi %add3A_526, %mul3A_137 : i32
          %add3A_528 = arith.constant 0 : i32
          %add3A_529 = arith.addi %add3A_527, %add3A_528 : i32
          %swap3A_530 = arith.index_cast %add3A_529 : i32 to index
          %swap3A_531 = arith.constant 352 : index
          %swap3A_532 = tpu.vector_load %arg10[%swap3A_530, %swap3A_531] {strides = array<i32>} : memref<77x512xf32, #tpu.memory_space<vmem>>, vector<1x16xf32>,
          %swap3A_533 = vector.shape_cast %swap3A_532 : vector<1x16xf32> to vector<16xf32>
          %swap3A_534 = vector.shape_cast %get3A_274 : vector<16xf32> to vector<1x16xf32>
          tpu.vector_store %arg10[%swap3A_530, %swap3A_531], %swap3A_534 {strides = array<i32>} : memref<77x512xf32, #tpu.memory_space<vmem>>, vector<1x16xf32>,
          %add3A_535 = arith.constant 0 : i32
          %add3A_536 = arith.addi %add3A_535, %mul3A_137 : i32
          %add3A_537 = arith.constant 0 : i32
          %add3A_538 = arith.addi %add3A_536, %add3A_537 : i32
          %swap3A_539 = arith.index_cast %add3A_538 : i32 to index
          %swap3A_540 = arith.constant 368 : index
          %swap3A_541 = tpu.vector_load %arg10[%swap3A_539, %swap3A_540] {strides = array<i32>} : memref<77x512xf32, #tpu.memory_space<vmem>>, vector<1x16xf32>,
          %swap3A_542 = vector.shape_cast %swap3A_541 : vector<1x16xf32> to vector<16xf32>
          %swap3A_543 = vector.shape_cast %get3A_280 : vector<16xf32> to vector<1x16xf32>
          tpu.vector_store %arg10[%swap3A_539, %swap3A_540], %swap3A_543 {strides = array<i32>} : memref<77x512xf32, #tpu.memory_space<vmem>>, vector<1x16xf32>,
          %add3A_544 = arith.constant 0 : i32
          %add3A_545 = arith.addi %add3A_544, %mul3A_137 : i32
          %add3A_546 = arith.constant 0 : i32
          %add3A_547 = arith.addi %add3A_545, %add3A_546 : i32
          %swap3A_548 = arith.index_cast %add3A_547 : i32 to index
          %swap3A_549 = arith.constant 384 : index
          %swap3A_550 = tpu.vector_load %arg10[%swap3A_548, %swap3A_549] {strides = array<i32>} : memref<77x512xf32, #tpu.memory_space<vmem>>, vector<1x16xf32>,
          %swap3A_551 = vector.shape_cast %swap3A_550 : vector<1x16xf32> to vector<16xf32>
          %swap3A_552 = vector.shape_cast %get3A_286 : vector<16xf32> to vector<1x16xf32>
          tpu.vector_store %arg10[%swap3A_548, %swap3A_549], %swap3A_552 {strides = array<i32>} : memref<77x512xf32, #tpu.memory_space<vmem>>, vector<1x16xf32>,
          %add3A_553 = arith.constant 0 : i32
          %add3A_554 = arith.addi %add3A_553, %mul3A_137 : i32
          %add3A_555 = arith.constant 0 : i32
          %add3A_556 = arith.addi %add3A_554, %add3A_555 : i32
          %swap3A_557 = arith.index_cast %add3A_556 : i32 to index
          %swap3A_558 = arith.constant 400 : index
          %swap3A_559 = tpu.vector_load %arg10[%swap3A_557, %swap3A_558] {strides = array<i32>} : memref<77x512xf32, #tpu.memory_space<vmem>>, vector<1x16xf32>,
          %swap3A_560 = vector.shape_cast %swap3A_559 : vector<1x16xf32> to vector<16xf32>
          %swap3A_561 = vector.shape_cast %get3A_292 : vector<16xf32> to vector<1x16xf32>
          tpu.vector_store %arg10[%swap3A_557, %swap3A_558], %swap3A_561 {strides = array<i32>} : memref<77x512xf32, #tpu.memory_space<vmem>>, vector<1x16xf32>,
          %add3A_562 = arith.constant 0 : i32
          %add3A_563 = arith.addi %add3A_562, %mul3A_137 : i32
          %add3A_564 = arith.constant 0 : i32
          %add3A_565 = arith.addi %add3A_563, %add3A_564 : i32
          %swap3A_566 = arith.index_cast %add3A_565 : i32 to index
          %swap3A_567 = arith.constant 416 : index
          %swap3A_568 = tpu.vector_load %arg10[%swap3A_566, %swap3A_567] {strides = array<i32>} : memref<77x512xf32, #tpu.memory_space<vmem>>, vector<1x16xf32>,
          %swap3A_569 = vector.shape_cast %swap3A_568 : vector<1x16xf32> to vector<16xf32>
          %swap3A_570 = vector.shape_cast %get3A_298 : vector<16xf32> to vector<1x16xf32>
          tpu.vector_store %arg10[%swap3A_566, %swap3A_567], %swap3A_570 {strides = array<i32>} : memref<77x512xf32, #tpu.memory_space<vmem>>, vector<1x16xf32>,
          %add3A_571 = arith.constant 0 : i32
          %add3A_572 = arith.addi %add3A_571, %mul3A_137 : i32
          %add3A_573 = arith.constant 0 : i32
          %add3A_574 = arith.addi %add3A_572, %add3A_573 : i32
          %swap3A_575 = arith.index_cast %add3A_574 : i32 to index
          %swap3A_576 = arith.constant 432 : index
          %swap3A_577 = tpu.vector_load %arg10[%swap3A_575, %swap3A_576] {strides = array<i32>} : memref<77x512xf32, #tpu.memory_space<vmem>>, vector<1x16xf32>,
          %swap3A_578 = vector.shape_cast %swap3A_577 : vector<1x16xf32> to vector<16xf32>
          %swap3A_579 = vector.shape_cast %get3A_304 : vector<16xf32> to vector<1x16xf32>
          tpu.vector_store %arg10[%swap3A_575, %swap3A_576], %swap3A_579 {strides = array<i32>} : memref<77x512xf32, #tpu.memory_space<vmem>>, vector<1x16xf32>,
          %add3A_580 = arith.constant 0 : i32
          %add3A_581 = arith.addi %add3A_580, %mul3A_137 : i32
          %add3A_582 = arith.constant 0 : i32
          %add3A_583 = arith.addi %add3A_581, %add3A_582 : i32
          %swap3A_584 = arith.index_cast %add3A_583 : i32 to index
          %swap3A_585 = arith.constant 448 : index
          %swap3A_586 = tpu.vector_load %arg10[%swap3A_584, %swap3A_585] {strides = array<i32>} : memref<77x512xf32, #tpu.memory_space<vmem>>, vector<1x16xf32>,
          %swap3A_587 = vector.shape_cast %swap3A_586 : vector<1x16xf32> to vector<16xf32>
          %swap3A_588 = vector.shape_cast %get3A_310 : vector<16xf32> to vector<1x16xf32>
          tpu.vector_store %arg10[%swap3A_584, %swap3A_585], %swap3A_588 {strides = array<i32>} : memref<77x512xf32, #tpu.memory_space<vmem>>, vector<1x16xf32>,
          %add3A_589 = arith.constant 0 : i32
          %add3A_590 = arith.addi %add3A_589, %mul3A_137 : i32
          %add3A_591 = arith.constant 0 : i32
          %add3A_592 = arith.addi %add3A_590, %add3A_591 : i32
          %swap3A_593 = arith.index_cast %add3A_592 : i32 to index
          %swap3A_594 = arith.constant 464 : index
          %swap3A_595 = tpu.vector_load %arg10[%swap3A_593, %swap3A_594] {strides = array<i32>} : memref<77x512xf32, #tpu.memory_space<vmem>>, vector<1x16xf32>,
          %swap3A_596 = vector.shape_cast %swap3A_595 : vector<1x16xf32> to vector<16xf32>
          %swap3A_597 = vector.shape_cast %get3A_316 : vector<16xf32> to vector<1x16xf32>
          tpu.vector_store %arg10[%swap3A_593, %swap3A_594], %swap3A_597 {strides = array<i32>} : memref<77x512xf32, #tpu.memory_space<vmem>>, vector<1x16xf32>,
          %add3A_598 = arith.constant 0 : i32
          %add3A_599 = arith.addi %add3A_598, %mul3A_137 : i32
          %add3A_600 = arith.constant 0 : i32
          %add3A_601 = arith.addi %add3A_599, %add3A_600 : i32
          %swap3A_602 = arith.index_cast %add3A_601 : i32 to index
          %swap3A_603 = arith.constant 480 : index
          %swap3A_604 = tpu.vector_load %arg10[%swap3A_602, %swap3A_603] {strides = array<i32>} : memref<77x512xf32, #tpu.memory_space<vmem>>, vector<1x16xf32>,
          %swap3A_605 = vector.shape_cast %swap3A_604 : vector<1x16xf32> to vector<16xf32>
          %swap3A_606 = vector.shape_cast %get3A_322 : vector<16xf32> to vector<1x16xf32>
          tpu.vector_store %arg10[%swap3A_602, %swap3A_603], %swap3A_606 {strides = array<i32>} : memref<77x512xf32, #tpu.memory_space<vmem>>, vector<1x16xf32>,
          %add3A_607 = arith.constant 0 : i32
          %add3A_608 = arith.addi %add3A_607, %mul3A_137 : i32
          %add3A_609 = arith.constant 0 : i32
          %add3A_610 = arith.addi %add3A_608, %add3A_609 : i32
          %swap3A_611 = arith.index_cast %add3A_610 : i32 to index
          %swap3A_612 = arith.constant 496 : index
          %swap3A_613 = tpu.vector_load %arg10[%swap3A_611, %swap3A_612] {strides = array<i32>} : memref<77x512xf32, #tpu.memory_space<vmem>>, vector<1x16xf32>,
          %swap3A_614 = vector.shape_cast %swap3A_613 : vector<1x16xf32> to vector<16xf32>
          %swap3A_615 = vector.shape_cast %get3A_328 : vector<16xf32> to vector<1x16xf32>
          tpu.vector_store %arg10[%swap3A_611, %swap3A_612], %swap3A_615 {strides = array<i32>} : memref<77x512xf32, #tpu.memory_space<vmem>>, vector<1x16xf32>,
        }
        %scan3A_122 = arith.constant 15 : i32
        %scan3A_123 = arith.constant 0 : i32
        %scan3A_124 = arith.constant 46 : i32
        %scan3A_125 = arith.addi %scan3A_123, %scan3A_124 : i32
        %scan3A_126 = arith.constant 1 : i32
        scf.for %scan3A_135 = %scan3A_123 to %scan3A_125 step %scan3A_126  : i32 {
          %mul3A_136 = arith.constant 1 : i32
          %mul3A_137 = arith.muli %scan3A_135, %mul3A_136 : i32
          %add3A_138 = arith.constant 0 : i32
          %add3A_139 = arith.addi %mul3A_137, %add3A_138 : i32
          %get3A = arith.index_cast %add3A_139 : i32 to index
          %get3A_140 = arith.constant 0 : index
          %get3A_141 = tpu.vector_load %arg9[%get3A, %get3A_140] {strides = array<i32>} : memref<46x512xf32, #tpu.memory_space<vmem>>, vector<1x16xf32>,
          %get3A_142 = vector.shape_cast %get3A_141 : vector<1x16xf32> to vector<16xf32>
          %add3A_143 = arith.constant 0 : i32
          %add3A_144 = arith.addi %mul3A_137, %add3A_143 : i32
          %get3A_145 = arith.index_cast %add3A_144 : i32 to index
          %get3A_146 = arith.constant 16 : index
          %get3A_147 = tpu.vector_load %arg9[%get3A_145, %get3A_146] {strides = array<i32>} : memref<46x512xf32, #tpu.memory_space<vmem>>, vector<1x16xf32>,
          %get3A_148 = vector.shape_cast %get3A_147 : vector<1x16xf32> to vector<16xf32>
          %add3A_149 = arith.constant 0 : i32
          %add3A_150 = arith.addi %mul3A_137, %add3A_149 : i32
          %get3A_151 = arith.index_cast %add3A_150 : i32 to index
          %get3A_152 = arith.constant 32 : index
          %get3A_153 = tpu.vector_load %arg9[%get3A_151, %get3A_152] {strides = array<i32>} : memref<46x512xf32, #tpu.memory_space<vmem>>, vector<1x16xf32>,
          %get3A_154 = vector.shape_cast %get3A_153 : vector<1x16xf32> to vector<16xf32>
          %add3A_155 = arith.constant 0 : i32
          %add3A_156 = arith.addi %mul3A_137, %add3A_155 : i32
          %get3A_157 = arith.index_cast %add3A_156 : i32 to index
          %get3A_158 = arith.constant 48 : index
          %get3A_159 = tpu.vector_load %arg9[%get3A_157, %get3A_158] {strides = array<i32>} : memref<46x512xf32, #tpu.memory_space<vmem>>, vector<1x16xf32>,
          %get3A_160 = vector.shape_cast %get3A_159 : vector<1x16xf32> to vector<16xf32>
          %add3A_161 = arith.constant 0 : i32
          %add3A_162 = arith.addi %mul3A_137, %add3A_161 : i32
          %get3A_163 = arith.index_cast %add3A_162 : i32 to index
          %get3A_164 = arith.constant 64 : index
          %get3A_165 = tpu.vector_load %arg9[%get3A_163, %get3A_164] {strides = array<i32>} : memref<46x512xf32, #tpu.memory_space<vmem>>, vector<1x16xf32>,
          %get3A_166 = vector.shape_cast %get3A_165 : vector<1x16xf32> to vector<16xf32>
          %add3A_167 = arith.constant 0 : i32
          %add3A_168 = arith.addi %mul3A_137, %add3A_167 : i32
          %get3A_169 = arith.index_cast %add3A_168 : i32 to index
          %get3A_170 = arith.constant 80 : index
          %get3A_171 = tpu.vector_load %arg9[%get3A_169, %get3A_170] {strides = array<i32>} : memref<46x512xf32, #tpu.memory_space<vmem>>, vector<1x16xf32>,
          %get3A_172 = vector.shape_cast %get3A_171 : vector<1x16xf32> to vector<16xf32>
          %add3A_173 = arith.constant 0 : i32
          %add3A_174 = arith.addi %mul3A_137, %add3A_173 : i32
          %get3A_175 = arith.index_cast %add3A_174 : i32 to index
          %get3A_176 = arith.constant 96 : index
          %get3A_177 = tpu.vector_load %arg9[%get3A_175, %get3A_176] {strides = array<i32>} : memref<46x512xf32, #tpu.memory_space<vmem>>, vector<1x16xf32>,
          %get3A_178 = vector.shape_cast %get3A_177 : vector<1x16xf32> to vector<16xf32>
          %add3A_179 = arith.constant 0 : i32
          %add3A_180 = arith.addi %mul3A_137, %add3A_179 : i32
          %get3A_181 = arith.index_cast %add3A_180 : i32 to index
          %get3A_182 = arith.constant 112 : index
          %get3A_183 = tpu.vector_load %arg9[%get3A_181, %get3A_182] {strides = array<i32>} : memref<46x512xf32, #tpu.memory_space<vmem>>, vector<1x16xf32>,
          %get3A_184 = vector.shape_cast %get3A_183 : vector<1x16xf32> to vector<16xf32>
          %add3A_185 = arith.constant 0 : i32
          %add3A_186 = arith.addi %mul3A_137, %add3A_185 : i32
          %get3A_187 = arith.index_cast %add3A_186 : i32 to index
          %get3A_188 = arith.constant 128 : index
          %get3A_189 = tpu.vector_load %arg9[%get3A_187, %get3A_188] {strides = array<i32>} : memref<46x512xf32, #tpu.memory_space<vmem>>, vector<1x16xf32>,
          %get3A_190 = vector.shape_cast %get3A_189 : vector<1x16xf32> to vector<16xf32>
          %add3A_191 = arith.constant 0 : i32
          %add3A_192 = arith.addi %mul3A_137, %add3A_191 : i32
          %get3A_193 = arith.index_cast %add3A_192 : i32 to index
          %get3A_194 = arith.constant 144 : index
          %get3A_195 = tpu.vector_load %arg9[%get3A_193, %get3A_194] {strides = array<i32>} : memref<46x512xf32, #tpu.memory_space<vmem>>, vector<1x16xf32>,
          %get3A_196 = vector.shape_cast %get3A_195 : vector<1x16xf32> to vector<16xf32>
          %add3A_197 = arith.constant 0 : i32
          %add3A_198 = arith.addi %mul3A_137, %add3A_197 : i32
          %get3A_199 = arith.index_cast %add3A_198 : i32 to index
          %get3A_200 = arith.constant 160 : index
          %get3A_201 = tpu.vector_load %arg9[%get3A_199, %get3A_200] {strides = array<i32>} : memref<46x512xf32, #tpu.memory_space<vmem>>, vector<1x16xf32>,
          %get3A_202 = vector.shape_cast %get3A_201 : vector<1x16xf32> to vector<16xf32>
          %add3A_203 = arith.constant 0 : i32
          %add3A_204 = arith.addi %mul3A_137, %add3A_203 : i32
          %get3A_205 = arith.index_cast %add3A_204 : i32 to index
          %get3A_206 = arith.constant 176 : index
          %get3A_207 = tpu.vector_load %arg9[%get3A_205, %get3A_206] {strides = array<i32>} : memref<46x512xf32, #tpu.memory_space<vmem>>, vector<1x16xf32>,
          %get3A_208 = vector.shape_cast %get3A_207 : vector<1x16xf32> to vector<16xf32>
          %add3A_209 = arith.constant 0 : i32
          %add3A_210 = arith.addi %mul3A_137, %add3A_209 : i32
          %get3A_211 = arith.index_cast %add3A_210 : i32 to index
          %get3A_212 = arith.constant 192 : index
          %get3A_213 = tpu.vector_load %arg9[%get3A_211, %get3A_212] {strides = array<i32>} : memref<46x512xf32, #tpu.memory_space<vmem>>, vector<1x16xf32>,
          %get3A_214 = vector.shape_cast %get3A_213 : vector<1x16xf32> to vector<16xf32>
          %add3A_215 = arith.constant 0 : i32
          %add3A_216 = arith.addi %mul3A_137, %add3A_215 : i32
          %get3A_217 = arith.index_cast %add3A_216 : i32 to index
          %get3A_218 = arith.constant 208 : index
          %get3A_219 = tpu.vector_load %arg9[%get3A_217, %get3A_218] {strides = array<i32>} : memref<46x512xf32, #tpu.memory_space<vmem>>, vector<1x16xf32>,
          %get3A_220 = vector.shape_cast %get3A_219 : vector<1x16xf32> to vector<16xf32>
          %add3A_221 = arith.constant 0 : i32
          %add3A_222 = arith.addi %mul3A_137, %add3A_221 : i32
          %get3A_223 = arith.index_cast %add3A_222 : i32 to index
          %get3A_224 = arith.constant 224 : index
          %get3A_225 = tpu.vector_load %arg9[%get3A_223, %get3A_224] {strides = array<i32>} : memref<46x512xf32, #tpu.memory_space<vmem>>, vector<1x16xf32>,
          %get3A_226 = vector.shape_cast %get3A_225 : vector<1x16xf32> to vector<16xf32>
          %add3A_227 = arith.constant 0 : i32
          %add3A_228 = arith.addi %mul3A_137, %add3A_227 : i32
          %get3A_229 = arith.index_cast %add3A_228 : i32 to index
          %get3A_230 = arith.constant 240 : index
          %get3A_231 = tpu.vector_load %arg9[%get3A_229, %get3A_230] {strides = array<i32>} : memref<46x512xf32, #tpu.memory_space<vmem>>, vector<1x16xf32>,
          %get3A_232 = vector.shape_cast %get3A_231 : vector<1x16xf32> to vector<16xf32>
          %add3A_233 = arith.constant 0 : i32
          %add3A_234 = arith.addi %mul3A_137, %add3A_233 : i32
          %get3A_235 = arith.index_cast %add3A_234 : i32 to index
          %get3A_236 = arith.constant 256 : index
          %get3A_237 = tpu.vector_load %arg9[%get3A_235, %get3A_236] {strides = array<i32>} : memref<46x512xf32, #tpu.memory_space<vmem>>, vector<1x16xf32>,
          %get3A_238 = vector.shape_cast %get3A_237 : vector<1x16xf32> to vector<16xf32>
          %add3A_239 = arith.constant 0 : i32
          %add3A_240 = arith.addi %mul3A_137, %add3A_239 : i32
          %get3A_241 = arith.index_cast %add3A_240 : i32 to index
          %get3A_242 = arith.constant 272 : index
          %get3A_243 = tpu.vector_load %arg9[%get3A_241, %get3A_242] {strides = array<i32>} : memref<46x512xf32, #tpu.memory_space<vmem>>, vector<1x16xf32>,
          %get3A_244 = vector.shape_cast %get3A_243 : vector<1x16xf32> to vector<16xf32>
          %add3A_245 = arith.constant 0 : i32
          %add3A_246 = arith.addi %mul3A_137, %add3A_245 : i32
          %get3A_247 = arith.index_cast %add3A_246 : i32 to index
          %get3A_248 = arith.constant 288 : index
          %get3A_249 = tpu.vector_load %arg9[%get3A_247, %get3A_248] {strides = array<i32>} : memref<46x512xf32, #tpu.memory_space<vmem>>, vector<1x16xf32>,
          %get3A_250 = vector.shape_cast %get3A_249 : vector<1x16xf32> to vector<16xf32>
          %add3A_251 = arith.constant 0 : i32
          %add3A_252 = arith.addi %mul3A_137, %add3A_251 : i32
          %get3A_253 = arith.index_cast %add3A_252 : i32 to index
          %get3A_254 = arith.constant 304 : index
          %get3A_255 = tpu.vector_load %arg9[%get3A_253, %get3A_254] {strides = array<i32>} : memref<46x512xf32, #tpu.memory_space<vmem>>, vector<1x16xf32>,
          %get3A_256 = vector.shape_cast %get3A_255 : vector<1x16xf32> to vector<16xf32>
          %add3A_257 = arith.constant 0 : i32
          %add3A_258 = arith.addi %mul3A_137, %add3A_257 : i32
          %get3A_259 = arith.index_cast %add3A_258 : i32 to index
          %get3A_260 = arith.constant 320 : index
          %get3A_261 = tpu.vector_load %arg9[%get3A_259, %get3A_260] {strides = array<i32>} : memref<46x512xf32, #tpu.memory_space<vmem>>, vector<1x16xf32>,
          %get3A_262 = vector.shape_cast %get3A_261 : vector<1x16xf32> to vector<16xf32>
          %add3A_263 = arith.constant 0 : i32
          %add3A_264 = arith.addi %mul3A_137, %add3A_263 : i32
          %get3A_265 = arith.index_cast %add3A_264 : i32 to index
          %get3A_266 = arith.constant 336 : index
          %get3A_267 = tpu.vector_load %arg9[%get3A_265, %get3A_266] {strides = array<i32>} : memref<46x512xf32, #tpu.memory_space<vmem>>, vector<1x16xf32>,
          %get3A_268 = vector.shape_cast %get3A_267 : vector<1x16xf32> to vector<16xf32>
          %add3A_269 = arith.constant 0 : i32
          %add3A_270 = arith.addi %mul3A_137, %add3A_269 : i32
          %get3A_271 = arith.index_cast %add3A_270 : i32 to index
          %get3A_272 = arith.constant 352 : index
          %get3A_273 = tpu.vector_load %arg9[%get3A_271, %get3A_272] {strides = array<i32>} : memref<46x512xf32, #tpu.memory_space<vmem>>, vector<1x16xf32>,
          %get3A_274 = vector.shape_cast %get3A_273 : vector<1x16xf32> to vector<16xf32>
          %add3A_275 = arith.constant 0 : i32
          %add3A_276 = arith.addi %mul3A_137, %add3A_275 : i32
          %get3A_277 = arith.index_cast %add3A_276 : i32 to index
          %get3A_278 = arith.constant 368 : index
          %get3A_279 = tpu.vector_load %arg9[%get3A_277, %get3A_278] {strides = array<i32>} : memref<46x512xf32, #tpu.memory_space<vmem>>, vector<1x16xf32>,
          %get3A_280 = vector.shape_cast %get3A_279 : vector<1x16xf32> to vector<16xf32>
          %add3A_281 = arith.constant 0 : i32
          %add3A_282 = arith.addi %mul3A_137, %add3A_281 : i32
          %get3A_283 = arith.index_cast %add3A_282 : i32 to index
          %get3A_284 = arith.constant 384 : index
          %get3A_285 = tpu.vector_load %arg9[%get3A_283, %get3A_284] {strides = array<i32>} : memref<46x512xf32, #tpu.memory_space<vmem>>, vector<1x16xf32>,
          %get3A_286 = vector.shape_cast %get3A_285 : vector<1x16xf32> to vector<16xf32>
          %add3A_287 = arith.constant 0 : i32
          %add3A_288 = arith.addi %mul3A_137, %add3A_287 : i32
          %get3A_289 = arith.index_cast %add3A_288 : i32 to index
          %get3A_290 = arith.constant 400 : index
          %get3A_291 = tpu.vector_load %arg9[%get3A_289, %get3A_290] {strides = array<i32>} : memref<46x512xf32, #tpu.memory_space<vmem>>, vector<1x16xf32>,
          %get3A_292 = vector.shape_cast %get3A_291 : vector<1x16xf32> to vector<16xf32>
          %add3A_293 = arith.constant 0 : i32
          %add3A_294 = arith.addi %mul3A_137, %add3A_293 : i32
          %get3A_295 = arith.index_cast %add3A_294 : i32 to index
          %get3A_296 = arith.constant 416 : index
          %get3A_297 = tpu.vector_load %arg9[%get3A_295, %get3A_296] {strides = array<i32>} : memref<46x512xf32, #tpu.memory_space<vmem>>, vector<1x16xf32>,
          %get3A_298 = vector.shape_cast %get3A_297 : vector<1x16xf32> to vector<16xf32>
          %add3A_299 = arith.constant 0 : i32
          %add3A_300 = arith.addi %mul3A_137, %add3A_299 : i32
          %get3A_301 = arith.index_cast %add3A_300 : i32 to index
          %get3A_302 = arith.constant 432 : index
          %get3A_303 = tpu.vector_load %arg9[%get3A_301, %get3A_302] {strides = array<i32>} : memref<46x512xf32, #tpu.memory_space<vmem>>, vector<1x16xf32>,
          %get3A_304 = vector.shape_cast %get3A_303 : vector<1x16xf32> to vector<16xf32>
          %add3A_305 = arith.constant 0 : i32
          %add3A_306 = arith.addi %mul3A_137, %add3A_305 : i32
          %get3A_307 = arith.index_cast %add3A_306 : i32 to index
          %get3A_308 = arith.constant 448 : index
          %get3A_309 = tpu.vector_load %arg9[%get3A_307, %get3A_308] {strides = array<i32>} : memref<46x512xf32, #tpu.memory_space<vmem>>, vector<1x16xf32>,
          %get3A_310 = vector.shape_cast %get3A_309 : vector<1x16xf32> to vector<16xf32>
          %add3A_311 = arith.constant 0 : i32
          %add3A_312 = arith.addi %mul3A_137, %add3A_311 : i32
          %get3A_313 = arith.index_cast %add3A_312 : i32 to index
          %get3A_314 = arith.constant 464 : index
          %get3A_315 = tpu.vector_load %arg9[%get3A_313, %get3A_314] {strides = array<i32>} : memref<46x512xf32, #tpu.memory_space<vmem>>, vector<1x16xf32>,
          %get3A_316 = vector.shape_cast %get3A_315 : vector<1x16xf32> to vector<16xf32>
          %add3A_317 = arith.constant 0 : i32
          %add3A_318 = arith.addi %mul3A_137, %add3A_317 : i32
          %get3A_319 = arith.index_cast %add3A_318 : i32 to index
          %get3A_320 = arith.constant 480 : index
          %get3A_321 = tpu.vector_load %arg9[%get3A_319, %get3A_320] {strides = array<i32>} : memref<46x512xf32, #tpu.memory_space<vmem>>, vector<1x16xf32>,
          %get3A_322 = vector.shape_cast %get3A_321 : vector<1x16xf32> to vector<16xf32>
          %add3A_323 = arith.constant 0 : i32
          %add3A_324 = arith.addi %mul3A_137, %add3A_323 : i32
          %get3A_325 = arith.index_cast %add3A_324 : i32 to index
          %get3A_326 = arith.constant 496 : index
          %get3A_327 = tpu.vector_load %arg9[%get3A_325, %get3A_326] {strides = array<i32>} : memref<46x512xf32, #tpu.memory_space<vmem>>, vector<1x16xf32>,
          %get3A_328 = vector.shape_cast %get3A_327 : vector<1x16xf32> to vector<16xf32>
          %add3A_329 = arith.constant 31 : i32
          %add3A_330 = arith.addi %add3A_329, %mul3A_137 : i32
          %add3A_331 = arith.constant 0 : i32
          %add3A_332 = arith.addi %add3A_330, %add3A_331 : i32
          %swap3A = arith.index_cast %add3A_332 : i32 to index
          %swap3A_333 = arith.constant 0 : index
          %swap3A_334 = tpu.vector_load %arg10[%swap3A, %swap3A_333] {strides = array<i32>} : memref<77x512xf32, #tpu.memory_space<vmem>>, vector<1x16xf32>,
          %swap3A_335 = vector.shape_cast %swap3A_334 : vector<1x16xf32> to vector<16xf32>
          %swap3A_336 = vector.shape_cast %get3A_142 : vector<16xf32> to vector<1x16xf32>
          tpu.vector_store %arg10[%swap3A, %swap3A_333], %swap3A_336 {strides = array<i32>} : memref<77x512xf32, #tpu.memory_space<vmem>>, vector<1x16xf32>,
          %add3A_337 = arith.constant 31 : i32
          %add3A_338 = arith.addi %add3A_337, %mul3A_137 : i32
          %add3A_339 = arith.constant 0 : i32
          %add3A_340 = arith.addi %add3A_338, %add3A_339 : i32
          %swap3A_341 = arith.index_cast %add3A_340 : i32 to index
          %swap3A_342 = arith.constant 16 : index
          %swap3A_343 = tpu.vector_load %arg10[%swap3A_341, %swap3A_342] {strides = array<i32>} : memref<77x512xf32, #tpu.memory_space<vmem>>, vector<1x16xf32>,
          %swap3A_344 = vector.shape_cast %swap3A_343 : vector<1x16xf32> to vector<16xf32>
          %swap3A_345 = vector.shape_cast %get3A_148 : vector<16xf32> to vector<1x16xf32>
          tpu.vector_store %arg10[%swap3A_341, %swap3A_342], %swap3A_345 {strides = array<i32>} : memref<77x512xf32, #tpu.memory_space<vmem>>, vector<1x16xf32>,
          %add3A_346 = arith.constant 31 : i32
          %add3A_347 = arith.addi %add3A_346, %mul3A_137 : i32
          %add3A_348 = arith.constant 0 : i32
          %add3A_349 = arith.addi %add3A_347, %add3A_348 : i32
          %swap3A_350 = arith.index_cast %add3A_349 : i32 to index
          %swap3A_351 = arith.constant 32 : index
          %swap3A_352 = tpu.vector_load %arg10[%swap3A_350, %swap3A_351] {strides = array<i32>} : memref<77x512xf32, #tpu.memory_space<vmem>>, vector<1x16xf32>,
          %swap3A_353 = vector.shape_cast %swap3A_352 : vector<1x16xf32> to vector<16xf32>
          %swap3A_354 = vector.shape_cast %get3A_154 : vector<16xf32> to vector<1x16xf32>
          tpu.vector_store %arg10[%swap3A_350, %swap3A_351], %swap3A_354 {strides = array<i32>} : memref<77x512xf32, #tpu.memory_space<vmem>>, vector<1x16xf32>,
          %add3A_355 = arith.constant 31 : i32
          %add3A_356 = arith.addi %add3A_355, %mul3A_137 : i32
          %add3A_357 = arith.constant 0 : i32
          %add3A_358 = arith.addi %add3A_356, %add3A_357 : i32
          %swap3A_359 = arith.index_cast %add3A_358 : i32 to index
          %swap3A_360 = arith.constant 48 : index
          %swap3A_361 = tpu.vector_load %arg10[%swap3A_359, %swap3A_360] {strides = array<i32>} : memref<77x512xf32, #tpu.memory_space<vmem>>, vector<1x16xf32>,
          %swap3A_362 = vector.shape_cast %swap3A_361 : vector<1x16xf32> to vector<16xf32>
          %swap3A_363 = vector.shape_cast %get3A_160 : vector<16xf32> to vector<1x16xf32>
          tpu.vector_store %arg10[%swap3A_359, %swap3A_360], %swap3A_363 {strides = array<i32>} : memref<77x512xf32, #tpu.memory_space<vmem>>, vector<1x16xf32>,
          %add3A_364 = arith.constant 31 : i32
          %add3A_365 = arith.addi %add3A_364, %mul3A_137 : i32
          %add3A_366 = arith.constant 0 : i32
          %add3A_367 = arith.addi %add3A_365, %add3A_366 : i32
          %swap3A_368 = arith.index_cast %add3A_367 : i32 to index
          %swap3A_369 = arith.constant 64 : index
          %swap3A_370 = tpu.vector_load %arg10[%swap3A_368, %swap3A_369] {strides = array<i32>} : memref<77x512xf32, #tpu.memory_space<vmem>>, vector<1x16xf32>,
          %swap3A_371 = vector.shape_cast %swap3A_370 : vector<1x16xf32> to vector<16xf32>
          %swap3A_372 = vector.shape_cast %get3A_166 : vector<16xf32> to vector<1x16xf32>
          tpu.vector_store %arg10[%swap3A_368, %swap3A_369], %swap3A_372 {strides = array<i32>} : memref<77x512xf32, #tpu.memory_space<vmem>>, vector<1x16xf32>,
          %add3A_373 = arith.constant 31 : i32
          %add3A_374 = arith.addi %add3A_373, %mul3A_137 : i32
          %add3A_375 = arith.constant 0 : i32
          %add3A_376 = arith.addi %add3A_374, %add3A_375 : i32
          %swap3A_377 = arith.index_cast %add3A_376 : i32 to index
          %swap3A_378 = arith.constant 80 : index
          %swap3A_379 = tpu.vector_load %arg10[%swap3A_377, %swap3A_378] {strides = array<i32>} : memref<77x512xf32, #tpu.memory_space<vmem>>, vector<1x16xf32>,
          %swap3A_380 = vector.shape_cast %swap3A_379 : vector<1x16xf32> to vector<16xf32>
          %swap3A_381 = vector.shape_cast %get3A_172 : vector<16xf32> to vector<1x16xf32>
          tpu.vector_store %arg10[%swap3A_377, %swap3A_378], %swap3A_381 {strides = array<i32>} : memref<77x512xf32, #tpu.memory_space<vmem>>, vector<1x16xf32>,
          %add3A_382 = arith.constant 31 : i32
          %add3A_383 = arith.addi %add3A_382, %mul3A_137 : i32
          %add3A_384 = arith.constant 0 : i32
          %add3A_385 = arith.addi %add3A_383, %add3A_384 : i32
          %swap3A_386 = arith.index_cast %add3A_385 : i32 to index
          %swap3A_387 = arith.constant 96 : index
          %swap3A_388 = tpu.vector_load %arg10[%swap3A_386, %swap3A_387] {strides = array<i32>} : memref<77x512xf32, #tpu.memory_space<vmem>>, vector<1x16xf32>,
          %swap3A_389 = vector.shape_cast %swap3A_388 : vector<1x16xf32> to vector<16xf32>
          %swap3A_390 = vector.shape_cast %get3A_178 : vector<16xf32> to vector<1x16xf32>
          tpu.vector_store %arg10[%swap3A_386, %swap3A_387], %swap3A_390 {strides = array<i32>} : memref<77x512xf32, #tpu.memory_space<vmem>>, vector<1x16xf32>,
          %add3A_391 = arith.constant 31 : i32
          %add3A_392 = arith.addi %add3A_391, %mul3A_137 : i32
          %add3A_393 = arith.constant 0 : i32
          %add3A_394 = arith.addi %add3A_392, %add3A_393 : i32
          %swap3A_395 = arith.index_cast %add3A_394 : i32 to index
          %swap3A_396 = arith.constant 112 : index
          %swap3A_397 = tpu.vector_load %arg10[%swap3A_395, %swap3A_396] {strides = array<i32>} : memref<77x512xf32, #tpu.memory_space<vmem>>, vector<1x16xf32>,
          %swap3A_398 = vector.shape_cast %swap3A_397 : vector<1x16xf32> to vector<16xf32>
          %swap3A_399 = vector.shape_cast %get3A_184 : vector<16xf32> to vector<1x16xf32>
          tpu.vector_store %arg10[%swap3A_395, %swap3A_396], %swap3A_399 {strides = array<i32>} : memref<77x512xf32, #tpu.memory_space<vmem>>, vector<1x16xf32>,
          %add3A_400 = arith.constant 31 : i32
          %add3A_401 = arith.addi %add3A_400, %mul3A_137 : i32
          %add3A_402 = arith.constant 0 : i32
          %add3A_403 = arith.addi %add3A_401, %add3A_402 : i32
          %swap3A_404 = arith.index_cast %add3A_403 : i32 to index
          %swap3A_405 = arith.constant 128 : index
          %swap3A_406 = tpu.vector_load %arg10[%swap3A_404, %swap3A_405] {strides = array<i32>} : memref<77x512xf32, #tpu.memory_space<vmem>>, vector<1x16xf32>,
          %swap3A_407 = vector.shape_cast %swap3A_406 : vector<1x16xf32> to vector<16xf32>
          %swap3A_408 = vector.shape_cast %get3A_190 : vector<16xf32> to vector<1x16xf32>
          tpu.vector_store %arg10[%swap3A_404, %swap3A_405], %swap3A_408 {strides = array<i32>} : memref<77x512xf32, #tpu.memory_space<vmem>>, vector<1x16xf32>,
          %add3A_409 = arith.constant 31 : i32
          %add3A_410 = arith.addi %add3A_409, %mul3A_137 : i32
          %add3A_411 = arith.constant 0 : i32
          %add3A_412 = arith.addi %add3A_410, %add3A_411 : i32
          %swap3A_413 = arith.index_cast %add3A_412 : i32 to index
          %swap3A_414 = arith.constant 144 : index
          %swap3A_415 = tpu.vector_load %arg10[%swap3A_413, %swap3A_414] {strides = array<i32>} : memref<77x512xf32, #tpu.memory_space<vmem>>, vector<1x16xf32>,
          %swap3A_416 = vector.shape_cast %swap3A_415 : vector<1x16xf32> to vector<16xf32>
          %swap3A_417 = vector.shape_cast %get3A_196 : vector<16xf32> to vector<1x16xf32>
          tpu.vector_store %arg10[%swap3A_413, %swap3A_414], %swap3A_417 {strides = array<i32>} : memref<77x512xf32, #tpu.memory_space<vmem>>, vector<1x16xf32>,
          %add3A_418 = arith.constant 31 : i32
          %add3A_419 = arith.addi %add3A_418, %mul3A_137 : i32
          %add3A_420 = arith.constant 0 : i32
          %add3A_421 = arith.addi %add3A_419, %add3A_420 : i32
          %swap3A_422 = arith.index_cast %add3A_421 : i32 to index
          %swap3A_423 = arith.constant 160 : index
          %swap3A_424 = tpu.vector_load %arg10[%swap3A_422, %swap3A_423] {strides = array<i32>} : memref<77x512xf32, #tpu.memory_space<vmem>>, vector<1x16xf32>,
          %swap3A_425 = vector.shape_cast %swap3A_424 : vector<1x16xf32> to vector<16xf32>
          %swap3A_426 = vector.shape_cast %get3A_202 : vector<16xf32> to vector<1x16xf32>
          tpu.vector_store %arg10[%swap3A_422, %swap3A_423], %swap3A_426 {strides = array<i32>} : memref<77x512xf32, #tpu.memory_space<vmem>>, vector<1x16xf32>,
          %add3A_427 = arith.constant 31 : i32
          %add3A_428 = arith.addi %add3A_427, %mul3A_137 : i32
          %add3A_429 = arith.constant 0 : i32
          %add3A_430 = arith.addi %add3A_428, %add3A_429 : i32
          %swap3A_431 = arith.index_cast %add3A_430 : i32 to index
          %swap3A_432 = arith.constant 176 : index
          %swap3A_433 = tpu.vector_load %arg10[%swap3A_431, %swap3A_432] {strides = array<i32>} : memref<77x512xf32, #tpu.memory_space<vmem>>, vector<1x16xf32>,
          %swap3A_434 = vector.shape_cast %swap3A_433 : vector<1x16xf32> to vector<16xf32>
          %swap3A_435 = vector.shape_cast %get3A_208 : vector<16xf32> to vector<1x16xf32>
          tpu.vector_store %arg10[%swap3A_431, %swap3A_432], %swap3A_435 {strides = array<i32>} : memref<77x512xf32, #tpu.memory_space<vmem>>, vector<1x16xf32>,
          %add3A_436 = arith.constant 31 : i32
          %add3A_437 = arith.addi %add3A_436, %mul3A_137 : i32
          %add3A_438 = arith.constant 0 : i32
          %add3A_439 = arith.addi %add3A_437, %add3A_438 : i32
          %swap3A_440 = arith.index_cast %add3A_439 : i32 to index
          %swap3A_441 = arith.constant 192 : index
          %swap3A_442 = tpu.vector_load %arg10[%swap3A_440, %swap3A_441] {strides = array<i32>} : memref<77x512xf32, #tpu.memory_space<vmem>>, vector<1x16xf32>,
          %swap3A_443 = vector.shape_cast %swap3A_442 : vector<1x16xf32> to vector<16xf32>
          %swap3A_444 = vector.shape_cast %get3A_214 : vector<16xf32> to vector<1x16xf32>
          tpu.vector_store %arg10[%swap3A_440, %swap3A_441], %swap3A_444 {strides = array<i32>} : memref<77x512xf32, #tpu.memory_space<vmem>>, vector<1x16xf32>,
          %add3A_445 = arith.constant 31 : i32
          %add3A_446 = arith.addi %add3A_445, %mul3A_137 : i32
          %add3A_447 = arith.constant 0 : i32
          %add3A_448 = arith.addi %add3A_446, %add3A_447 : i32
          %swap3A_449 = arith.index_cast %add3A_448 : i32 to index
          %swap3A_450 = arith.constant 208 : index
          %swap3A_451 = tpu.vector_load %arg10[%swap3A_449, %swap3A_450] {strides = array<i32>} : memref<77x512xf32, #tpu.memory_space<vmem>>, vector<1x16xf32>,
          %swap3A_452 = vector.shape_cast %swap3A_451 : vector<1x16xf32> to vector<16xf32>
          %swap3A_453 = vector.shape_cast %get3A_220 : vector<16xf32> to vector<1x16xf32>
          tpu.vector_store %arg10[%swap3A_449, %swap3A_450], %swap3A_453 {strides = array<i32>} : memref<77x512xf32, #tpu.memory_space<vmem>>, vector<1x16xf32>,
          %add3A_454 = arith.constant 31 : i32
          %add3A_455 = arith.addi %add3A_454, %mul3A_137 : i32
          %add3A_456 = arith.constant 0 : i32
          %add3A_457 = arith.addi %add3A_455, %add3A_456 : i32
          %swap3A_458 = arith.index_cast %add3A_457 : i32 to index
          %swap3A_459 = arith.constant 224 : index
          %swap3A_460 = tpu.vector_load %arg10[%swap3A_458, %swap3A_459] {strides = array<i32>} : memref<77x512xf32, #tpu.memory_space<vmem>>, vector<1x16xf32>,
          %swap3A_461 = vector.shape_cast %swap3A_460 : vector<1x16xf32> to vector<16xf32>
          %swap3A_462 = vector.shape_cast %get3A_226 : vector<16xf32> to vector<1x16xf32>
          tpu.vector_store %arg10[%swap3A_458, %swap3A_459], %swap3A_462 {strides = array<i32>} : memref<77x512xf32, #tpu.memory_space<vmem>>, vector<1x16xf32>,
          %add3A_463 = arith.constant 31 : i32
          %add3A_464 = arith.addi %add3A_463, %mul3A_137 : i32
          %add3A_465 = arith.constant 0 : i32
          %add3A_466 = arith.addi %add3A_464, %add3A_465 : i32
          %swap3A_467 = arith.index_cast %add3A_466 : i32 to index
          %swap3A_468 = arith.constant 240 : index
          %swap3A_469 = tpu.vector_load %arg10[%swap3A_467, %swap3A_468] {strides = array<i32>} : memref<77x512xf32, #tpu.memory_space<vmem>>, vector<1x16xf32>,
          %swap3A_470 = vector.shape_cast %swap3A_469 : vector<1x16xf32> to vector<16xf32>
          %swap3A_471 = vector.shape_cast %get3A_232 : vector<16xf32> to vector<1x16xf32>
          tpu.vector_store %arg10[%swap3A_467, %swap3A_468], %swap3A_471 {strides = array<i32>} : memref<77x512xf32, #tpu.memory_space<vmem>>, vector<1x16xf32>,
          %add3A_472 = arith.constant 31 : i32
          %add3A_473 = arith.addi %add3A_472, %mul3A_137 : i32
          %add3A_474 = arith.constant 0 : i32
          %add3A_475 = arith.addi %add3A_473, %add3A_474 : i32
          %swap3A_476 = arith.index_cast %add3A_475 : i32 to index
          %swap3A_477 = arith.constant 256 : index
          %swap3A_478 = tpu.vector_load %arg10[%swap3A_476, %swap3A_477] {strides = array<i32>} : memref<77x512xf32, #tpu.memory_space<vmem>>, vector<1x16xf32>,
          %swap3A_479 = vector.shape_cast %swap3A_478 : vector<1x16xf32> to vector<16xf32>
          %swap3A_480 = vector.shape_cast %get3A_238 : vector<16xf32> to vector<1x16xf32>
          tpu.vector_store %arg10[%swap3A_476, %swap3A_477], %swap3A_480 {strides = array<i32>} : memref<77x512xf32, #tpu.memory_space<vmem>>, vector<1x16xf32>,
          %add3A_481 = arith.constant 31 : i32
          %add3A_482 = arith.addi %add3A_481, %mul3A_137 : i32
          %add3A_483 = arith.constant 0 : i32
          %add3A_484 = arith.addi %add3A_482, %add3A_483 : i32
          %swap3A_485 = arith.index_cast %add3A_484 : i32 to index
          %swap3A_486 = arith.constant 272 : index
          %swap3A_487 = tpu.vector_load %arg10[%swap3A_485, %swap3A_486] {strides = array<i32>} : memref<77x512xf32, #tpu.memory_space<vmem>>, vector<1x16xf32>,
          %swap3A_488 = vector.shape_cast %swap3A_487 : vector<1x16xf32> to vector<16xf32>
          %swap3A_489 = vector.shape_cast %get3A_244 : vector<16xf32> to vector<1x16xf32>
          tpu.vector_store %arg10[%swap3A_485, %swap3A_486], %swap3A_489 {strides = array<i32>} : memref<77x512xf32, #tpu.memory_space<vmem>>, vector<1x16xf32>,
          %add3A_490 = arith.constant 31 : i32
          %add3A_491 = arith.addi %add3A_490, %mul3A_137 : i32
          %add3A_492 = arith.constant 0 : i32
          %add3A_493 = arith.addi %add3A_491, %add3A_492 : i32
          %swap3A_494 = arith.index_cast %add3A_493 : i32 to index
          %swap3A_495 = arith.constant 288 : index
          %swap3A_496 = tpu.vector_load %arg10[%swap3A_494, %swap3A_495] {strides = array<i32>} : memref<77x512xf32, #tpu.memory_space<vmem>>, vector<1x16xf32>,
          %swap3A_497 = vector.shape_cast %swap3A_496 : vector<1x16xf32> to vector<16xf32>
          %swap3A_498 = vector.shape_cast %get3A_250 : vector<16xf32> to vector<1x16xf32>
          tpu.vector_store %arg10[%swap3A_494, %swap3A_495], %swap3A_498 {strides = array<i32>} : memref<77x512xf32, #tpu.memory_space<vmem>>, vector<1x16xf32>,
          %add3A_499 = arith.constant 31 : i32
          %add3A_500 = arith.addi %add3A_499, %mul3A_137 : i32
          %add3A_501 = arith.constant 0 : i32
          %add3A_502 = arith.addi %add3A_500, %add3A_501 : i32
          %swap3A_503 = arith.index_cast %add3A_502 : i32 to index
          %swap3A_504 = arith.constant 304 : index
          %swap3A_505 = tpu.vector_load %arg10[%swap3A_503, %swap3A_504] {strides = array<i32>} : memref<77x512xf32, #tpu.memory_space<vmem>>, vector<1x16xf32>,
          %swap3A_506 = vector.shape_cast %swap3A_505 : vector<1x16xf32> to vector<16xf32>
          %swap3A_507 = vector.shape_cast %get3A_256 : vector<16xf32> to vector<1x16xf32>
          tpu.vector_store %arg10[%swap3A_503, %swap3A_504], %swap3A_507 {strides = array<i32>} : memref<77x512xf32, #tpu.memory_space<vmem>>, vector<1x16xf32>,
          %add3A_508 = arith.constant 31 : i32
          %add3A_509 = arith.addi %add3A_508, %mul3A_137 : i32
          %add3A_510 = arith.constant 0 : i32
          %add3A_511 = arith.addi %add3A_509, %add3A_510 : i32
          %swap3A_512 = arith.index_cast %add3A_511 : i32 to index
          %swap3A_513 = arith.constant 320 : index
          %swap3A_514 = tpu.vector_load %arg10[%swap3A_512, %swap3A_513] {strides = array<i32>} : memref<77x512xf32, #tpu.memory_space<vmem>>, vector<1x16xf32>,
          %swap3A_515 = vector.shape_cast %swap3A_514 : vector<1x16xf32> to vector<16xf32>
          %swap3A_516 = vector.shape_cast %get3A_262 : vector<16xf32> to vector<1x16xf32>
          tpu.vector_store %arg10[%swap3A_512, %swap3A_513], %swap3A_516 {strides = array<i32>} : memref<77x512xf32, #tpu.memory_space<vmem>>, vector<1x16xf32>,
          %add3A_517 = arith.constant 31 : i32
          %add3A_518 = arith.addi %add3A_517, %mul3A_137 : i32
          %add3A_519 = arith.constant 0 : i32
          %add3A_520 = arith.addi %add3A_518, %add3A_519 : i32
          %swap3A_521 = arith.index_cast %add3A_520 : i32 to index
          %swap3A_522 = arith.constant 336 : index
          %swap3A_523 = tpu.vector_load %arg10[%swap3A_521, %swap3A_522] {strides = array<i32>} : memref<77x512xf32, #tpu.memory_space<vmem>>, vector<1x16xf32>,
          %swap3A_524 = vector.shape_cast %swap3A_523 : vector<1x16xf32> to vector<16xf32>
          %swap3A_525 = vector.shape_cast %get3A_268 : vector<16xf32> to vector<1x16xf32>
          tpu.vector_store %arg10[%swap3A_521, %swap3A_522], %swap3A_525 {strides = array<i32>} : memref<77x512xf32, #tpu.memory_space<vmem>>, vector<1x16xf32>,
          %add3A_526 = arith.constant 31 : i32
          %add3A_527 = arith.addi %add3A_526, %mul3A_137 : i32
          %add3A_528 = arith.constant 0 : i32
          %add3A_529 = arith.addi %add3A_527, %add3A_528 : i32
          %swap3A_530 = arith.index_cast %add3A_529 : i32 to index
          %swap3A_531 = arith.constant 352 : index
          %swap3A_532 = tpu.vector_load %arg10[%swap3A_530, %swap3A_531] {strides = array<i32>} : memref<77x512xf32, #tpu.memory_space<vmem>>, vector<1x16xf32>,
          %swap3A_533 = vector.shape_cast %swap3A_532 : vector<1x16xf32> to vector<16xf32>
          %swap3A_534 = vector.shape_cast %get3A_274 : vector<16xf32> to vector<1x16xf32>
          tpu.vector_store %arg10[%swap3A_530, %swap3A_531], %swap3A_534 {strides = array<i32>} : memref<77x512xf32, #tpu.memory_space<vmem>>, vector<1x16xf32>,
          %add3A_535 = arith.constant 31 : i32
          %add3A_536 = arith.addi %add3A_535, %mul3A_137 : i32
          %add3A_537 = arith.constant 0 : i32
          %add3A_538 = arith.addi %add3A_536, %add3A_537 : i32
          %swap3A_539 = arith.index_cast %add3A_538 : i32 to index
          %swap3A_540 = arith.constant 368 : index
          %swap3A_541 = tpu.vector_load %arg10[%swap3A_539, %swap3A_540] {strides = array<i32>} : memref<77x512xf32, #tpu.memory_space<vmem>>, vector<1x16xf32>,
          %swap3A_542 = vector.shape_cast %swap3A_541 : vector<1x16xf32> to vector<16xf32>
          %swap3A_543 = vector.shape_cast %get3A_280 : vector<16xf32> to vector<1x16xf32>
          tpu.vector_store %arg10[%swap3A_539, %swap3A_540], %swap3A_543 {strides = array<i32>} : memref<77x512xf32, #tpu.memory_space<vmem>>, vector<1x16xf32>,
          %add3A_544 = arith.constant 31 : i32
          %add3A_545 = arith.addi %add3A_544, %mul3A_137 : i32
          %add3A_546 = arith.constant 0 : i32
          %add3A_547 = arith.addi %add3A_545, %add3A_546 : i32
          %swap3A_548 = arith.index_cast %add3A_547 : i32 to index
          %swap3A_549 = arith.constant 384 : index
          %swap3A_550 = tpu.vector_load %arg10[%swap3A_548, %swap3A_549] {strides = array<i32>} : memref<77x512xf32, #tpu.memory_space<vmem>>, vector<1x16xf32>,
          %swap3A_551 = vector.shape_cast %swap3A_550 : vector<1x16xf32> to vector<16xf32>
          %swap3A_552 = vector.shape_cast %get3A_286 : vector<16xf32> to vector<1x16xf32>
          tpu.vector_store %arg10[%swap3A_548, %swap3A_549], %swap3A_552 {strides = array<i32>} : memref<77x512xf32, #tpu.memory_space<vmem>>, vector<1x16xf32>,
          %add3A_553 = arith.constant 31 : i32
          %add3A_554 = arith.addi %add3A_553, %mul3A_137 : i32
          %add3A_555 = arith.constant 0 : i32
          %add3A_556 = arith.addi %add3A_554, %add3A_555 : i32
          %swap3A_557 = arith.index_cast %add3A_556 : i32 to index
          %swap3A_558 = arith.constant 400 : index
          %swap3A_559 = tpu.vector_load %arg10[%swap3A_557, %swap3A_558] {strides = array<i32>} : memref<77x512xf32, #tpu.memory_space<vmem>>, vector<1x16xf32>,
          %swap3A_560 = vector.shape_cast %swap3A_559 : vector<1x16xf32> to vector<16xf32>
          %swap3A_561 = vector.shape_cast %get3A_292 : vector<16xf32> to vector<1x16xf32>
          tpu.vector_store %arg10[%swap3A_557, %swap3A_558], %swap3A_561 {strides = array<i32>} : memref<77x512xf32, #tpu.memory_space<vmem>>, vector<1x16xf32>,
          %add3A_562 = arith.constant 31 : i32
          %add3A_563 = arith.addi %add3A_562, %mul3A_137 : i32
          %add3A_564 = arith.constant 0 : i32
          %add3A_565 = arith.addi %add3A_563, %add3A_564 : i32
          %swap3A_566 = arith.index_cast %add3A_565 : i32 to index
          %swap3A_567 = arith.constant 416 : index
          %swap3A_568 = tpu.vector_load %arg10[%swap3A_566, %swap3A_567] {strides = array<i32>} : memref<77x512xf32, #tpu.memory_space<vmem>>, vector<1x16xf32>,
          %swap3A_569 = vector.shape_cast %swap3A_568 : vector<1x16xf32> to vector<16xf32>
          %swap3A_570 = vector.shape_cast %get3A_298 : vector<16xf32> to vector<1x16xf32>
          tpu.vector_store %arg10[%swap3A_566, %swap3A_567], %swap3A_570 {strides = array<i32>} : memref<77x512xf32, #tpu.memory_space<vmem>>, vector<1x16xf32>,
          %add3A_571 = arith.constant 31 : i32
          %add3A_572 = arith.addi %add3A_571, %mul3A_137 : i32
          %add3A_573 = arith.constant 0 : i32
          %add3A_574 = arith.addi %add3A_572, %add3A_573 : i32
          %swap3A_575 = arith.index_cast %add3A_574 : i32 to index
          %swap3A_576 = arith.constant 432 : index
          %swap3A_577 = tpu.vector_load %arg10[%swap3A_575, %swap3A_576] {strides = array<i32>} : memref<77x512xf32, #tpu.memory_space<vmem>>, vector<1x16xf32>,
          %swap3A_578 = vector.shape_cast %swap3A_577 : vector<1x16xf32> to vector<16xf32>
          %swap3A_579 = vector.shape_cast %get3A_304 : vector<16xf32> to vector<1x16xf32>
          tpu.vector_store %arg10[%swap3A_575, %swap3A_576], %swap3A_579 {strides = array<i32>} : memref<77x512xf32, #tpu.memory_space<vmem>>, vector<1x16xf32>,
          %add3A_580 = arith.constant 31 : i32
          %add3A_581 = arith.addi %add3A_580, %mul3A_137 : i32
          %add3A_582 = arith.constant 0 : i32
          %add3A_583 = arith.addi %add3A_581, %add3A_582 : i32
          %swap3A_584 = arith.index_cast %add3A_583 : i32 to index
          %swap3A_585 = arith.constant 448 : index
          %swap3A_586 = tpu.vector_load %arg10[%swap3A_584, %swap3A_585] {strides = array<i32>} : memref<77x512xf32, #tpu.memory_space<vmem>>, vector<1x16xf32>,
          %swap3A_587 = vector.shape_cast %swap3A_586 : vector<1x16xf32> to vector<16xf32>
          %swap3A_588 = vector.shape_cast %get3A_310 : vector<16xf32> to vector<1x16xf32>
          tpu.vector_store %arg10[%swap3A_584, %swap3A_585], %swap3A_588 {strides = array<i32>} : memref<77x512xf32, #tpu.memory_space<vmem>>, vector<1x16xf32>,
          %add3A_589 = arith.constant 31 : i32
          %add3A_590 = arith.addi %add3A_589, %mul3A_137 : i32
          %add3A_591 = arith.constant 0 : i32
          %add3A_592 = arith.addi %add3A_590, %add3A_591 : i32
          %swap3A_593 = arith.index_cast %add3A_592 : i32 to index
          %swap3A_594 = arith.constant 464 : index
          %swap3A_595 = tpu.vector_load %arg10[%swap3A_593, %swap3A_594] {strides = array<i32>} : memref<77x512xf32, #tpu.memory_space<vmem>>, vector<1x16xf32>,
          %swap3A_596 = vector.shape_cast %swap3A_595 : vector<1x16xf32> to vector<16xf32>
          %swap3A_597 = vector.shape_cast %get3A_316 : vector<16xf32> to vector<1x16xf32>
          tpu.vector_store %arg10[%swap3A_593, %swap3A_594], %swap3A_597 {strides = array<i32>} : memref<77x512xf32, #tpu.memory_space<vmem>>, vector<1x16xf32>,
          %add3A_598 = arith.constant 31 : i32
          %add3A_599 = arith.addi %add3A_598, %mul3A_137 : i32
          %add3A_600 = arith.constant 0 : i32
          %add3A_601 = arith.addi %add3A_599, %add3A_600 : i32
          %swap3A_602 = arith.index_cast %add3A_601 : i32 to index
          %swap3A_603 = arith.constant 480 : index
          %swap3A_604 = tpu.vector_load %arg10[%swap3A_602, %swap3A_603] {strides = array<i32>} : memref<77x512xf32, #tpu.memory_space<vmem>>, vector<1x16xf32>,
          %swap3A_605 = vector.shape_cast %swap3A_604 : vector<1x16xf32> to vector<16xf32>
          %swap3A_606 = vector.shape_cast %get3A_322 : vector<16xf32> to vector<1x16xf32>
          tpu.vector_store %arg10[%swap3A_602, %swap3A_603], %swap3A_606 {strides = array<i32>} : memref<77x512xf32, #tpu.memory_space<vmem>>, vector<1x16xf32>,
          %add3A_607 = arith.constant 31 : i32
          %add3A_608 = arith.addi %add3A_607, %mul3A_137 : i32
          %add3A_609 = arith.constant 0 : i32
          %add3A_610 = arith.addi %add3A_608, %add3A_609 : i32
          %swap3A_611 = arith.index_cast %add3A_610 : i32 to index
          %swap3A_612 = arith.constant 496 : index
          %swap3A_613 = tpu.vector_load %arg10[%swap3A_611, %swap3A_612] {strides = array<i32>} : memref<77x512xf32, #tpu.memory_space<vmem>>, vector<1x16xf32>,
          %swap3A_614 = vector.shape_cast %swap3A_613 : vector<1x16xf32> to vector<16xf32>
          %swap3A_615 = vector.shape_cast %get3A_328 : vector<16xf32> to vector<1x16xf32>
          tpu.vector_store %arg10[%swap3A_611, %swap3A_612], %swap3A_615 {strides = array<i32>} : memref<77x512xf32, #tpu.memory_space<vmem>>, vector<1x16xf32>,
        }
        %scan3A_127 = arith.constant 46 : i32
        %dma_start3A = arith.constant 0 : i32
        %dma_start3A_128 = arith.constant 0 : i32
        %dma_start3A_129 = tpu.memref_slice %arg5[%add3A_117, %dma_start3A, %dma_start3A_128] : memref<1000x77x512xf32, #tpu.memory_space<hbm>> -> memref<1x77x512xf32, #tpu.memory_space<hbm>>
        %dma_start3A_130 = tpu.memref_squeeze %dma_start3A_129 : memref<1x77x512xf32, #tpu.memory_space<hbm>> -> memref<77x512xf32, #tpu.memory_space<hbm>>
        %dma_start3A_131 = arith.constant 0 : i32
        %dma_start3A_132 = arith.constant 0 : i32
        %dma_start3A_133 = tpu.memref_slice %arg5[%add3A_117, %dma_start3A_131, %dma_start3A_132] : memref<1000x77x512xf32, #tpu.memory_space<hbm>> -> memref<1x77x512xf32, #tpu.memory_space<hbm>>
        %dma_start3A_134 = tpu.memref_squeeze %dma_start3A_133 : memref<1x77x512xf32, #tpu.memory_space<hbm>> -> memref<77x512xf32, #tpu.memory_space<hbm>>
        tpu.enqueue_dma source(%arg10 : memref<77x512xf32, #tpu.memory_space<vmem>>) target(%dma_start3A_134 : memref<77x512xf32, #tpu.memory_space<hbm>>) target_semaphore(%arg14 : memref<!tpu.dma_semaphore, #tpu.memory_space<semaphore_mem>>)
      } else {
      }
    }
    %scan3A_14 = arith.constant 16 : i32
    %add3A_15 = arith.constant 992 : i32
    %add3A_16 = arith.addi %add3A_15, %add3A : i32
    %lt3A_17 = arith.constant 1000 : i32
    %lt3A_18 = arith.cmpi slt, %add3A_16, %lt3A_17 : i32
    %and3A_19 = arith.constant true
    %and3A_20 = arith.andi %and3A_19, %lt3A_18 : i1
    %convert_element_type3A_21 = arith.extui %and3A_20 : i1 to i32
    %cond3A_22 = arith.constant 0 : i32
    %cond3A_23 = arith.cmpi ne, %convert_element_type3A_21, %cond3A_22 : i32
    scf.if %cond3A_23 {
      %add3A_24 = arith.constant 992 : i32
      %add3A_25 = arith.addi %add3A_24, %add3A : i32
      %dma_wait3A = arith.constant 0 : i32
      %dma_wait3A_26 = arith.constant 0 : i32
      %dma_wait3A_27 = tpu.memref_slice %arg5[%add3A_25, %dma_wait3A, %dma_wait3A_26] : memref<1000x77x512xf32, #tpu.memory_space<hbm>> -> memref<1x77x512xf32, #tpu.memory_space<hbm>>
      %dma_wait3A_28 = tpu.memref_squeeze %dma_wait3A_27 : memref<1x77x512xf32, #tpu.memory_space<hbm>> -> memref<77x512xf32, #tpu.memory_space<hbm>>
      %dma_wait3A_29 = arith.constant 0 : i32
      %dma_wait3A_30 = arith.constant 0 : i32
      %dma_wait3A_31 = tpu.memref_slice %arg5[%add3A_25, %dma_wait3A_29, %dma_wait3A_30] : memref<1000x77x512xf32, #tpu.memory_space<hbm>> -> memref<1x77x512xf32, #tpu.memory_space<hbm>>
      %dma_wait3A_32 = tpu.memref_squeeze %dma_wait3A_31 : memref<1x77x512xf32, #tpu.memory_space<hbm>> -> memref<77x512xf32, #tpu.memory_space<hbm>>
      tpu.wait_dma2 semaphore(%arg14 : memref<!tpu.dma_semaphore, #tpu.memory_space<semaphore_mem>>) src(%arg10 : memref<77x512xf32, #tpu.memory_space<vmem>>) dst(%dma_wait3A_32 : memref<77x512xf32, #tpu.memory_space<hbm>>)
    } else {
    }
    return
  }
}

</mosaic_0001>

<sc_bundles>
// kernel: kernel.3.cloned.1.call-start
scs
__scs_entry_jumppad:
0x0: {  	(pc) =	sbr.rel $0x88, $3  }
0x1: {  	(tag) =	ssettag $0x0;
	lr =	simm.s32 $0x1  }
0x2: {  	[smem:$0x3F9E] =	sst lr;
	_ =	strace $0xD0000000  }
0x3: {  	_ = 	snop  }
0x4: {  	_ = 	snop  }
0x5: {  	_ = 	snop  }
0x6: {  	_ = 	snop  }
0x7: {  	_ = 	snop  }
__scs_overlays_trampoline_lowered:
0x8: {  	[smem:$0x3FAD] =	sst s0  }
0x9: {  	[smem:$0x3FAE] =	sst s1  }
0xa: {  	[smem:$0x3FAF] =	sst s2  }
0xb: {  	[smem:$0x3FB0] =	sst s3  }
0xc: {  	[smem:$0x3FB1] =	sst s4  }
0xd: {  	[smem:$0x3FB2] =	sst s5  }
0xe: {  	[smem:$0x3FB3] =	sst s6  }
0xf: {  	[smem:$0x3FB4] =	sst s7  }
0x10: {  	[smem:$0x3FB5] =	sst s8  }
0x11: {  	[smem:$0x3FB6] =	sst s9;
	s0 =	simm.s32 @!p0 $0x0  }
0x12: {  	s1 =	sld [smem:$0x3F9C];
	s0 =	simm.s32 @p0 $0x1  }
0x13: {  	[smem:$0x3FB7] =	sst s0;
	s0 =	simm.s32 @!p1 $0x0  }
0x14: {  	s2 =	sld [smem:$0x3F9B];
	s0 =	simm.s32 @p1 $0x1  }
0x15: {  	[smem:$0x3FB8] =	sst s0;
	s0 =	simm.s32 @!p2 $0x0  }
0x16: {  	s3 =	sld [smem:$0x3FDB];
	s0 =	simm.s32 @p2 $0x1  }
0x17: {  	s4 =	simm.s32 $0x1BF5;
	[smem:$0x3FBA] =	sst s0  }
0x18: {  	s0 =	sld [smem:$0x3F9D];
	_ =	swait.ge [sflag:s4], $0x0  }
0x19: {  	s7 =	sld [smem:$0x3F9E]  }
0x1a: {  	s8 =	sadd.s32 $0xFFFFE003, lr  }
0x1b: {  	s9 =	sadd.s32 $0xFFFFFEF7, lr;
	s5 =	simm.s32 $0xFFFFFFFF;
	p2 =	slt.u32 s8, $0xFFFFF086  }
0x1c: {  	p1 =	slt.u32 s9, $0xF7A;
	s5 =	simm.s32 @!p2 $0x0  }
0x1d: {  	s5 =	simm.s32 @p1 $0x1;
	p0 =	seq.s32 s7, s2  }
0x1e: {  	s7 =	smul.u32 @!p0 $0xF7A, s2;
	p2 =	seq.s32 @!p0 s5, $0x0  }
0x1f: {  	s9 =	smul.u32 $0xF7A, s1;
	s8 =	simm.s32 @!p0 $0x1BF5;
	p2 =	por !p2, p0  }
0x20: {  	[sflag:s8] =	ssyncset.s32 @!p0 $0xFFFFF086;
	s6 =	sadd.s32 @!p0 s3, s7;
	s7 =	simm.s32 @!p0 $0x108  }
0x21: {  	s3 =	sadd.s32 s3, s9;
	s6 =	sadd.s32 @!p0 $0x88, s6;
	s7 =	simm.s32 @p2 $0x1082  }
0x22: {  	[simem:s7], [sflag:s8] =	dma.local @!p0 [hbm:s6], $0xF7A  }
0x23: {  	s9 =	sor.u32 $0xD0000000, s2;
	s6 =	simm.s32 $0x108;
	_ =	swait.ge @!p0 [sflag:s8], $0x0  }
0x24: {  	s3 =	sadd.s32 $0x88, s3;
	s6 =	simm.s32 @!p1 $0x1082;
	[sflag:s4] =	ssyncset.s32 $0xFFFFF086  }
0x25: {  	[simem:s6], [sflag:s4] =	dma.local [hbm:s3], $0xF7A  }
0x26: {  	[smem:$0x3F9E] =	sst s1;
	(tag) =	ssettag s2;
	_ =	strace s9  }
0x27: {  	s1 =	sld [smem:$0x3FAE]  }
0x28: {  	s2 =	sld [smem:$0x3FAF]  }
0x29: {  	s4 =	sld [smem:$0x3FB1]  }
0x2a: {  	p0 =	seq.s32 s5, $0x0;
	s5 =	sld [smem:$0x3FB2]  }
0x2b: {  	s6 =	sld [smem:$0x3FB3]  }
0x2c: {  	s7 =	sld [smem:$0x3FB4]  }
0x2d: {  	s3 =	simm.s32 $0x108;
	s8 =	sld [smem:$0x3FB5]  }
0x2e: {  	s3 =	simm.s32 @!p0 $0x1082;
	s9 =	sld [smem:$0x3FB6]  }
0x2f: {  	lr =	sadd.s32 s0, s3;
	s0 =	sld [smem:$0x3FAD]  }
0x30: {  	s3 =	sld [smem:$0x3FB0]  }
0x31: {  	[smem:$0x3FB9] =	sst s10  }
0x32: {  	s10 =	sld [smem:$0x3FB7];
	_ =	sdelay $0x3  }
0x33: {  	p0 =	seq.s32 s10, $0x1;
	s10 =	sld [smem:$0x3FB9];
	_ =	sdelay $0x3  }
0x34: {  	[smem:$0x3FB9] =	sst s10  }
0x35: {  	s10 =	sld [smem:$0x3FB8];
	_ =	sdelay $0x3  }
0x36: {  	p1 =	seq.s32 s10, $0x1;
	s10 =	sld [smem:$0x3FB9];
	_ =	sdelay $0x3  }
0x37: {  	[smem:$0x3FB9] =	sst s10  }
0x38: {  	s10 =	sld [smem:$0x3FBA]  }
0x39: {  	_ = 	snop;
	(pc) =	sbr.ind lr, $3  }
0x3a: {  	_ = 	snop  }
0x3b: {  	_ = 	snop  }
0x3c: {  	p2 =	seq.s32 s10, $0x1;
	s10 =	sld [smem:$0x3FB9]  }
0x3d: {  	_ =	shalt  }
0x3e: {  	_ =	shalt  }
0x3f: {  	_ =	shalt  }
0x40: {  	_ =	shalt  }
0x41: {  	_ =	shalt  }
0x42: {  	_ =	shalt  }
0x43: {  	_ =	shalt  }
0x44: {  	_ =	shalt  }
0x45: {  	_ =	shalt  }
0x46: {  	_ =	shalt  }
0x47: {  	_ =	shalt  }
0x48: {  	_ =	shalt  }
0x49: {  	_ =	shalt  }
0x4a: {  	_ =	shalt  }
0x4b: {  	_ =	shalt  }
0x4c: {  	_ =	shalt  }
0x4d: {  	_ =	shalt  }
0x4e: {  	_ =	shalt  }
0x4f: {  	_ =	shalt  }
0x50: {  	_ =	shalt  }
0x51: {  	_ =	shalt  }
0x52: {  	_ =	shalt  }
0x53: {  	_ =	shalt  }
0x54: {  	_ =	shalt  }
0x55: {  	_ =	shalt  }
0x56: {  	_ =	shalt  }
0x57: {  	_ =	shalt  }
0x58: {  	_ =	shalt  }
0x59: {  	_ =	shalt  }
0x5a: {  	_ =	shalt  }
0x5b: {  	_ =	shalt  }
0x5c: {  	_ =	shalt  }
0x5d: {  	_ =	shalt  }
0x5e: {  	_ =	shalt  }
0x5f: {  	_ =	shalt  }
0x60: {  	_ =	shalt  }
0x61: {  	_ =	shalt  }
0x62: {  	_ =	shalt  }
0x63: {  	_ =	shalt  }
0x64: {  	_ =	shalt  }
0x65: {  	_ =	shalt  }
0x66: {  	_ =	shalt  }
0x67: {  	_ =	shalt  }
0x68: {  	_ =	shalt  }
0x69: {  	_ =	shalt  }
0x6a: {  	_ =	shalt  }
0x6b: {  	_ =	shalt  }
0x6c: {  	_ =	shalt  }
0x6d: {  	_ =	shalt  }
0x6e: {  	_ =	shalt  }
0x6f: {  	_ =	shalt  }
0x70: {  	_ =	shalt  }
0x71: {  	_ =	shalt  }
0x72: {  	_ =	shalt  }
0x73: {  	_ =	shalt  }
0x74: {  	_ =	shalt  }
0x75: {  	_ =	shalt  }
0x76: {  	_ =	shalt  }
0x77: {  	_ =	shalt  }
0x78: {  	_ =	shalt  }
0x79: {  	_ =	shalt  }
0x7a: {  	_ =	shalt  }
0x7b: {  	_ =	shalt  }
0x7c: {  	_ =	shalt  }
0x7d: {  	_ =	shalt  }
0x7e: {  	_ =	shalt  }
0x7f: {  	_ =	shalt  }
0x80: {  	_ =	shalt  }
0x81: {  	_ =	shalt  }
0x82: {  	_ =	shalt  }
0x83: {  	_ =	shalt  }
0x84: {  	_ =	shalt  }
0x85: {  	_ =	shalt  }
0x86: {  	_ =	shalt  }
0x87: {  	_ =	shalt  }
.Lfunc_end0:
.L_simem_size_0:
called_computation_lowered:
.L_overlay_start_0:
0x88: {  	s2 =	sld [smem:$0x3FD9]  }
0x89: {  	s3 =	sld [smem:$0x3FFE];
	_ =	sdelay $0x1  }
0x8a: {  	s1 =	srdreg.scid  }
0x8b: {  	s0 =	sand.u32 $0x1, s1  }
0x8c: {  	s17 =	sshll.u32 s0, $0xA;
	s2 =	sadd.s32 s3, s2  }
0x8d: {  	s2 =	sadd.s32 s2, s17  }
0x8e: {  	[smem:$0x3FC5] =	sst s2  }
0x8f: {  	_ = 	snop  }
0x90: {  	s2 =	sld [smem:$0x3FC9]  }
0x91: {  	s18 =	sld [smem:$0x3FD0];
	(tm) =	ssettm $0x1  }
0x92: {  	s4 =	sld [smem:$0x3FFB];
	_ =	sdelay $0x3  }
0x93: {  	_ =	strace s4  }
0x94: {  	s4 =	sld [smem:$0x3FFC];
	_ =	sdelay $0x3  }
0x95: {  	_ =	strace s4  }
0x96: {  	s4 =	sld [smem:$0x3FFD];
	_ =	sdelay $0x3  }
0x97: {  	_ =	strace s4  }
0x98: {  	_ =	strace $0x8FFFFFFF  }
0x99: {  	s19 =	sld [smem:$0x3FDB];
	_ =	sdelay $0x1  }
0x9a: {  	s5 =	simm.s32 $_scs_section_size  }
0x9b: {  	s6 =	simm.s32 $_size__tile_overlayer_lowered;
	s7 =	simm.s32 $_tile_overlayer_lowered  }
0x9c: {  	s22 =	simm.s32 $0x1BFF;
	s21 =	sshll.u32 s7, $0x1;
	s4 =	sadd.s32 s5, s19  }
0x9d: {  	s8 =	simm.s32 $0x0;
	s20 =	sshll.u32 s6, $0x1;
	s6 =	sadd.s32 s21, s4  }
0x9e: {  	[timem:s8], [sflag:s22] =	dma.local [hbm:s6], s20  }
0x9f: {  	_ =	swait.ge [sflag:s22], s20  }
0xa0: {  	s5 =	ssub.s32 $0x0, s20;
	[sflag:s22] =	ssyncset.done $0x0  }
0xa1: {  	[sflag:s22] =	ssyncadd.s32 s5;
	_ =	sdelay $0x1  }
0xa2: {  	s23 =	simm.s32 $0x1B8B  }
0xa3: {  	_ =	swait.ge [sflag:s23], $0x1  }
0xa4: {  	[sflag:s23] =	ssyncset.done $0x0  }
0xa5: {  	s25 =	simm.s32 $0x1B8E;
	s24 =	sld [smem:$0x3FFE];
	[sflag:s23] =	ssyncadd.s32 $0xFFFFFFFF  }
0xa6: {  	s26 =	simm.s32 $execute0_lowered;
	[smem:$0x3FD2] =	sst s25  }
0xa7: {  	s6 =	sshll.u32 s26, $0x1;
	_ =	strace $0x80000046;
	[dreg:$0x1] =	wrdreg $0xFFFFFFFF  }
0xa8: {  	s28 =	simm.s32 $_size_execute0_lowered;
	s4 =	sadd.s32 s4, s6;
	[dreg:$0x0] =	wrdreg $0x0  }
0xa9: {  	s6 =	sshll.u32 s28, $0x1;
	[dreg:$0x2] =	wrdreg s4  }
0xaa: {  	[dreg:$0x3] =	wrdreg s6  }
0xab: {  	[dreg:$0x4] =	wrdreg $0xC0  }
0xac: {  	_ =	task [dreg:s8], $0x5FFFF  }
0xad: {  	[dreg:$0x1] =	wrdreg $0xFFFFFFFF  }
0xae: {  	[dreg:$0x0] =	wrdreg $0x60  }
0xaf: {  	[dreg:$0x2] =	wrdreg s2  }
0xb0: {  	[dreg:$0x3] =	wrdreg s24  }
0xb1: {  	[dreg:$0x4] =	wrdreg s18  }
0xb2: {  	[dreg:$0x5] =	wrdreg $0x9  }
0xb3: {  	_ =	task.clear_ibuf [dreg:s8], $0x6FFFF;
	_ =	strace $0x90000046  }
0xb4: {  	s29 =	simm.s32 $0x9;
	_ =	strace $0x80000048  }
0xb5: {  	_ =	swait.ge [sflag:s29], $0x1  }
0xb6: {  	[sflag:s29] =	ssyncadd.s32 $0xFFFFFFFF  }
0xb7: {  	_ =	strace $0x90000048  }
0xb8: {  	_ =	sfence  }
0xb9: {  	s30 =	sld [smem:$0x0];
	_ =	sdelay $0x2  }
0xba: {  	s31 =	sshll.u32 s1, $0xD;
	s1 =	sshrl.u32 s1, $0x2  }
0xbb: {  	s3 =	sand.u32 $0x4000, s31;
	s1 =	sadd.s32 s1, s30  }
0xbc: {  	s0 =	sor.u32 s3, s0;
	s1 =	sshll.u32 s1, $0x11  }
0xbd: {  	s0 =	sor.u32 s1, s0  }
0xbe: {  	s0 =	sadd.s32 $0x8F2B, s0  }
0xbf: {  	[sflag:s0] =	ssyncadd.remote.s32 $0x1  }
0xc0: {  	_ =	sfence.sel $0xFFFF  }
0xc1: {  	[dreg:$0x0] =	wrdreg $0xFFFFFFFF;
	(pc) =	sbr.abs _section_cstart, $3  }
0xc2: {  	[dreg:$0x1] =	wrdreg $0xFFFFFFFF  }
0xc3: {  	_ =	task.clear_ibuf [dreg:s8], $0x2FFFF;
	_ =	strace $0x9FFFFFFF  }
0xc4: {  	(tm) =	ssettm $0x7FFFFFFF  }
0xc5: {  	_ =	shalt  }
tec
execute0_lowered:
.L_overlay_start_1:
0x0: {  	(tag) =	ssettag $0x1  }
0x1: {  	s1 =	rddreg [dreg:$0x0]  }
0x2: {  	s7 =	rddreg [dreg:$0x1]  }
0x3: {  	s2 =	rddreg [dreg:$0x2]  }
0x4: {  	s0 =	rddreg [dreg:$0x3];
	s4 =	simm.s32 $0x0;
	s5 =	srdreg.scid  }
0x5: {  	s3 =	stileid.u32;
	s13 =	simm.s32 $0x4;
	s14 =	simm.s32 $0x4000  }
0x6: {  	s15 =	simm.s32 $0x1;
	s16 =	simm.s32 $0x10000;
	s17 =	simm.s32 $0x2  }
0x7: {  	s18 =	simm.s32 $0x3;
	s19 =	simm.s32 $0x0;
	[smem:$0x7FF] =	sst s4  }
0x8: {  	s6 =	sand.u32 $0x1, s5;
	s8 =	sshll.u32 s3, $0x1;
	s5 =	sadd.s32 $0x400, s7  }
.Ltmp0:
0x9: {  	s7 =	sadd.s32 $0xFA400, s7;
	p0 =	sgt.u32 s3, $0x3;
	(pc) =	sbr.rel .LBB2_1-.Ltmp0, $4  }
0xa: {  	_ =	strace $0x80000047;
	s9 =	ssub.s32 $0x2, s6;
	s6 =	sor.u32 s6, s8  }
0xb: {  	s31 =	sshrl.u32 s9, $0x1;
	s10 =	sshll.u32 s6, $0xA;
	s11 =	smul.u32 $0xC00, s6  }
0xc: {  	s12 =	ssub.s32 s9, s31;
	s8 =	sadd.s32 s5, s10;
	s10 =	sor.u32 $0x40, s6  }
0xd: {  	s9 =	sadd.s32 s2, s11;
	s11 =	smax.u32 s12, $0x1;
	s12 =	simm.s32 $0x1A000  }
.LBB2_16:
0xe: {  	s19 =	sadd.s32 $0x1, s19  }
0xf: {  	p1 =	sne.s32 s19, s11  }
.Ltmp1:
0x10: {  	_ = 	snop;
	(pc) =	sbr.rel @!p1 .LBB2_17-.Ltmp1, $4  }
0x11: {  	s20 =	simm.s32 @!p0 $0x3  }
0x12: {  	_ =	swait.ge @!p0 [sflag:s20], $0xA000  }
0x13: {  	[sflag:s20] =	ssyncset.done @!p0 $0x0  }
0x14: {  	[sflag:s20] =	ssyncadd.s32 @!p0 $0xFFFF6000  }
.LBB2_1:
0x15: {  	[tilespmem:s12], [sflag:$0x4] =	stream.linear.gather [hbm4b:s1+s4], $0x2000, $0x38;
	[tilespmem:$0x1C000] =	vst v63  }
0x16: {  	s20 =	simm.s32 $0x0;
	_ =	swait.ge [sflag:s13], $0x2000  }
0x17: {  	s21 =	sand.u32 $0x1000, s4;
	s20 =	sand.u32 $0x380, s20;
	[sflag:s13] =	ssyncset.done $0x0  }
0x18: {  	s23 =	sor.u32 s20, s21;
	[sflag:s13] =	ssyncadd.s32 $0xFFFFE000  }
0x19: {  	v0 =	vld [tilespmem:s23+$0x1A000]  }
0x1a: {  	v1 =	vld [tilespmem:s23+$0x1A010]  }
0x1b: {  	v2 =	vld [tilespmem:s23+$0x1A020]  }
0x1c: {  	v3 =	vld [tilespmem:s23+$0x1A030]  }
0x1d: {  	v4 =	vld [tilespmem:s23+$0x1A040]  }
0x1e: {  	v5 =	vld [tilespmem:s23+$0x1A050]  }
0x1f: {  	v6 =	vld [tilespmem:s23+$0x1A060]  }
0x20: {  	v7 =	vld [tilespmem:s23+$0x1A070]  }
0x21: {  	v8 =	vld [tilespmem:s23+$0x1A400]  }
0x22: {  	v9 =	vld [tilespmem:s23+$0x1A410]  }
0x23: {  	v10 =	vld [tilespmem:s23+$0x1A420]  }
0x24: {  	v11 =	vld [tilespmem:s23+$0x1A430]  }
0x25: {  	v12 =	vld [tilespmem:s23+$0x1A440]  }
0x26: {  	v13 =	vld [tilespmem:s23+$0x1A450]  }
0x27: {  	v14 =	vld [tilespmem:s23+$0x1A460]  }
0x28: {  	v15 =	vld [tilespmem:s23+$0x1A470]  }
0x29: {  	v16 =	vld [tilespmem:s23+$0x1A800]  }
0x2a: {  	v17 =	vld [tilespmem:s23+$0x1A810]  }
0x2b: {  	v18 =	vld [tilespmem:s23+$0x1A820]  }
0x2c: {  	v19 =	vld [tilespmem:s23+$0x1A830]  }
0x2d: {  	v20 =	vld [tilespmem:s23+$0x1A840]  }
0x2e: {  	v21 =	vld [tilespmem:s23+$0x1A850]  }
0x2f: {  	v22 =	vld [tilespmem:s23+$0x1A860]  }
0x30: {  	s22 =	simm.s32 $0x800;
	s20 =	simm.s32 $0x780;
	s21 =	simm.s32 $0x0;
	v23 =	vld [tilespmem:s23+$0x1A870]  }
.LBB2_2:
0x31: {  	p1 =	sne.s32 s22, $0xF00;
	v24 =	vld [tilespmem:s23+$0x1AC00]  }
0x32: {  	v25 =	vld [tilespmem:s23+$0x1AC10]  }
0x33: {  	v26 =	vld [tilespmem:s23+$0x1AC70]  }
0x34: {  	v27 =	vld [tilespmem:s23+$0x1AC20]  }
0x35: {  	s24 =	sadd.s32 $0x1E00, s21;
	v28 =	vld [tilespmem:s23+$0x1AC30]  }
0x36: {  	s25 =	sand.u32 $0x380, s20;
	s20 =	smov.u32 s22;
	s24 =	sand.u32 $0x3000, s24;
	v29 =	vld [tilespmem:s23+$0x1AC40]  }
0x37: {  	s24 =	sor.u32 s25, s24;
	v30 =	vld [tilespmem:s23+$0x1AC50]  }
0x38: {  	v31 =	vld [tilespmem:s23+$0x1AC60];
	[tilespmem:s24+$0x10C70] =	vst v26  }
0x39: {  	[tilespmem:s24+$0x10000] =	vst v0  }
0x3a: {  	[tilespmem:s24+$0x10010] =	vst v1  }
0x3b: {  	[tilespmem:s24+$0x10020] =	vst v2  }
0x3c: {  	[tilespmem:s24+$0x10030] =	vst v3  }
0x3d: {  	[tilespmem:s24+$0x10040] =	vst v4  }
0x3e: {  	[tilespmem:s24+$0x10050] =	vst v5  }
0x3f: {  	[tilespmem:s24+$0x10060] =	vst v6  }
0x40: {  	[tilespmem:s24+$0x10070] =	vst v7  }
0x41: {  	[tilespmem:s24+$0x10400] =	vst v8  }
0x42: {  	[tilespmem:s24+$0x10410] =	vst v9  }
0x43: {  	[tilespmem:s24+$0x10420] =	vst v10  }
0x44: {  	[tilespmem:s24+$0x10430] =	vst v11  }
0x45: {  	[tilespmem:s24+$0x10440] =	vst v12  }
0x46: {  	[tilespmem:s24+$0x10450] =	vst v13  }
0x47: {  	[tilespmem:s24+$0x10460] =	vst v14  }
0x48: {  	[tilespmem:s24+$0x10470] =	vst v15  }
0x49: {  	[tilespmem:s24+$0x10800] =	vst v16  }
0x4a: {  	[tilespmem:s24+$0x10810] =	vst v17  }
0x4b: {  	[tilespmem:s24+$0x10820] =	vst v18  }
0x4c: {  	[tilespmem:s24+$0x10830] =	vst v19  }
0x4d: {  	[tilespmem:s24+$0x10840] =	vst v20  }
0x4e: {  	[tilespmem:s24+$0x10850] =	vst v21  }
0x4f: {  	[tilespmem:s24+$0x10860] =	vst v22  }
0x50: {  	[tilespmem:s24+$0x10870] =	vst v23  }
0x51: {  	[tilespmem:s24+$0x10C00] =	vst v24  }
0x52: {  	[tilespmem:s24+$0x10C10] =	vst v25  }
0x53: {  	[tilespmem:s24+$0x10C20] =	vst v27  }
0x54: {  	[tilespmem:s24+$0x10C30] =	vst v28  }
0x55: {  	s21 =	sadd.s32 $0x200, s21;
	s23 =	sadd.s32 $0xFFFFF880, s22;
	[tilespmem:s24+$0x10C40] =	vst v29  }
0x56: {  	s25 =	sand.u32 $0x1000, s21;
	s23 =	sand.u32 $0x380, s23;
	[tilespmem:s24+$0x10C50] =	vst v30  }
0x57: {  	s23 =	sor.u32 s23, s25;
	[tilespmem:s24+$0x10C60] =	vst v31  }
0x58: {  	v0 =	vld [tilespmem:s23+$0x1A000]  }
0x59: {  	v1 =	vld [tilespmem:s23+$0x1A010]  }
0x5a: {  	v2 =	vld [tilespmem:s23+$0x1A020]  }
0x5b: {  	v3 =	vld [tilespmem:s23+$0x1A030]  }
0x5c: {  	v4 =	vld [tilespmem:s23+$0x1A040]  }
0x5d: {  	v5 =	vld [tilespmem:s23+$0x1A050]  }
0x5e: {  	v6 =	vld [tilespmem:s23+$0x1A060]  }
0x5f: {  	v7 =	vld [tilespmem:s23+$0x1A070]  }
0x60: {  	v8 =	vld [tilespmem:s23+$0x1A400]  }
0x61: {  	v9 =	vld [tilespmem:s23+$0x1A410]  }
0x62: {  	v10 =	vld [tilespmem:s23+$0x1A420]  }
0x63: {  	v11 =	vld [tilespmem:s23+$0x1A430]  }
0x64: {  	v12 =	vld [tilespmem:s23+$0x1A440]  }
0x65: {  	v13 =	vld [tilespmem:s23+$0x1A450]  }
0x66: {  	v14 =	vld [tilespmem:s23+$0x1A460]  }
0x67: {  	v15 =	vld [tilespmem:s23+$0x1A470]  }
0x68: {  	v16 =	vld [tilespmem:s23+$0x1A800]  }
0x69: {  	v17 =	vld [tilespmem:s23+$0x1A810]  }
0x6a: {  	v18 =	vld [tilespmem:s23+$0x1A820]  }
.Ltmp2:
0x6b: {  	v19 =	vld [tilespmem:s23+$0x1A830];
	(pc) =	sbr.rel @p1 .LBB2_2-.Ltmp2, $4  }
0x6c: {  	v20 =	vld [tilespmem:s23+$0x1A840]  }
0x6d: {  	v21 =	vld [tilespmem:s23+$0x1A850]  }
0x6e: {  	v22 =	vld [tilespmem:s23+$0x1A860]  }
0x6f: {  	s22 =	sadd.s32 $0x80, s22;
	v23 =	vld [tilespmem:s23+$0x1A870]  }
0x70: {  	v24 =	vld [tilespmem:s23+$0x1AC00]  }
0x71: {  	v25 =	vld [tilespmem:s23+$0x1AC10]  }
0x72: {  	v26 =	vld [tilespmem:s23+$0x1AC70]  }
0x73: {  	v27 =	vld [tilespmem:s23+$0x1AC20]  }
0x74: {  	v28 =	vld [tilespmem:s23+$0x1AC30];
	s21 =	sadd.s32 $0x1E00, s21  }
0x75: {  	v29 =	vld [tilespmem:s23+$0x1AC40];
	s20 =	sand.u32 $0x380, s20;
	s21 =	sand.u32 $0x3000, s21  }
0x76: {  	v30 =	vld [tilespmem:s23+$0x1AC50];
	s20 =	sor.u32 s20, s21  }
0x77: {  	v31 =	vld [tilespmem:s23+$0x1AC60];
	[tilespmem:s20+$0x10000] =	vst v0  }
0x78: {  	[tilespmem:s20+$0x10010] =	vst v1  }
0x79: {  	[tilespmem:s20+$0x10020] =	vst v2  }
0x7a: {  	[tilespmem:s20+$0x10030] =	vst v3  }
0x7b: {  	[tilespmem:s20+$0x10040] =	vst v4  }
0x7c: {  	[tilespmem:s20+$0x10050] =	vst v5  }
0x7d: {  	[tilespmem:s20+$0x10060] =	vst v6  }
0x7e: {  	[tilespmem:s20+$0x10070] =	vst v7  }
0x7f: {  	[tilespmem:s20+$0x10400] =	vst v8  }
0x80: {  	[tilespmem:s20+$0x10410] =	vst v9  }
0x81: {  	[tilespmem:s20+$0x10420] =	vst v10  }
0x82: {  	[tilespmem:s20+$0x10430] =	vst v11  }
0x83: {  	[tilespmem:s20+$0x10440] =	vst v12  }
0x84: {  	[tilespmem:s20+$0x10450] =	vst v13  }
0x85: {  	[tilespmem:s20+$0x10460] =	vst v14  }
0x86: {  	[tilespmem:s20+$0x10470] =	vst v15  }
0x87: {  	[tilespmem:s20+$0x10800] =	vst v16  }
0x88: {  	[tilespmem:s20+$0x10810] =	vst v17  }
0x89: {  	[tilespmem:s20+$0x10820] =	vst v18  }
0x8a: {  	[tilespmem:s20+$0x10830] =	vst v19  }
0x8b: {  	[tilespmem:s20+$0x10840] =	vst v20  }
0x8c: {  	[tilespmem:s20+$0x10850] =	vst v21  }
0x8d: {  	[tilespmem:s20+$0x10860] =	vst v22  }
0x8e: {  	[tilespmem:s20+$0x10870] =	vst v23  }
0x8f: {  	[tilespmem:s20+$0x10C70] =	vst v26  }
0x90: {  	[tilespmem:s20+$0x10C00] =	vst v24  }
0x91: {  	[tilespmem:s20+$0x10C10] =	vst v25  }
0x92: {  	[tilespmem:s20+$0x10C20] =	vst v27  }
0x93: {  	[tilespmem:s20+$0x10C30] =	vst v28  }
0x94: {  	[tilespmem:s20+$0x10C40] =	vst v29  }
.Ltmp3:
0x95: {  	[tilespmem:s20+$0x10C50] =	vst v30;
	(pc) =	sbr.rel .LBB2_4-.Ltmp3, $4  }
0x96: {  	[tilespmem:s20+$0x10C60] =	vst v31;
	s20 =	simm.s32 $0x0  }
0x97: {  	[tilespmem:s20], [sflag:$0x1] =	stream.linear.gather [hbm4b:s8+s20], $0x2000, $0x38;
	[tilespmem:$0x1C000] =	vst v63  }
0x98: {  	s21 =	simm.s32 $0x0  }
0x99: {  	[tilespmem:s14], [sflag:$0x1] =	stream.linear.gather [hbm4b:s9+s20], $0x6000, $0x38;
	[tilespmem:$0x1C000] =	vst v63  }
.LBB2_9:
0x9a: {  	_ =	swait.ge [sflag:s18], $0xA000  }
0x9b: {  	[sflag:s18] =	ssyncset.done $0x0  }
0x9c: {  	[sflag:s18] =	ssyncadd.s32 $0xFFFF6000  }
.LBB2_15:
0x9d: {  	s21 =	sadd.s32 $0x1, s21  }
0x9e: {  	p1 =	sne.s32 s21, $0x10  }
.Ltmp4:
0x9f: {  	_ = 	snop;
	(pc) =	sbr.rel @!p1 .LBB2_16-.Ltmp4, $1  }
0xa0: {  	_ =	sdelay $0x3  }
.LBB2_4:
0xa1: {  	s23 =	sshll.u32 s21, $0x6  }
0xa2: {  	s24 =	sor.u32 s6, s23  }
0xa3: {  	s22 =	sor.u32 $0x20, s24  }
0xa4: {  	p1 =	sgt.u32 s22, $0x3E7  }
0xa5: {  	s25 =	sshll.u32 @!p1 s22, $0xA;
	s26 =	simm.s32 @!p1 $0x0  }
0xa6: {  	s28 =	simm.s32 @!p1 $0x2000;
	s29 =	smul.u32 @!p1 $0xC00, s22;
	s25 =	sadd.s32 @!p1 s5, s25  }
0xa7: {  	[tilespmem:s28], [sflag:$0x2] =	stream.linear.gather @!p1 [hbm4b:s25+s26], $0x2000, $0x38;
	[tilespmem:$0x1C000] =	vst v63  }
0xa8: {  	s25 =	sadd.s32 @!p1 s2, s29;
	s28 =	simm.s32 @!p1 $0xA000  }
0xa9: {  	[tilespmem:s28], [sflag:$0x2] =	stream.linear.gather @!p1 [hbm4b:s25+s26], $0x6000, $0x38;
	[tilespmem:$0x1C000] =	vst v63  }
0xaa: {  	_ =	swait.ge [sflag:s15], $0x2000  }
0xab: {  	[sflag:s15] =	ssyncset.done $0x0  }
0xac: {  	[sflag:s15] =	ssyncadd.s32 $0xFFFFE000  }
0xad: {  	_ =	swait.ge [sflag:s15], $0x6000  }
0xae: {  	p1 =	seq.s32 s21, $0x0;
	[sflag:s15] =	ssyncset.done $0x0  }
0xaf: {  	s25 =	simm.s32 @!p1 $0x3;
	[sflag:s15] =	ssyncadd.s32 $0xFFFFA000  }
0xb0: {  	_ =	swait.ge @!p1 [sflag:s25], $0xA000  }
0xb1: {  	s31 =	sand.u32 $0x1000, s20;
	s28 =	sand.u32 $0x380, s20;
	[sflag:s25] =	ssyncset.done @!p1 $0x0  }
0xb2: {  	[sflag:s25] =	ssyncadd.s32 @!p1 $0xFFFF6000;
	s25 =	sor.u32 s28, s31  }
0xb3: {  	v0 =	vld [tilespmem:s25+$0xC70]  }
0xb4: {  	v1 =	vld [tilespmem:s25+$0x0]  }
0xb5: {  	v2 =	vld [tilespmem:s25+$0x10]  }
0xb6: {  	v3 =	vld [tilespmem:s25+$0x20]  }
0xb7: {  	v4 =	vld [tilespmem:s25+$0x30]  }
0xb8: {  	v5 =	vld [tilespmem:s25+$0x40];
	[tilespmem:s25+$0x10C70] =	vst v0  }
0xb9: {  	v6 =	vld [tilespmem:s25+$0x870];
	[tilespmem:s25+$0x10000] =	vst v1  }
0xba: {  	v7 =	vld [tilespmem:s25+$0xC00];
	[tilespmem:s25+$0x10010] =	vst v2  }
0xbb: {  	v0 =	vld [tilespmem:s25+$0x50];
	[tilespmem:s25+$0x10020] =	vst v3  }
0xbc: {  	v1 =	vld [tilespmem:s25+$0x60];
	[tilespmem:s25+$0x10030] =	vst v4  }
0xbd: {  	v2 =	vld [tilespmem:s25+$0x70];
	[tilespmem:s25+$0x10040] =	vst v5  }
0xbe: {  	v3 =	vld [tilespmem:s25+$0x400];
	[tilespmem:s25+$0x10870] =	vst v6  }
0xbf: {  	v4 =	vld [tilespmem:s25+$0x410];
	[tilespmem:s25+$0x10C00] =	vst v7  }
0xc0: {  	v5 =	vld [tilespmem:s25+$0x420];
	[tilespmem:s25+$0x10050] =	vst v0  }
0xc1: {  	v0 =	vld [tilespmem:s25+$0x430];
	[tilespmem:s25+$0x10060] =	vst v1  }
0xc2: {  	v1 =	vld [tilespmem:s25+$0x440];
	[tilespmem:s25+$0x10070] =	vst v2  }
0xc3: {  	v2 =	vld [tilespmem:s25+$0x450];
	[tilespmem:s25+$0x10400] =	vst v3  }
0xc4: {  	v3 =	vld [tilespmem:s25+$0x460];
	[tilespmem:s25+$0x10410] =	vst v4  }
0xc5: {  	v4 =	vld [tilespmem:s25+$0x470];
	[tilespmem:s25+$0x10420] =	vst v5  }
0xc6: {  	v5 =	vld [tilespmem:s25+$0x800];
	[tilespmem:s25+$0x10430] =	vst v0  }
0xc7: {  	v0 =	vld [tilespmem:s25+$0x810];
	[tilespmem:s25+$0x10440] =	vst v1  }
0xc8: {  	v1 =	vld [tilespmem:s25+$0x820];
	[tilespmem:s25+$0x10450] =	vst v2  }
0xc9: {  	v2 =	vld [tilespmem:s25+$0x830];
	[tilespmem:s25+$0x10460] =	vst v3  }
0xca: {  	v3 =	vld [tilespmem:s25+$0x840];
	[tilespmem:s25+$0x10470] =	vst v4  }
0xcb: {  	v4 =	vld [tilespmem:s25+$0x850];
	[tilespmem:s25+$0x10800] =	vst v5  }
0xcc: {  	v5 =	vld [tilespmem:s25+$0x860];
	[tilespmem:s25+$0x10810] =	vst v0  }
0xcd: {  	[tilespmem:s25+$0x10820] =	vst v1;
	v0 =	vld [tilespmem:s25+$0xC10]  }
0xce: {  	[tilespmem:s25+$0x10830] =	vst v2;
	v1 =	vld [tilespmem:s25+$0xC20]  }
0xcf: {  	[tilespmem:s25+$0x10840] =	vst v3;
	v2 =	vld [tilespmem:s25+$0xC30]  }
0xd0: {  	s26 =	simm.s32 $0x80;
	s28 =	simm.s32 $0x200;
	[tilespmem:s25+$0x10850] =	vst v4;
	v3 =	vld [tilespmem:s25+$0xC40]  }
0xd1: {  	s30 =	sand.u32 $0x380, s26;
	s29 =	sand.u32 $0x1000, s28;
	s28 =	simm.s32 $0x400;
	[tilespmem:s25+$0x10860] =	vst v5;
	v4 =	vld [tilespmem:s25+$0xC50]  }
.LBB2_5:
0xd2: {  	p1 =	sne.s32 s28, $0x1C00;
	s29 =	sor.u32 s30, s29;
	v5 =	vld [tilespmem:s25+$0xC60];
	[tilespmem:s25+$0x10C10] =	vst v0  }
0xd3: {  	v0 =	vld [tilespmem:s29+$0xC70];
	[tilespmem:s25+$0x10C20] =	vst v1  }
0xd4: {  	v1 =	vld [tilespmem:s29+$0x0];
	[tilespmem:s25+$0x10C30] =	vst v2  }
0xd5: {  	v2 =	vld [tilespmem:s29+$0x10];
	[tilespmem:s25+$0x10C40] =	vst v3  }
0xd6: {  	v3 =	vld [tilespmem:s29+$0x20];
	[tilespmem:s25+$0x10C50] =	vst v4  }
0xd7: {  	v4 =	vld [tilespmem:s29+$0x30];
	[tilespmem:s25+$0x10C60] =	vst v5;
	s25 =	smov.u32 s29  }
0xd8: {  	v5 =	vld [tilespmem:s25+$0x40];
	[tilespmem:s25+$0x10C70] =	vst v0  }
0xd9: {  	v0 =	vld [tilespmem:s25+$0x50];
	[tilespmem:s25+$0x10000] =	vst v1  }
0xda: {  	v1 =	vld [tilespmem:s25+$0x60];
	[tilespmem:s25+$0x10010] =	vst v2  }
0xdb: {  	v2 =	vld [tilespmem:s25+$0x70];
	[tilespmem:s25+$0x10020] =	vst v3  }
0xdc: {  	v3 =	vld [tilespmem:s25+$0x400];
	[tilespmem:s25+$0x10030] =	vst v4  }
0xdd: {  	v4 =	vld [tilespmem:s25+$0x410];
	[tilespmem:s25+$0x10040] =	vst v5  }
0xde: {  	v5 =	vld [tilespmem:s25+$0x420];
	[tilespmem:s25+$0x10050] =	vst v0  }
0xdf: {  	v0 =	vld [tilespmem:s25+$0x430];
	[tilespmem:s25+$0x10060] =	vst v1  }
0xe0: {  	v1 =	vld [tilespmem:s25+$0x440];
	[tilespmem:s25+$0x10070] =	vst v2  }
0xe1: {  	v2 =	vld [tilespmem:s25+$0x450];
	[tilespmem:s25+$0x10400] =	vst v3  }
0xe2: {  	v3 =	vld [tilespmem:s25+$0x460];
	[tilespmem:s25+$0x10410] =	vst v4  }
0xe3: {  	v4 =	vld [tilespmem:s25+$0x470];
	[tilespmem:s25+$0x10420] =	vst v5  }
0xe4: {  	v5 =	vld [tilespmem:s25+$0x800];
	[tilespmem:s25+$0x10430] =	vst v0  }
0xe5: {  	v0 =	vld [tilespmem:s25+$0x810];
	[tilespmem:s25+$0x10440] =	vst v1  }
0xe6: {  	v1 =	vld [tilespmem:s25+$0x820];
	[tilespmem:s25+$0x10450] =	vst v2  }
0xe7: {  	v2 =	vld [tilespmem:s25+$0x830];
	[tilespmem:s25+$0x10460] =	vst v3  }
0xe8: {  	v3 =	vld [tilespmem:s25+$0x840];
	[tilespmem:s25+$0x10470] =	vst v4  }
0xe9: {  	v4 =	vld [tilespmem:s25+$0x850];
	[tilespmem:s25+$0x10800] =	vst v5  }
0xea: {  	v5 =	vld [tilespmem:s25+$0x860];
	[tilespmem:s25+$0x10810] =	vst v0  }
0xeb: {  	v6 =	vld [tilespmem:s25+$0x870];
	[tilespmem:s25+$0x10820] =	vst v1  }
0xec: {  	v7 =	vld [tilespmem:s25+$0xC00];
	[tilespmem:s25+$0x10830] =	vst v2  }
.Ltmp5:
0xed: {  	v0 =	vld [tilespmem:s25+$0xC10];
	[tilespmem:s25+$0x10840] =	vst v3;
	(pc) =	sbr.rel @p1 .LBB2_5-.Ltmp5, $4  }
0xee: {  	v1 =	vld [tilespmem:s25+$0xC20];
	[tilespmem:s25+$0x10850] =	vst v4  }
0xef: {  	v2 =	vld [tilespmem:s25+$0xC30];
	[tilespmem:s25+$0x10860] =	vst v5  }
0xf0: {  	s26 =	sadd.s32 $0x80, s26;
	v3 =	vld [tilespmem:s25+$0xC40];
	[tilespmem:s25+$0x10870] =	vst v6  }
0xf1: {  	s30 =	sand.u32 $0x380, s26;
	s29 =	sand.u32 $0x1000, s28;
	s28 =	sadd.s32 $0x200, s28;
	v4 =	vld [tilespmem:s25+$0xC50];
	[tilespmem:s25+$0x10C00] =	vst v7  }
0xf2: {  	v5 =	vld [tilespmem:s25+$0xC60];
	s26 =	sor.u32 s30, s29;
	[tilespmem:s25+$0x10C10] =	vst v0  }
0xf3: {  	v0 =	vld [tilespmem:s26+$0xC70];
	[tilespmem:s25+$0x10C20] =	vst v1  }
0xf4: {  	v1 =	vld [tilespmem:s26+$0x0];
	[tilespmem:s25+$0x10C30] =	vst v2  }
0xf5: {  	v2 =	vld [tilespmem:s26+$0x10];
	[tilespmem:s25+$0x10C40] =	vst v3  }
0xf6: {  	v3 =	vld [tilespmem:s26+$0x20];
	[tilespmem:s25+$0x10C50] =	vst v4  }
0xf7: {  	v4 =	vld [tilespmem:s26+$0x30];
	[tilespmem:s25+$0x10C60] =	vst v5  }
0xf8: {  	v5 =	vld [tilespmem:s26+$0x40];
	[tilespmem:s26+$0x10C70] =	vst v0  }
0xf9: {  	v0 =	vld [tilespmem:s26+$0x50];
	[tilespmem:s26+$0x10000] =	vst v1  }
0xfa: {  	v1 =	vld [tilespmem:s26+$0x60];
	[tilespmem:s26+$0x10010] =	vst v2  }
0xfb: {  	v2 =	vld [tilespmem:s26+$0x70];
	[tilespmem:s26+$0x10020] =	vst v3  }
0xfc: {  	v3 =	vld [tilespmem:s26+$0x400];
	[tilespmem:s26+$0x10030] =	vst v4  }
0xfd: {  	v4 =	vld [tilespmem:s26+$0x410];
	[tilespmem:s26+$0x10040] =	vst v5  }
0xfe: {  	v5 =	vld [tilespmem:s26+$0x420];
	[tilespmem:s26+$0x10050] =	vst v0  }
0xff: {  	v0 =	vld [tilespmem:s26+$0x430];
	[tilespmem:s26+$0x10060] =	vst v1  }
0x100: {  	v1 =	vld [tilespmem:s26+$0x440];
	[tilespmem:s26+$0x10070] =	vst v2  }
0x101: {  	v2 =	vld [tilespmem:s26+$0x450];
	[tilespmem:s26+$0x10400] =	vst v3  }
0x102: {  	v3 =	vld [tilespmem:s26+$0x460];
	[tilespmem:s26+$0x10410] =	vst v4  }
0x103: {  	v4 =	vld [tilespmem:s26+$0x470];
	[tilespmem:s26+$0x10420] =	vst v5  }
0x104: {  	v5 =	vld [tilespmem:s26+$0x800];
	[tilespmem:s26+$0x10430] =	vst v0  }
0x105: {  	v0 =	vld [tilespmem:s26+$0x810];
	[tilespmem:s26+$0x10440] =	vst v1  }
0x106: {  	v1 =	vld [tilespmem:s26+$0x820];
	[tilespmem:s26+$0x10450] =	vst v2  }
0x107: {  	v2 =	vld [tilespmem:s26+$0x830];
	[tilespmem:s26+$0x10460] =	vst v3  }
0x108: {  	v3 =	vld [tilespmem:s26+$0x840];
	[tilespmem:s26+$0x10470] =	vst v4  }
0x109: {  	v4 =	vld [tilespmem:s26+$0x850];
	[tilespmem:s26+$0x10800] =	vst v5  }
0x10a: {  	v5 =	vld [tilespmem:s26+$0x860];
	[tilespmem:s26+$0x10810] =	vst v0  }
0x10b: {  	v0 =	vld [tilespmem:s26+$0x870];
	[tilespmem:s26+$0x10820] =	vst v1  }
0x10c: {  	v1 =	vld [tilespmem:s26+$0xC00];
	[tilespmem:s26+$0x10830] =	vst v2  }
0x10d: {  	v2 =	vld [tilespmem:s26+$0xC10];
	[tilespmem:s26+$0x10840] =	vst v3  }
0x10e: {  	v3 =	vld [tilespmem:s26+$0xC20];
	[tilespmem:s26+$0x10850] =	vst v4  }
0x10f: {  	v4 =	vld [tilespmem:s26+$0xC30];
	[tilespmem:s26+$0x10860] =	vst v5  }
0x110: {  	v5 =	vld [tilespmem:s26+$0xC40];
	[tilespmem:s26+$0x10870] =	vst v0  }
0x111: {  	v0 =	vld [tilespmem:s26+$0xC50];
	[tilespmem:s26+$0x10C00] =	vst v1  }
0x112: {  	v1 =	vld [tilespmem:s26+$0xC60];
	[tilespmem:s26+$0x10C10] =	vst v2  }
0x113: {  	[tilespmem:s26+$0x10C20] =	vst v3  }
0x114: {  	[tilespmem:s26+$0x10C30] =	vst v4  }
0x115: {  	s28 =	simm.s32 $0x0;
	s25 =	simm.s32 $0x0;
	[tilespmem:s26+$0x10C40] =	vst v5  }
0x116: {  	s28 =	sand.u32 $0x380, s28;
	s29 =	sand.u32 $0x7000, s25;
	[tilespmem:s26+$0x10C50] =	vst v0  }
0x117: {  	s29 =	sor.u32 s28, s29;
	[tilespmem:s26+$0x10C60] =	vst v1  }
0x118: {  	v0 =	vld [tilespmem:s29+$0x4000]  }
0x119: {  	v1 =	vld [tilespmem:s29+$0x4010]  }
0x11a: {  	v2 =	vld [tilespmem:s29+$0x4020]  }
0x11b: {  	v3 =	vld [tilespmem:s29+$0x4030]  }
0x11c: {  	v4 =	vld [tilespmem:s29+$0x4040]  }
0x11d: {  	v5 =	vld [tilespmem:s29+$0x4050]  }
0x11e: {  	v6 =	vld [tilespmem:s29+$0x4060]  }
0x11f: {  	v7 =	vld [tilespmem:s29+$0x4070]  }
0x120: {  	v8 =	vld [tilespmem:s29+$0x4400]  }
0x121: {  	v9 =	vld [tilespmem:s29+$0x4410]  }
0x122: {  	v10 =	vld [tilespmem:s29+$0x4420]  }
0x123: {  	v11 =	vld [tilespmem:s29+$0x4430]  }
0x124: {  	v12 =	vld [tilespmem:s29+$0x4440]  }
0x125: {  	v13 =	vld [tilespmem:s29+$0x4450]  }
0x126: {  	v14 =	vld [tilespmem:s29+$0x4460]  }
0x127: {  	v15 =	vld [tilespmem:s29+$0x4470]  }
0x128: {  	v16 =	vld [tilespmem:s29+$0x4800]  }
0x129: {  	v17 =	vld [tilespmem:s29+$0x4810]  }
0x12a: {  	v18 =	vld [tilespmem:s29+$0x4820]  }
0x12b: {  	v19 =	vld [tilespmem:s29+$0x4830]  }
0x12c: {  	v20 =	vld [tilespmem:s29+$0x4840]  }
0x12d: {  	v21 =	vld [tilespmem:s29+$0x4850]  }
0x12e: {  	v22 =	vld [tilespmem:s29+$0x4860]  }
0x12f: {  	s28 =	simm.s32 $0x1000;
	s26 =	simm.s32 $0xF80;
	v23 =	vld [tilespmem:s29+$0x4870]  }
.LBB2_7:
0x130: {  	p1 =	sne.s32 s28, $0x2600;
	v24 =	vld [tilespmem:s29+$0x4C00]  }
0x131: {  	v25 =	vld [tilespmem:s29+$0x4C10]  }
0x132: {  	v26 =	vld [tilespmem:s29+$0x4C70]  }
0x133: {  	v27 =	vld [tilespmem:s29+$0x4C20]  }
0x134: {  	s30 =	sadd.s32 $0x3E00, s25;
	v28 =	vld [tilespmem:s29+$0x4C30]  }
0x135: {  	s31 =	sand.u32 $0x380, s26;
	s26 =	smov.u32 s28;
	s30 =	sand.u32 $0xF000, s30;
	v29 =	vld [tilespmem:s29+$0x4C40]  }
0x136: {  	s30 =	sor.u32 s31, s30;
	v30 =	vld [tilespmem:s29+$0x4C50]  }
0x137: {  	v31 =	vld [tilespmem:s29+$0x4C60];
	[tilespmem:s30+$0x10C70] =	vst v26  }
0x138: {  	[tilespmem:s30+$0x10000] =	vst v0  }
0x139: {  	[tilespmem:s30+$0x10010] =	vst v1  }
0x13a: {  	[tilespmem:s30+$0x10020] =	vst v2  }
0x13b: {  	[tilespmem:s30+$0x10030] =	vst v3  }
0x13c: {  	[tilespmem:s30+$0x10040] =	vst v4  }
0x13d: {  	[tilespmem:s30+$0x10050] =	vst v5  }
0x13e: {  	[tilespmem:s30+$0x10060] =	vst v6  }
0x13f: {  	[tilespmem:s30+$0x10070] =	vst v7  }
0x140: {  	[tilespmem:s30+$0x10400] =	vst v8  }
0x141: {  	[tilespmem:s30+$0x10410] =	vst v9  }
0x142: {  	[tilespmem:s30+$0x10420] =	vst v10  }
0x143: {  	[tilespmem:s30+$0x10430] =	vst v11  }
0x144: {  	[tilespmem:s30+$0x10440] =	vst v12  }
0x145: {  	[tilespmem:s30+$0x10450] =	vst v13  }
0x146: {  	[tilespmem:s30+$0x10460] =	vst v14  }
0x147: {  	[tilespmem:s30+$0x10470] =	vst v15  }
0x148: {  	[tilespmem:s30+$0x10800] =	vst v16  }
0x149: {  	[tilespmem:s30+$0x10810] =	vst v17  }
0x14a: {  	[tilespmem:s30+$0x10820] =	vst v18  }
0x14b: {  	[tilespmem:s30+$0x10830] =	vst v19  }
0x14c: {  	[tilespmem:s30+$0x10840] =	vst v20  }
0x14d: {  	[tilespmem:s30+$0x10850] =	vst v21  }
0x14e: {  	[tilespmem:s30+$0x10860] =	vst v22  }
0x14f: {  	[tilespmem:s30+$0x10870] =	vst v23  }
0x150: {  	[tilespmem:s30+$0x10C00] =	vst v24  }
0x151: {  	[tilespmem:s30+$0x10C10] =	vst v25  }
0x152: {  	[tilespmem:s30+$0x10C20] =	vst v27  }
0x153: {  	[tilespmem:s30+$0x10C30] =	vst v28  }
0x154: {  	s25 =	sadd.s32 $0x200, s25;
	s29 =	sadd.s32 $0xFFFFF080, s28;
	[tilespmem:s30+$0x10C40] =	vst v29  }
0x155: {  	s31 =	sand.u32 $0x7000, s25;
	s29 =	sand.u32 $0x380, s29;
	[tilespmem:s30+$0x10C50] =	vst v30  }
0x156: {  	s29 =	sor.u32 s29, s31;
	[tilespmem:s30+$0x10C60] =	vst v31  }
0x157: {  	v0 =	vld [tilespmem:s29+$0x4000]  }
0x158: {  	v1 =	vld [tilespmem:s29+$0x4010]  }
0x159: {  	v2 =	vld [tilespmem:s29+$0x4020]  }
0x15a: {  	v3 =	vld [tilespmem:s29+$0x4030]  }
0x15b: {  	v4 =	vld [tilespmem:s29+$0x4040]  }
0x15c: {  	v5 =	vld [tilespmem:s29+$0x4050]  }
0x15d: {  	v6 =	vld [tilespmem:s29+$0x4060]  }
0x15e: {  	v7 =	vld [tilespmem:s29+$0x4070]  }
0x15f: {  	v8 =	vld [tilespmem:s29+$0x4400]  }
0x160: {  	v9 =	vld [tilespmem:s29+$0x4410]  }
0x161: {  	v10 =	vld [tilespmem:s29+$0x4420]  }
0x162: {  	v11 =	vld [tilespmem:s29+$0x4430]  }
0x163: {  	v12 =	vld [tilespmem:s29+$0x4440]  }
0x164: {  	v13 =	vld [tilespmem:s29+$0x4450]  }
0x165: {  	v14 =	vld [tilespmem:s29+$0x4460]  }
0x166: {  	v15 =	vld [tilespmem:s29+$0x4470]  }
0x167: {  	v16 =	vld [tilespmem:s29+$0x4800]  }
0x168: {  	v17 =	vld [tilespmem:s29+$0x4810]  }
0x169: {  	v18 =	vld [tilespmem:s29+$0x4820]  }
.Ltmp6:
0x16a: {  	v19 =	vld [tilespmem:s29+$0x4830];
	(pc) =	sbr.rel @p1 .LBB2_7-.Ltmp6, $4  }
0x16b: {  	v20 =	vld [tilespmem:s29+$0x4840]  }
0x16c: {  	v21 =	vld [tilespmem:s29+$0x4850]  }
0x16d: {  	v22 =	vld [tilespmem:s29+$0x4860]  }
0x16e: {  	s28 =	sadd.s32 $0x80, s28;
	v23 =	vld [tilespmem:s29+$0x4870]  }
0x16f: {  	v24 =	vld [tilespmem:s29+$0x4C00]  }
0x170: {  	v25 =	vld [tilespmem:s29+$0x4C10]  }
0x171: {  	v26 =	vld [tilespmem:s29+$0x4C70]  }
0x172: {  	v27 =	vld [tilespmem:s29+$0x4C20]  }
0x173: {  	v28 =	vld [tilespmem:s29+$0x4C30];
	s25 =	sadd.s32 $0x3E00, s25  }
0x174: {  	v29 =	vld [tilespmem:s29+$0x4C40];
	s26 =	sand.u32 $0x380, s26;
	s25 =	sand.u32 $0xF000, s25  }
0x175: {  	v30 =	vld [tilespmem:s29+$0x4C50];
	s25 =	sor.u32 s26, s25  }
0x176: {  	v31 =	vld [tilespmem:s29+$0x4C60];
	[tilespmem:s25+$0x10000] =	vst v0  }
0x177: {  	[tilespmem:s25+$0x10010] =	vst v1  }
0x178: {  	[tilespmem:s25+$0x10020] =	vst v2  }
0x179: {  	[tilespmem:s25+$0x10030] =	vst v3  }
0x17a: {  	[tilespmem:s25+$0x10040] =	vst v4  }
0x17b: {  	[tilespmem:s25+$0x10050] =	vst v5  }
0x17c: {  	[tilespmem:s25+$0x10060] =	vst v6  }
0x17d: {  	[tilespmem:s25+$0x10070] =	vst v7  }
0x17e: {  	[tilespmem:s25+$0x10400] =	vst v8  }
0x17f: {  	[tilespmem:s25+$0x10410] =	vst v9  }
0x180: {  	[tilespmem:s25+$0x10420] =	vst v10  }
0x181: {  	[tilespmem:s25+$0x10430] =	vst v11  }
0x182: {  	[tilespmem:s25+$0x10440] =	vst v12  }
0x183: {  	[tilespmem:s25+$0x10450] =	vst v13  }
0x184: {  	[tilespmem:s25+$0x10460] =	vst v14  }
0x185: {  	[tilespmem:s25+$0x10470] =	vst v15  }
0x186: {  	[tilespmem:s25+$0x10800] =	vst v16  }
0x187: {  	[tilespmem:s25+$0x10810] =	vst v17  }
0x188: {  	[tilespmem:s25+$0x10820] =	vst v18  }
0x189: {  	[tilespmem:s25+$0x10830] =	vst v19  }
0x18a: {  	[tilespmem:s25+$0x10840] =	vst v20  }
0x18b: {  	[tilespmem:s25+$0x10850] =	vst v21  }
0x18c: {  	[tilespmem:s25+$0x10860] =	vst v22  }
0x18d: {  	[tilespmem:s25+$0x10870] =	vst v23  }
0x18e: {  	[tilespmem:s25+$0x10C70] =	vst v26  }
0x18f: {  	[tilespmem:s25+$0x10C00] =	vst v24  }
0x190: {  	[tilespmem:s25+$0x10C10] =	vst v25  }
0x191: {  	[tilespmem:s25+$0x10C20] =	vst v27  }
0x192: {  	[tilespmem:s25+$0x10C30] =	vst v28  }
0x193: {  	s24 =	smul.u32 $0x1400, s24;
	[tilespmem:s25+$0x10C40] =	vst v29  }
0x194: {  	s23 =	sadd.s32 s10, s23;
	[tilespmem:s25+$0x10C50] =	vst v30  }
0x195: {  	p1 =	sgt.u32 s23, $0x3E7;
	s24 =	sadd.s32 s7, s24;
	[tilespmem:s25+$0x10C60] =	vst v31  }
0x196: {  	[hbm4b:s24+s4] =	stream.linear.scatter [tilespmem:s16], [sflag:$0x3], $0xA000, $0x38;
	[tilespmem:$0x1C000] =	vst v63  }
0x197: {  	s24 =	sshll.u32 @!p1 s23, $0xA  }
0x198: {  	s25 =	simm.s32 @!p1 $0x0;
	s23 =	smul.u32 @!p1 $0xC00, s23;
	s24 =	sadd.s32 @!p1 s5, s24  }
0x199: {  	[tilespmem:s25], [sflag:$0x1] =	stream.linear.gather @!p1 [hbm4b:s24+s25], $0x2000, $0x38;
	[tilespmem:$0x1C000] =	vst v63  }
0x19a: {  	s23 =	sadd.s32 @!p1 s2, s23;
	s24 =	simm.s32 @!p1 $0x4000  }
0x19b: {  	[tilespmem:s24], [sflag:$0x1] =	stream.linear.gather @!p1 [hbm4b:s23+s25], $0x6000, $0x38;
	[tilespmem:$0x1C000] =	vst v63  }
0x19c: {  	p1 =	slt.u32 s22, $0x3E8  }
.Ltmp7:
0x19d: {  	_ = 	snop;
	(pc) =	sbr.rel @!p1 .LBB2_9-.Ltmp7, $1  }
0x19e: {  	_ =	sdelay $0x3  }
0x19f: {  	_ =	swait.ge [sflag:s17], $0x2000  }
0x1a0: {  	[sflag:s17] =	ssyncset.done $0x0  }
0x1a1: {  	[sflag:s17] =	ssyncadd.s32 $0xFFFFE000  }
0x1a2: {  	_ =	swait.ge [sflag:s17], $0x6000  }
0x1a3: {  	[sflag:s17] =	ssyncset.done $0x0  }
0x1a4: {  	[sflag:s17] =	ssyncadd.s32 $0xFFFFA000  }
0x1a5: {  	s23 =	simm.s32 $0x0;
	_ =	swait.ge [sflag:s18], $0xA000  }
0x1a6: {  	s24 =	sand.u32 $0x1000, s23;
	s25 =	sand.u32 $0x380, s23;
	[sflag:s18] =	ssyncset.done $0x0  }
0x1a7: {  	s24 =	sor.u32 s25, s24;
	[sflag:s18] =	ssyncadd.s32 $0xFFFF6000  }
0x1a8: {  	v0 =	vld [tilespmem:s24+$0x2C70]  }
0x1a9: {  	v1 =	vld [tilespmem:s24+$0x2000]  }
0x1aa: {  	v2 =	vld [tilespmem:s24+$0x2010]  }
0x1ab: {  	v3 =	vld [tilespmem:s24+$0x2020]  }
0x1ac: {  	v4 =	vld [tilespmem:s24+$0x2030]  }
0x1ad: {  	v5 =	vld [tilespmem:s24+$0x2040];
	[tilespmem:s24+$0x10C70] =	vst v0  }
0x1ae: {  	v6 =	vld [tilespmem:s24+$0x2870];
	[tilespmem:s24+$0x10000] =	vst v1  }
0x1af: {  	v7 =	vld [tilespmem:s24+$0x2C00];
	[tilespmem:s24+$0x10010] =	vst v2  }
0x1b0: {  	v0 =	vld [tilespmem:s24+$0x2050];
	[tilespmem:s24+$0x10020] =	vst v3  }
0x1b1: {  	v1 =	vld [tilespmem:s24+$0x2060];
	[tilespmem:s24+$0x10030] =	vst v4  }
0x1b2: {  	v2 =	vld [tilespmem:s24+$0x2070];
	[tilespmem:s24+$0x10040] =	vst v5  }
0x1b3: {  	v3 =	vld [tilespmem:s24+$0x2400];
	[tilespmem:s24+$0x10870] =	vst v6  }
0x1b4: {  	v4 =	vld [tilespmem:s24+$0x2410];
	[tilespmem:s24+$0x10C00] =	vst v7  }
0x1b5: {  	v5 =	vld [tilespmem:s24+$0x2420];
	[tilespmem:s24+$0x10050] =	vst v0  }
0x1b6: {  	v0 =	vld [tilespmem:s24+$0x2430];
	[tilespmem:s24+$0x10060] =	vst v1  }
0x1b7: {  	v1 =	vld [tilespmem:s24+$0x2440];
	[tilespmem:s24+$0x10070] =	vst v2  }
0x1b8: {  	v2 =	vld [tilespmem:s24+$0x2450];
	[tilespmem:s24+$0x10400] =	vst v3  }
0x1b9: {  	v3 =	vld [tilespmem:s24+$0x2460];
	[tilespmem:s24+$0x10410] =	vst v4  }
0x1ba: {  	v4 =	vld [tilespmem:s24+$0x2470];
	[tilespmem:s24+$0x10420] =	vst v5  }
0x1bb: {  	v5 =	vld [tilespmem:s24+$0x2800];
	[tilespmem:s24+$0x10430] =	vst v0  }
0x1bc: {  	v0 =	vld [tilespmem:s24+$0x2810];
	[tilespmem:s24+$0x10440] =	vst v1  }
0x1bd: {  	v1 =	vld [tilespmem:s24+$0x2820];
	[tilespmem:s24+$0x10450] =	vst v2  }
0x1be: {  	v2 =	vld [tilespmem:s24+$0x2830];
	[tilespmem:s24+$0x10460] =	vst v3  }
0x1bf: {  	v3 =	vld [tilespmem:s24+$0x2840];
	[tilespmem:s24+$0x10470] =	vst v4  }
0x1c0: {  	v4 =	vld [tilespmem:s24+$0x2850];
	[tilespmem:s24+$0x10800] =	vst v5  }
0x1c1: {  	v5 =	vld [tilespmem:s24+$0x2860];
	[tilespmem:s24+$0x10810] =	vst v0  }
0x1c2: {  	[tilespmem:s24+$0x10820] =	vst v1;
	v0 =	vld [tilespmem:s24+$0x2C10]  }
0x1c3: {  	[tilespmem:s24+$0x10830] =	vst v2;
	v1 =	vld [tilespmem:s24+$0x2C20]  }
0x1c4: {  	[tilespmem:s24+$0x10840] =	vst v3;
	v2 =	vld [tilespmem:s24+$0x2C30]  }
0x1c5: {  	s26 =	simm.s32 $0x200;
	s25 =	simm.s32 $0x80;
	[tilespmem:s24+$0x10850] =	vst v4;
	v3 =	vld [tilespmem:s24+$0x2C40]  }
0x1c6: {  	s28 =	sand.u32 $0x1000, s26;
	s26 =	simm.s32 $0x400;
	s29 =	sand.u32 $0x380, s25;
	[tilespmem:s24+$0x10860] =	vst v5;
	v4 =	vld [tilespmem:s24+$0x2C50]  }
.LBB2_11:
0x1c7: {  	p1 =	sne.s32 s26, $0x1C00;
	s28 =	sor.u32 s29, s28;
	v5 =	vld [tilespmem:s24+$0x2C60];
	[tilespmem:s24+$0x10C10] =	vst v0  }
0x1c8: {  	v0 =	vld [tilespmem:s28+$0x2C70];
	[tilespmem:s24+$0x10C20] =	vst v1  }
0x1c9: {  	v1 =	vld [tilespmem:s28+$0x2000];
	[tilespmem:s24+$0x10C30] =	vst v2  }
0x1ca: {  	v2 =	vld [tilespmem:s28+$0x2010];
	[tilespmem:s24+$0x10C40] =	vst v3  }
0x1cb: {  	v3 =	vld [tilespmem:s28+$0x2020];
	[tilespmem:s24+$0x10C50] =	vst v4  }
0x1cc: {  	v4 =	vld [tilespmem:s28+$0x2030];
	[tilespmem:s24+$0x10C60] =	vst v5;
	s24 =	smov.u32 s28  }
0x1cd: {  	v5 =	vld [tilespmem:s24+$0x2040];
	[tilespmem:s24+$0x10C70] =	vst v0  }
0x1ce: {  	v0 =	vld [tilespmem:s24+$0x2050];
	[tilespmem:s24+$0x10000] =	vst v1  }
0x1cf: {  	v1 =	vld [tilespmem:s24+$0x2060];
	[tilespmem:s24+$0x10010] =	vst v2  }
0x1d0: {  	v2 =	vld [tilespmem:s24+$0x2070];
	[tilespmem:s24+$0x10020] =	vst v3  }
0x1d1: {  	v3 =	vld [tilespmem:s24+$0x2400];
	[tilespmem:s24+$0x10030] =	vst v4  }
0x1d2: {  	v4 =	vld [tilespmem:s24+$0x2410];
	[tilespmem:s24+$0x10040] =	vst v5  }
0x1d3: {  	v5 =	vld [tilespmem:s24+$0x2420];
	[tilespmem:s24+$0x10050] =	vst v0  }
0x1d4: {  	v0 =	vld [tilespmem:s24+$0x2430];
	[tilespmem:s24+$0x10060] =	vst v1  }
0x1d5: {  	v1 =	vld [tilespmem:s24+$0x2440];
	[tilespmem:s24+$0x10070] =	vst v2  }
0x1d6: {  	v2 =	vld [tilespmem:s24+$0x2450];
	[tilespmem:s24+$0x10400] =	vst v3  }
0x1d7: {  	v3 =	vld [tilespmem:s24+$0x2460];
	[tilespmem:s24+$0x10410] =	vst v4  }
0x1d8: {  	v4 =	vld [tilespmem:s24+$0x2470];
	[tilespmem:s24+$0x10420] =	vst v5  }
0x1d9: {  	v5 =	vld [tilespmem:s24+$0x2800];
	[tilespmem:s24+$0x10430] =	vst v0  }
0x1da: {  	v0 =	vld [tilespmem:s24+$0x2810];
	[tilespmem:s24+$0x10440] =	vst v1  }
0x1db: {  	v1 =	vld [tilespmem:s24+$0x2820];
	[tilespmem:s24+$0x10450] =	vst v2  }
0x1dc: {  	v2 =	vld [tilespmem:s24+$0x2830];
	[tilespmem:s24+$0x10460] =	vst v3  }
0x1dd: {  	v3 =	vld [tilespmem:s24+$0x2840];
	[tilespmem:s24+$0x10470] =	vst v4  }
0x1de: {  	v4 =	vld [tilespmem:s24+$0x2850];
	[tilespmem:s24+$0x10800] =	vst v5  }
0x1df: {  	v5 =	vld [tilespmem:s24+$0x2860];
	[tilespmem:s24+$0x10810] =	vst v0  }
0x1e0: {  	v6 =	vld [tilespmem:s24+$0x2870];
	[tilespmem:s24+$0x10820] =	vst v1  }
0x1e1: {  	v7 =	vld [tilespmem:s24+$0x2C00];
	[tilespmem:s24+$0x10830] =	vst v2  }
.Ltmp8:
0x1e2: {  	v0 =	vld [tilespmem:s24+$0x2C10];
	[tilespmem:s24+$0x10840] =	vst v3;
	(pc) =	sbr.rel @p1 .LBB2_11-.Ltmp8, $4  }
0x1e3: {  	v1 =	vld [tilespmem:s24+$0x2C20];
	[tilespmem:s24+$0x10850] =	vst v4  }
0x1e4: {  	v2 =	vld [tilespmem:s24+$0x2C30];
	[tilespmem:s24+$0x10860] =	vst v5  }
0x1e5: {  	s25 =	sadd.s32 $0x80, s25;
	v3 =	vld [tilespmem:s24+$0x2C40];
	[tilespmem:s24+$0x10870] =	vst v6  }
0x1e6: {  	s29 =	sand.u32 $0x380, s25;
	s28 =	sand.u32 $0x1000, s26;
	s26 =	sadd.s32 $0x200, s26;
	v4 =	vld [tilespmem:s24+$0x2C50];
	[tilespmem:s24+$0x10C00] =	vst v7  }
0x1e7: {  	v5 =	vld [tilespmem:s24+$0x2C60];
	s25 =	sor.u32 s29, s28;
	[tilespmem:s24+$0x10C10] =	vst v0  }
0x1e8: {  	v0 =	vld [tilespmem:s25+$0x2C70];
	[tilespmem:s24+$0x10C20] =	vst v1  }
0x1e9: {  	v1 =	vld [tilespmem:s25+$0x2000];
	[tilespmem:s24+$0x10C30] =	vst v2  }
0x1ea: {  	v2 =	vld [tilespmem:s25+$0x2010];
	[tilespmem:s24+$0x10C40] =	vst v3  }
0x1eb: {  	v3 =	vld [tilespmem:s25+$0x2020];
	[tilespmem:s24+$0x10C50] =	vst v4  }
0x1ec: {  	v4 =	vld [tilespmem:s25+$0x2030];
	[tilespmem:s24+$0x10C60] =	vst v5  }
0x1ed: {  	v5 =	vld [tilespmem:s25+$0x2040];
	[tilespmem:s25+$0x10C70] =	vst v0  }
0x1ee: {  	v0 =	vld [tilespmem:s25+$0x2050];
	[tilespmem:s25+$0x10000] =	vst v1  }
0x1ef: {  	v1 =	vld [tilespmem:s25+$0x2060];
	[tilespmem:s25+$0x10010] =	vst v2  }
0x1f0: {  	v2 =	vld [tilespmem:s25+$0x2070];
	[tilespmem:s25+$0x10020] =	vst v3  }
0x1f1: {  	v3 =	vld [tilespmem:s25+$0x2400];
	[tilespmem:s25+$0x10030] =	vst v4  }
0x1f2: {  	v4 =	vld [tilespmem:s25+$0x2410];
	[tilespmem:s25+$0x10040] =	vst v5  }
0x1f3: {  	v5 =	vld [tilespmem:s25+$0x2420];
	[tilespmem:s25+$0x10050] =	vst v0  }
0x1f4: {  	v0 =	vld [tilespmem:s25+$0x2430];
	[tilespmem:s25+$0x10060] =	vst v1  }
0x1f5: {  	v1 =	vld [tilespmem:s25+$0x2440];
	[tilespmem:s25+$0x10070] =	vst v2  }
0x1f6: {  	v2 =	vld [tilespmem:s25+$0x2450];
	[tilespmem:s25+$0x10400] =	vst v3  }
0x1f7: {  	v3 =	vld [tilespmem:s25+$0x2460];
	[tilespmem:s25+$0x10410] =	vst v4  }
0x1f8: {  	v4 =	vld [tilespmem:s25+$0x2470];
	[tilespmem:s25+$0x10420] =	vst v5  }
0x1f9: {  	v5 =	vld [tilespmem:s25+$0x2800];
	[tilespmem:s25+$0x10430] =	vst v0  }
0x1fa: {  	v0 =	vld [tilespmem:s25+$0x2810];
	[tilespmem:s25+$0x10440] =	vst v1  }
0x1fb: {  	v1 =	vld [tilespmem:s25+$0x2820];
	[tilespmem:s25+$0x10450] =	vst v2  }
0x1fc: {  	v2 =	vld [tilespmem:s25+$0x2830];
	[tilespmem:s25+$0x10460] =	vst v3  }
0x1fd: {  	v3 =	vld [tilespmem:s25+$0x2840];
	[tilespmem:s25+$0x10470] =	vst v4  }
0x1fe: {  	v4 =	vld [tilespmem:s25+$0x2850];
	[tilespmem:s25+$0x10800] =	vst v5  }
0x1ff: {  	v5 =	vld [tilespmem:s25+$0x2860];
	[tilespmem:s25+$0x10810] =	vst v0  }
0x200: {  	v0 =	vld [tilespmem:s25+$0x2870];
	[tilespmem:s25+$0x10820] =	vst v1  }
0x201: {  	v1 =	vld [tilespmem:s25+$0x2C00];
	[tilespmem:s25+$0x10830] =	vst v2  }
0x202: {  	v2 =	vld [tilespmem:s25+$0x2C10];
	[tilespmem:s25+$0x10840] =	vst v3  }
0x203: {  	v3 =	vld [tilespmem:s25+$0x2C20];
	[tilespmem:s25+$0x10850] =	vst v4  }
0x204: {  	v4 =	vld [tilespmem:s25+$0x2C30];
	[tilespmem:s25+$0x10860] =	vst v5  }
0x205: {  	v5 =	vld [tilespmem:s25+$0x2C40];
	[tilespmem:s25+$0x10870] =	vst v0  }
0x206: {  	v0 =	vld [tilespmem:s25+$0x2C50];
	[tilespmem:s25+$0x10C00] =	vst v1  }
0x207: {  	v1 =	vld [tilespmem:s25+$0x2C60];
	[tilespmem:s25+$0x10C10] =	vst v2  }
0x208: {  	[tilespmem:s25+$0x10C20] =	vst v3  }
0x209: {  	[tilespmem:s25+$0x10C30] =	vst v4  }
0x20a: {  	s31 =	simm.s32 $0x0;
	[tilespmem:s25+$0x10C40] =	vst v5  }
0x20b: {  	s26 =	sand.u32 $0x7000, s23;
	s24 =	sand.u32 $0x380, s31;
	[tilespmem:s25+$0x10C50] =	vst v0  }
0x20c: {  	s26 =	sor.u32 s24, s26;
	[tilespmem:s25+$0x10C60] =	vst v1  }
0x20d: {  	v0 =	vld [tilespmem:s26+$0xA000]  }
0x20e: {  	v1 =	vld [tilespmem:s26+$0xA010]  }
0x20f: {  	v2 =	vld [tilespmem:s26+$0xA020]  }
0x210: {  	v3 =	vld [tilespmem:s26+$0xA030]  }
0x211: {  	v4 =	vld [tilespmem:s26+$0xA040]  }
0x212: {  	v5 =	vld [tilespmem:s26+$0xA050]  }
0x213: {  	v6 =	vld [tilespmem:s26+$0xA060]  }
0x214: {  	v7 =	vld [tilespmem:s26+$0xA070]  }
0x215: {  	v8 =	vld [tilespmem:s26+$0xA400]  }
0x216: {  	v9 =	vld [tilespmem:s26+$0xA410]  }
0x217: {  	v10 =	vld [tilespmem:s26+$0xA420]  }
0x218: {  	v11 =	vld [tilespmem:s26+$0xA430]  }
0x219: {  	v12 =	vld [tilespmem:s26+$0xA440]  }
0x21a: {  	v13 =	vld [tilespmem:s26+$0xA450]  }
0x21b: {  	v14 =	vld [tilespmem:s26+$0xA460]  }
0x21c: {  	v15 =	vld [tilespmem:s26+$0xA470]  }
0x21d: {  	v16 =	vld [tilespmem:s26+$0xA800]  }
0x21e: {  	v17 =	vld [tilespmem:s26+$0xA810]  }
0x21f: {  	v18 =	vld [tilespmem:s26+$0xA820]  }
0x220: {  	v19 =	vld [tilespmem:s26+$0xA830]  }
0x221: {  	v20 =	vld [tilespmem:s26+$0xA840]  }
0x222: {  	v21 =	vld [tilespmem:s26+$0xA850]  }
0x223: {  	v22 =	vld [tilespmem:s26+$0xA860]  }
0x224: {  	s24 =	simm.s32 $0xF80;
	s25 =	simm.s32 $0x1000;
	v23 =	vld [tilespmem:s26+$0xA870]  }
.LBB2_13:
0x225: {  	p1 =	sne.s32 s25, $0x2600;
	v24 =	vld [tilespmem:s26+$0xAC00]  }
0x226: {  	v25 =	vld [tilespmem:s26+$0xAC10]  }
0x227: {  	v26 =	vld [tilespmem:s26+$0xAC70]  }
0x228: {  	v27 =	vld [tilespmem:s26+$0xAC20]  }
0x229: {  	s28 =	sadd.s32 $0x3E00, s23;
	v28 =	vld [tilespmem:s26+$0xAC30]  }
0x22a: {  	s29 =	sand.u32 $0x380, s24;
	s24 =	smov.u32 s25;
	s28 =	sand.u32 $0xF000, s28;
	v29 =	vld [tilespmem:s26+$0xAC40]  }
0x22b: {  	s28 =	sor.u32 s29, s28;
	v30 =	vld [tilespmem:s26+$0xAC50]  }
0x22c: {  	v31 =	vld [tilespmem:s26+$0xAC60];
	[tilespmem:s28+$0x10C70] =	vst v26  }
0x22d: {  	[tilespmem:s28+$0x10000] =	vst v0  }
0x22e: {  	[tilespmem:s28+$0x10010] =	vst v1  }
0x22f: {  	[tilespmem:s28+$0x10020] =	vst v2  }
0x230: {  	[tilespmem:s28+$0x10030] =	vst v3  }
0x231: {  	[tilespmem:s28+$0x10040] =	vst v4  }
0x232: {  	[tilespmem:s28+$0x10050] =	vst v5  }
0x233: {  	[tilespmem:s28+$0x10060] =	vst v6  }
0x234: {  	[tilespmem:s28+$0x10070] =	vst v7  }
0x235: {  	[tilespmem:s28+$0x10400] =	vst v8  }
0x236: {  	[tilespmem:s28+$0x10410] =	vst v9  }
0x237: {  	[tilespmem:s28+$0x10420] =	vst v10  }
0x238: {  	[tilespmem:s28+$0x10430] =	vst v11  }
0x239: {  	[tilespmem:s28+$0x10440] =	vst v12  }
0x23a: {  	[tilespmem:s28+$0x10450] =	vst v13  }
0x23b: {  	[tilespmem:s28+$0x10460] =	vst v14  }
0x23c: {  	[tilespmem:s28+$0x10470] =	vst v15  }
0x23d: {  	[tilespmem:s28+$0x10800] =	vst v16  }
0x23e: {  	[tilespmem:s28+$0x10810] =	vst v17  }
0x23f: {  	[tilespmem:s28+$0x10820] =	vst v18  }
0x240: {  	[tilespmem:s28+$0x10830] =	vst v19  }
0x241: {  	[tilespmem:s28+$0x10840] =	vst v20  }
0x242: {  	[tilespmem:s28+$0x10850] =	vst v21  }
0x243: {  	[tilespmem:s28+$0x10860] =	vst v22  }
0x244: {  	[tilespmem:s28+$0x10870] =	vst v23  }
0x245: {  	[tilespmem:s28+$0x10C00] =	vst v24  }
0x246: {  	[tilespmem:s28+$0x10C10] =	vst v25  }
0x247: {  	[tilespmem:s28+$0x10C20] =	vst v27  }
0x248: {  	[tilespmem:s28+$0x10C30] =	vst v28  }
0x249: {  	s23 =	sadd.s32 $0x200, s23;
	s26 =	sadd.s32 $0xFFFFF080, s25;
	[tilespmem:s28+$0x10C40] =	vst v29  }
0x24a: {  	s29 =	sand.u32 $0x7000, s23;
	s26 =	sand.u32 $0x380, s26;
	[tilespmem:s28+$0x10C50] =	vst v30  }
0x24b: {  	s26 =	sor.u32 s26, s29;
	[tilespmem:s28+$0x10C60] =	vst v31  }
0x24c: {  	v0 =	vld [tilespmem:s26+$0xA000]  }
0x24d: {  	v1 =	vld [tilespmem:s26+$0xA010]  }
0x24e: {  	v2 =	vld [tilespmem:s26+$0xA020]  }
0x24f: {  	v3 =	vld [tilespmem:s26+$0xA030]  }
0x250: {  	v4 =	vld [tilespmem:s26+$0xA040]  }
0x251: {  	v5 =	vld [tilespmem:s26+$0xA050]  }
0x252: {  	v6 =	vld [tilespmem:s26+$0xA060]  }
0x253: {  	v7 =	vld [tilespmem:s26+$0xA070]  }
0x254: {  	v8 =	vld [tilespmem:s26+$0xA400]  }
0x255: {  	v9 =	vld [tilespmem:s26+$0xA410]  }
0x256: {  	v10 =	vld [tilespmem:s26+$0xA420]  }
0x257: {  	v11 =	vld [tilespmem:s26+$0xA430]  }
0x258: {  	v12 =	vld [tilespmem:s26+$0xA440]  }
0x259: {  	v13 =	vld [tilespmem:s26+$0xA450]  }
0x25a: {  	v14 =	vld [tilespmem:s26+$0xA460]  }
0x25b: {  	v15 =	vld [tilespmem:s26+$0xA470]  }
0x25c: {  	v16 =	vld [tilespmem:s26+$0xA800]  }
0x25d: {  	v17 =	vld [tilespmem:s26+$0xA810]  }
0x25e: {  	v18 =	vld [tilespmem:s26+$0xA820]  }
.Ltmp9:
0x25f: {  	v19 =	vld [tilespmem:s26+$0xA830];
	(pc) =	sbr.rel @p1 .LBB2_13-.Ltmp9, $4  }
0x260: {  	v20 =	vld [tilespmem:s26+$0xA840]  }
0x261: {  	v21 =	vld [tilespmem:s26+$0xA850]  }
0x262: {  	v22 =	vld [tilespmem:s26+$0xA860]  }
0x263: {  	s25 =	sadd.s32 $0x80, s25;
	v23 =	vld [tilespmem:s26+$0xA870]  }
0x264: {  	v24 =	vld [tilespmem:s26+$0xAC00]  }
0x265: {  	v25 =	vld [tilespmem:s26+$0xAC10]  }
0x266: {  	v26 =	vld [tilespmem:s26+$0xAC70]  }
0x267: {  	v27 =	vld [tilespmem:s26+$0xAC20]  }
0x268: {  	v28 =	vld [tilespmem:s26+$0xAC30];
	s23 =	sadd.s32 $0x3E00, s23  }
0x269: {  	v29 =	vld [tilespmem:s26+$0xAC40];
	s24 =	sand.u32 $0x380, s24;
	s23 =	sand.u32 $0xF000, s23  }
0x26a: {  	v30 =	vld [tilespmem:s26+$0xAC50];
	s23 =	sor.u32 s24, s23  }
0x26b: {  	v31 =	vld [tilespmem:s26+$0xAC60];
	[tilespmem:s23+$0x10000] =	vst v0  }
0x26c: {  	[tilespmem:s23+$0x10010] =	vst v1  }
0x26d: {  	[tilespmem:s23+$0x10020] =	vst v2  }
0x26e: {  	[tilespmem:s23+$0x10030] =	vst v3  }
0x26f: {  	[tilespmem:s23+$0x10040] =	vst v4  }
0x270: {  	[tilespmem:s23+$0x10050] =	vst v5  }
0x271: {  	[tilespmem:s23+$0x10060] =	vst v6  }
0x272: {  	[tilespmem:s23+$0x10070] =	vst v7  }
0x273: {  	[tilespmem:s23+$0x10400] =	vst v8  }
0x274: {  	[tilespmem:s23+$0x10410] =	vst v9  }
0x275: {  	[tilespmem:s23+$0x10420] =	vst v10  }
0x276: {  	[tilespmem:s23+$0x10430] =	vst v11  }
0x277: {  	[tilespmem:s23+$0x10440] =	vst v12  }
0x278: {  	[tilespmem:s23+$0x10450] =	vst v13  }
0x279: {  	[tilespmem:s23+$0x10460] =	vst v14  }
0x27a: {  	[tilespmem:s23+$0x10470] =	vst v15  }
0x27b: {  	[tilespmem:s23+$0x10800] =	vst v16  }
0x27c: {  	[tilespmem:s23+$0x10810] =	vst v17  }
0x27d: {  	[tilespmem:s23+$0x10820] =	vst v18  }
0x27e: {  	[tilespmem:s23+$0x10830] =	vst v19  }
0x27f: {  	[tilespmem:s23+$0x10840] =	vst v20  }
0x280: {  	[tilespmem:s23+$0x10850] =	vst v21  }
0x281: {  	[tilespmem:s23+$0x10860] =	vst v22  }
0x282: {  	[tilespmem:s23+$0x10870] =	vst v23  }
0x283: {  	[tilespmem:s23+$0x10C70] =	vst v26  }
0x284: {  	[tilespmem:s23+$0x10C00] =	vst v24  }
0x285: {  	[tilespmem:s23+$0x10C10] =	vst v25  }
0x286: {  	[tilespmem:s23+$0x10C20] =	vst v27  }
.Ltmp10:
0x287: {  	[tilespmem:s23+$0x10C30] =	vst v28;
	(pc) =	sbr.rel .LBB2_15-.Ltmp10, $4  }
0x288: {  	s22 =	smul.u32 $0x1400, s22;
	[tilespmem:s23+$0x10C40] =	vst v29  }
0x289: {  	[tilespmem:s23+$0x10C50] =	vst v30  }
0x28a: {  	s22 =	sadd.s32 s7, s22;
	[tilespmem:s23+$0x10C60] =	vst v31  }
0x28b: {  	[hbm4b:s22+s4] =	stream.linear.scatter [tilespmem:s16], [sflag:$0x3], $0xA000, $0x38;
	[tilespmem:$0x1C000] =	vst v63  }
.LBB2_17:
0x28c: {  	_ =	sfence.sel $0x180000  }
0x28d: {  	[bflag:$0x0] =	sbarrier.arrive $0xFFFF  }
0x28e: {  	p0 =	sne.s32 s3, $0x0;
	_ =	strace $0x90000047  }
0x28f: {  	s0 =	sadd.s32 @!p0 $0x100000, s0;
	[bflag:$0x2] =	sbarrier.arrive $0xFFFF  }
0x290: {  	[sflag:s0] =	ssyncadd.tile.s32 @!p0 $0x1;
	_ =	shalt  }
.Lfunc_end2:
_tile_overlayer_lowered:
.L_overlay_start_2:
0x291: {  	(tag) =	ssettag $0x2  }
0x292: {  	s0 =	rddreg [dreg:$0x0];
	s2 =	stileid.u32  }
0x293: {  	s1 =	rddreg [dreg:$0x1];
	p0 =	sne.s32 s2, $0x0  }
0x294: {  	s3 =	rddreg [dreg:$0x2];
	[bflag:$0x3] =	sbarrier.arrive $0xFFFF;
	s2 =	simm.s32 @!p0 $0x1C04  }
0x295: {  	[timem:s3], [sflag:s2] =	dma.local @!p0 [hbm:s0], s1  }
0x296: {  	s0 =	simm.s32 @!p0 $0x4  }
0x297: {  	_ =	swait.ge @!p0 [sflag:s0], s1  }
0x298: {  	s1 =	ssub.s32 @!p0 $0x0, s1;
	[sflag:s0] =	ssyncset.done @!p0 $0x0  }
0x299: {  	[sflag:s0] =	ssyncadd.s32 @!p0 s1  }
0x29a: {  	[bflag:$0x3] =	sbarrier.arrive $0xFFFF  }
0x29b: {  	_ =	shalt  }

</sc_bundles>
